<compile_context>
chip_gen: v7x
topology: tpu7x:2x2x1
jax: 0.10.2.dev20260603
libtpu: 0.0.44.dev20260713+nightly
codegen_flags: <defaults>
</compile_context>

<pallas_src>
import functools

import jax
import jax.numpy as jnp
from jax import lax
from jax.experimental import pallas as pl
from jax.experimental.pallas import tpu as pltpu
from jax.experimental.pallas import tpu_sc as plsc

N_NODES = 10000
H = 128
O = 128
N_RELS = 8
N_BASES = 4
N_EDGES = 320000

NC = 2
NS = 16
NW = NC * NS
E_PER_W = N_EDGES // NW
CHUNK = 40
N_CHUNKS = E_PER_W // CHUNK
ACC_ROWS = 10240
ROWS_PER_S = ACC_ROWS // NS


def _make_y(x, V, comp):
    nb = 10
    bm = N_NODES // nb

    def body(comp_ref, v_ref, x_ref, y_ref):
        xb = x_ref[...]
        for r in range(N_RELS):
            w = jnp.sum(comp_ref[r][:, None, None] * v_ref[...], axis=0)
            y_ref[r] = jnp.dot(xb, w, preferred_element_type=jnp.float32)

    return pl.pallas_call(
        body,
        grid=(nb,),
        in_specs=[
            pl.BlockSpec((N_RELS, N_BASES), lambda n: (0, 0)),
            pl.BlockSpec((N_BASES, H, O), lambda n: (0, 0, 0)),
            pl.BlockSpec((bm, H), lambda n: (n, 0)),
        ],
        out_specs=pl.BlockSpec((N_RELS, bm, O), lambda n: (0, n, 0)),
        out_shape=jax.ShapeDtypeStruct((N_RELS, N_NODES, O), jnp.float32),
    )(comp, V, x)


def _sc_aggregate(y, edge_index, edge_type):
    mesh = plsc.VectorSubcoreMesh(core_axis_name="c", subcore_axis_name="s",
                                  num_cores=NC, num_subcores=NS)

    RING = 5

    @functools.partial(
        pl.kernel,
        mesh=mesh,
        compiler_params=pltpu.CompilerParams(use_tc_tiling_on_sc=False,
                                             needs_layout_passes=False),
        out_type=(
            jax.ShapeDtypeStruct((NC, ACC_ROWS, O), jnp.float32),
            jax.ShapeDtypeStruct((NW, ACC_ROWS), jnp.float32),
        ),
        scratch_types=[
            pltpu.VMEM((E_PER_W,), jnp.int32),
            pltpu.VMEM((2000,), jnp.int32),
            pltpu.VMEM((RING * CHUNK + 8,), jnp.int32),
            pltpu.VMEM((RING, CHUNK, O), jnp.float32),
            pltpu.VMEM((ACC_ROWS,), jnp.float32),
            pltpu.VMEM_SHARED((ACC_ROWS, O), jnp.float32),
            pltpu.SemaphoreType.DMA,
            pltpu.SemaphoreType.DMA,
        ],
    )
    def body(y_hbm, ei_hbm, et_hbm, acc_out, deg_out,
             gidx_b, et_b, dst_b, rows_b, hist, acc_sh, gsem, dsem):
        c = lax.axis_index("c")
        s = lax.axis_index("s")
        wid = c * NS + s
        base = s * ROWS_PER_S

        zeros16 = jnp.zeros((16,), jnp.float32)
        ones16 = jnp.ones((16,), jnp.float32)

        def z_rows(i, _):
            rows_b[0, i // 8, pl.ds((i % 8) * 16, 16)] = zeros16
            return 0
        lax.fori_loop(0, CHUNK * (O // 16), z_rows, 0)

        def z_hist(i, _):
            hist[pl.ds(i * 16, 16)] = zeros16
            return 0
        lax.fori_loop(0, ACC_ROWS // 16, z_hist, 0)

        for k in range(ROWS_PER_S // CHUNK):
            pltpu.sync_copy(rows_b.at[0],
                            acc_sh.at[pl.ds(base + k * CHUNK, CHUNK)])

        ebase = wid * E_PER_W
        pltpu.sync_copy(ei_hbm.at[0, pl.ds(ebase, E_PER_W)], gidx_b)
        for blk in range(E_PER_W // 2000):
            pltpu.sync_copy(et_hbm.at[pl.ds(ebase + blk * 2000, 2000)], et_b)

            def gidx(i, _, blk=blk):
                sl = pl.ds(blk * 2000 + i * 16, 16)
                gidx_b[sl] = et_b[pl.ds(i * 16, 16)] * N_NODES + gidx_b[sl]
                return 0
            lax.fori_loop(0, 125, gidx, 0)

        plsc.subcore_barrier()

        for p in range(RING - 1):
            pltpu.async_copy(ei_hbm.at[1, pl.ds(ebase + p * CHUNK, CHUNK)],
                             dst_b.at[pl.ds(p * CHUNK, CHUNK)], dsem)
            pltpu.async_copy(y_hbm.at[gidx_b.at[pl.ds(p * CHUNK, CHUNK)]],
                             rows_b.at[p], gsem)

        mask8 = lax.iota(jnp.int32, 16) < 8

        def hist_chunk(b):
            for i in range(2):
                d = dst_b[pl.ds(b * CHUNK + i * 16, 16)]
                plsc.addupdate_scatter(hist, [d], ones16)
            d = dst_b[pl.ds(b * CHUNK + 32, 16)]
            plsc.addupdate_scatter(hist, [d], ones16, mask=mask8)

        def do_chunk(j, b):
            pltpu.make_async_copy(ei_hbm.at[1, pl.ds(ebase, CHUNK)],
                                  dst_b.at[pl.ds(b * CHUNK, CHUNK)],
                                  dsem).wait()
            pltpu.make_async_copy(
                y_hbm.at[gidx_b.at[pl.ds(0, CHUNK)]], rows_b.at[b],
                gsem).wait()

            hist_chunk(b)

            @pl.when(j + RING - 1 < N_CHUNKS)
            def _():
                jj = j + RING - 1
                nb_ = (b + RING - 1) % RING
                pltpu.async_copy(
                    ei_hbm.at[1, pl.ds(ebase + jj * CHUNK, CHUNK)],
                    dst_b.at[pl.ds(nb_ * CHUNK, CHUNK)], dsem)
                idx = gidx_b.at[pl.ds(jj * CHUNK, CHUNK)]
                pltpu.async_copy(y_hbm.at[idx], rows_b.at[nb_], gsem)

            pltpu.sync_copy(rows_b.at[b],
                            acc_sh.at[dst_b.at[pl.ds(b * CHUNK, CHUNK)]],
                            add=True)

        def outer(t, _):
            for u in range(RING):
                do_chunk(RING * t + u, u)
            return 0
        lax.fori_loop(0, N_CHUNKS // RING, outer, 0)

        for j in range((N_CHUNKS // RING) * RING, N_CHUNKS):
            do_chunk(j, j % RING)

        plsc.subcore_barrier()

        pltpu.sync_copy(acc_sh.at[pl.ds(base, ROWS_PER_S)],
                        acc_out.at[c, pl.ds(base, ROWS_PER_S)])
        pltpu.sync_copy(hist, deg_out.at[wid])

    return body(y, edge_index, edge_type)


def _finalize(acc, deg):
    nb = 5
    bm = ACC_ROWS // nb

    def body(a_ref, d_ref, o_ref):
        d = jnp.sum(d_ref[...], axis=0)[:, None]
        norm = 1.0 / jnp.maximum(d, 1.0)
        o_ref[...] = jnp.maximum((a_ref[0] + a_ref[1]) * norm, 0.0)

    return pl.pallas_call(
        body,
        grid=(nb,),
        in_specs=[
            pl.BlockSpec((NC, bm, O), lambda n: (0, n, 0)),
            pl.BlockSpec((NW, bm), lambda n: (0, n)),
        ],
        out_specs=pl.BlockSpec((bm, O), lambda n: (n, 0)),
        out_shape=jax.ShapeDtypeStruct((N_NODES, O), jnp.float32),
    )(acc, deg)


def kernel(x, edge_index, edge_type, V, comp):
    y = _make_y(x, V, comp).reshape(N_RELS * N_NODES, O)
    acc, deg = _sc_aggregate(y, edge_index.astype(jnp.int32),
                             edge_type.astype(jnp.int32))
    return _finalize(acc, deg)

# --- scband reference (transcript-rebuilt; emitter-appended) ---
"""Pipeline reference for scband-base-rgcn-10402410791330 (READ-ONLY COPY).

The authoritative reference and input builder live on the scoring server;
editing this copy changes nothing except your own understanding.
"""

import jax, jax.numpy as jnp
import numpy as np

NUM_NODES = 10000
H_DIM = 128
OUT_DIM = 128
NUM_RELS = 8
NUM_BASES = 4
N_EDGES = 320000


def setup_inputs(seed: int = 0) -> dict:
    key = jax.random.key(seed)
    k1, k2, k3, k4, k5 = jax.random.split(key, 5)
    x = jax.random.normal(k1, (NUM_NODES, H_DIM), dtype=jnp.float32)
    edge_index = jax.random.randint(k2, (2, N_EDGES), 0, NUM_NODES)
    edge_type = jax.random.randint(k3, (N_EDGES,), 0, NUM_RELS)
    # R-GCN basis-decomposition parameters for the single hidden layer
    V = jax.random.normal(k4, (NUM_BASES, H_DIM, OUT_DIM), dtype=jnp.float32) * (1.0 / np.sqrt(H_DIM))
    comp = jax.random.normal(k5, (NUM_RELS, NUM_BASES), dtype=jnp.float32)
    return {"x": x, "edge_index": edge_index, "edge_type": edge_type, "V": V, "comp": comp}


def reference(x, edge_index, edge_type, V, comp):
    # One R-GCN hidden layer (basis decomposition, ReLU activation, right-norm),
    # matching DGL RelGraphConv used by BaseRGCN subclasses.
    src = edge_index[0]
    dst = edge_index[1]
    E = src.shape[0]
    # right normalization: 1 / in-degree(dst)
    deg = jax.ops.segment_sum(jnp.ones((E,), dtype=jnp.float32), dst, num_segments=NUM_NODES)
    norm = 1.0 / jnp.clip(deg, 1.0)
    h_src = jnp.take(x, src, axis=0)  # gather [E, H_DIM]
    msg = jnp.zeros((E, OUT_DIM), dtype=jnp.float32)
    for r in range(NUM_RELS):
        # W_r = sum_b comp[r, b] * V[b]
        W_r = jnp.einsum('b,bio->io', comp[r], V)
        m = h_src @ W_r
        msg = msg + jnp.where((edge_type == r)[:, None], m, 0.0)
    msg = msg * norm[dst][:, None]
    # scatter-add aggregation over destination nodes
    h = jax.ops.segment_sum(msg, dst, num_segments=NUM_NODES)
    h = jax.nn.relu(h)
    return h

if __name__ == "__main__":
    import jax
    _d = setup_inputs()
    print(jax.jit(kernel)(*tuple(_d.values())))

</pallas_src>

<mosaic_0001>
#map = affine_map<(d0, d1) -> (0, 0)>
#map1 = affine_map<(d0, d1) -> (0)>
#map2 = affine_map<(d0, d1) -> (0, 0, 0)>
module attributes {stable_mosaic.version = 14 : i64} {
  func.func @body(%arg0: i32, %arg1: i32, %arg2: memref<80000x128xf32, #tpu.memory_space<hbm>>, %arg3: memref<2x320000xi32, #tpu.memory_space<hbm>>, %arg4: memref<320000xi32, #tpu.memory_space<hbm>>, %arg5: memref<2x10240x128xf32, #tpu.memory_space<hbm>>, %arg6: memref<32x10240xf32, #tpu.memory_space<hbm>>, %arg7: memref<10000xi32, #tpu.memory_space<vmem>>, %arg8: memref<2000xi32, #tpu.memory_space<vmem>>, %arg9: memref<208xi32, #tpu.memory_space<vmem>>, %arg10: memref<5x40x128xf32, #tpu.memory_space<vmem>>, %arg11: memref<10240xf32, #tpu.memory_space<vmem>>, %arg12: memref<10240x128xf32, #tpu.memory_space<vmem_shared>>, %arg13: memref<!tpu.dma_semaphore, #tpu.memory_space<semaphore_mem>>, %arg14: memref<!tpu.dma_semaphore, #tpu.memory_space<semaphore_mem>>) attributes {dimension_semantics = [#tpu.dimension_semantics<core_parallel>, #tpu.dimension_semantics<subcore_parallel>], iteration_bounds = array<i64: 2, 16>, scalar_prefetch = 0 : i64, scratch_operands = 8 : i64, tpu.core_type = #tpu.core_type<sc_vector_subcore>, window_params = [{transform_indices = #map}, {transform_indices = #map}, {transform_indices = #map1}, {transform_indices = #map2}, {transform_indices = #map}]} {
    %mul3A = arith.constant 16 : i32
    %mul3A_0 = arith.muli %arg0, %mul3A : i32
    %add3A = arith.addi %mul3A_0, %arg1 : i32
    %mul3A_1 = arith.constant 640 : i32
    %mul3A_2 = arith.muli %arg1, %mul3A_1 : i32
    %broadcast_in_dim3A = arith.constant 0.000000e+00 : f32
    %broadcast_in_dim3A_3 = vector.broadcast %broadcast_in_dim3A : f32 to vector<16xf32>
    %broadcast_in_dim3A_4 = arith.constant 1.000000e+00 : f32
    %broadcast_in_dim3A_5 = vector.broadcast %broadcast_in_dim3A_4 : f32 to vector<16xf32>
    %scan3A = arith.constant 0 : i32
    %scan3A_6 = arith.constant 0 : i32
    %scan3A_7 = arith.constant 320 : i32
    %scan3A_8 = arith.addi %scan3A_6, %scan3A_7 : i32
    %scan3A_9 = arith.constant 1 : i32
    %scan3A_10 = scf.for %scan3A_207 = %scan3A_6 to %scan3A_8 step %scan3A_9 iter_args(%scan3A_208 = %scan3A) -> (i32)  : i32 {
      %jit3A = arith.constant 8 : i32
      %div3A = arith.divsi %scan3A_207, %jit3A : i32
      %sign3A = arith.constant 0 : i32
      %sign3A_209 = arith.cmpi sgt, %scan3A_207, %sign3A : i32
      %sign3A_210 = arith.extui %sign3A_209 : i1 to i32
      %sign3A_211 = arith.constant 0 : i32
      %sign3A_212 = arith.cmpi slt, %scan3A_207, %sign3A_211 : i32
      %sign3A_213 = arith.extui %sign3A_212 : i1 to i32
      %sign3A_214 = arith.subi %sign3A_210, %sign3A_213 : i32
      %sign3A_215 = arith.constant 0 : i32
      %sign3A_216 = arith.cmpi sgt, %jit3A, %sign3A_215 : i32
      %sign3A_217 = arith.extui %sign3A_216 : i1 to i32
      %sign3A_218 = arith.constant 0 : i32
      %sign3A_219 = arith.cmpi slt, %jit3A, %sign3A_218 : i32
      %sign3A_220 = arith.extui %sign3A_219 : i1 to i32
      %sign3A_221 = arith.subi %sign3A_217, %sign3A_220 : i32
      %ne3A = arith.cmpi ne, %sign3A_214, %sign3A_221 : i32
      %rem3A = arith.remsi %scan3A_207, %jit3A : i32
      %ne3A_222 = arith.constant 0 : i32
      %ne3A_223 = arith.cmpi ne, %rem3A, %ne3A_222 : i32
      %and3A = arith.andi %ne3A, %ne3A_223 : i1
      %sub3A = arith.constant 1 : i32
      %sub3A_224 = arith.subi %div3A, %sub3A : i32
      %select_n3A = arith.select %and3A, %sub3A_224, %div3A : i32
      %jit3A_225 = arith.constant 8 : i32
      %eq3A = arith.constant 0 : i32
      %eq3A_226 = arith.cmpi eq, %jit3A_225, %eq3A : i32
      %jit3A_227 = arith.constant 1 : i32
      %select_n3A_228 = arith.select %eq3A_226, %jit3A_227, %jit3A_225 : i32
      %rem3A_229 = arith.remsi %scan3A_207, %select_n3A_228 : i32
      %ne3A_230 = arith.constant 0 : i32
      %ne3A_231 = arith.cmpi ne, %rem3A_229, %ne3A_230 : i32
      %lt3A_232 = arith.constant 0 : i32
      %lt3A_233 = arith.cmpi slt, %rem3A_229, %lt3A_232 : i32
      %lt3A_234 = arith.constant 0 : i32
      %lt3A_235 = arith.cmpi slt, %select_n3A_228, %lt3A_234 : i32
      %ne3A_236 = arith.xori %lt3A_233, %lt3A_235 : i1
      %and3A_237 = arith.andi %ne3A_236, %ne3A_231 : i1
      %add3A_238 = arith.addi %rem3A_229, %select_n3A_228 : i32
      %select_n3A_239 = arith.select %and3A_237, %add3A_238, %rem3A_229 : i32
      %mul3A_240 = arith.constant 16 : i32
      %mul3A_241 = arith.muli %select_n3A_239, %mul3A_240 : i32
      %swap3A = arith.constant 0 : i32
      %swap3A_242 = arith.index_cast %swap3A : i32 to index
      %swap3A_243 = arith.index_cast %select_n3A : i32 to index
      %swap3A_244 = arith.index_cast %mul3A_241 : i32 to index
      %swap3A_245 = tpu.vector_load %arg10[%swap3A_242, %swap3A_243, %swap3A_244] {strides = array<i32>} : memref<5x40x128xf32, #tpu.memory_space<vmem>>, vector<16xf32>,
      tpu.vector_store %arg10[%swap3A_242, %swap3A_243, %swap3A_244], %broadcast_in_dim3A_3 {strides = array<i32>} : memref<5x40x128xf32, #tpu.memory_space<vmem>>, vector<16xf32>,
      %scan3A_246 = arith.constant 0 : i32
      scf.yield %scan3A_246 : i32
    }
    %scan3A_11 = arith.constant 320 : i32
    %scan3A_12 = arith.constant 0 : i32
    %scan3A_13 = arith.constant 0 : i32
    %scan3A_14 = arith.constant 640 : i32
    %scan3A_15 = arith.addi %scan3A_13, %scan3A_14 : i32
    %scan3A_16 = arith.constant 1 : i32
    %scan3A_17 = scf.for %scan3A_207 = %scan3A_13 to %scan3A_15 step %scan3A_16 iter_args(%scan3A_208 = %scan3A_12) -> (i32)  : i32 {
      %mul3A_209 = arith.constant 16 : i32
      %mul3A_210 = arith.muli %scan3A_207, %mul3A_209 : i32
      %swap3A = arith.index_cast %mul3A_210 : i32 to index
      %swap3A_211 = tpu.vector_load %arg11[%swap3A] {strides = array<i32>} : memref<10240xf32, #tpu.memory_space<vmem>>, vector<16xf32>,
      tpu.vector_store %arg11[%swap3A], %broadcast_in_dim3A_3 {strides = array<i32>} : memref<10240xf32, #tpu.memory_space<vmem>>, vector<16xf32>,
      %scan3A_212 = arith.constant 0 : i32
      scf.yield %scan3A_212 : i32
    }
    %scan3A_18 = arith.constant 640 : i32
    %add3A_19 = arith.constant 0 : i32
    %add3A_20 = arith.addi %mul3A_2, %add3A_19 : i32
    %run_scoped3A = arith.constant 0 : i32
    "tpu.region"() ({
      %run_scoped3A_207 = tpu.sem_alloc : memref<!tpu.dma_semaphore, #tpu.memory_space<semaphore_mem>>
      %dma_start3A_208 = arith.constant 0 : i32
      %dma_start3A_209 = arith.constant 0 : i32
      %dma_start3A_210 = tpu.memref_slice %arg10[%run_scoped3A, %dma_start3A_208, %dma_start3A_209] : memref<5x40x128xf32, #tpu.memory_space<vmem>> -> memref<1x40x128xf32, #tpu.memory_space<vmem>>
      %dma_start3A_211 = tpu.memref_squeeze %dma_start3A_210 : memref<1x40x128xf32, #tpu.memory_space<vmem>> -> memref<40x128xf32, #tpu.memory_space<vmem>>
      %dma_start3A_212 = arith.constant 0 : i32
      %dma_start3A_213 = tpu.memref_slice %arg12[%add3A_20, %dma_start3A_212] : memref<10240x128xf32, #tpu.memory_space<vmem_shared>> -> memref<40x128xf32, #tpu.memory_space<vmem_shared>>
      %dma_start3A_214 = arith.constant 0 : i32
      %dma_start3A_215 = tpu.memref_slice %arg12[%add3A_20, %dma_start3A_214] : memref<10240x128xf32, #tpu.memory_space<vmem_shared>> -> memref<40x128xf32, #tpu.memory_space<vmem_shared>>
      %dma_start3A_216 = arith.constant 0 : i32
      %dma_start3A_217 = arith.constant 0 : i32
      %dma_start3A_218 = tpu.memref_slice %arg10[%run_scoped3A, %dma_start3A_216, %dma_start3A_217] : memref<5x40x128xf32, #tpu.memory_space<vmem>> -> memref<1x40x128xf32, #tpu.memory_space<vmem>>
      %dma_start3A_219 = tpu.memref_squeeze %dma_start3A_218 : memref<1x40x128xf32, #tpu.memory_space<vmem>> -> memref<40x128xf32, #tpu.memory_space<vmem>>
      tpu.enqueue_dma source(%dma_start3A_219 : memref<40x128xf32, #tpu.memory_space<vmem>>) target(%dma_start3A_215 : memref<40x128xf32, #tpu.memory_space<vmem_shared>>) target_semaphore(%run_scoped3A_207 : memref<!tpu.dma_semaphore, #tpu.memory_space<semaphore_mem>>)
      %dma_wait3A = arith.constant 0 : i32
      %dma_wait3A_220 = arith.constant 0 : i32
      %dma_wait3A_221 = tpu.memref_slice %arg10[%run_scoped3A, %dma_wait3A, %dma_wait3A_220] : memref<5x40x128xf32, #tpu.memory_space<vmem>> -> memref<1x40x128xf32, #tpu.memory_space<vmem>>
      %dma_wait3A_222 = tpu.memref_squeeze %dma_wait3A_221 : memref<1x40x128xf32, #tpu.memory_space<vmem>> -> memref<40x128xf32, #tpu.memory_space<vmem>>
      %dma_wait3A_223 = arith.constant 0 : i32
      %dma_wait3A_224 = tpu.memref_slice %arg12[%add3A_20, %dma_wait3A_223] : memref<10240x128xf32, #tpu.memory_space<vmem_shared>> -> memref<40x128xf32, #tpu.memory_space<vmem_shared>>
      %dma_wait3A_225 = arith.constant 0 : i32
      %dma_wait3A_226 = tpu.memref_slice %arg12[%add3A_20, %dma_wait3A_225] : memref<10240x128xf32, #tpu.memory_space<vmem_shared>> -> memref<40x128xf32, #tpu.memory_space<vmem_shared>>
      %dma_wait3A_227 = arith.constant 0 : i32
      %dma_wait3A_228 = arith.constant 0 : i32
      %dma_wait3A_229 = tpu.memref_slice %arg10[%run_scoped3A, %dma_wait3A_227, %dma_wait3A_228] : memref<5x40x128xf32, #tpu.memory_space<vmem>> -> memref<1x40x128xf32, #tpu.memory_space<vmem>>
      %dma_wait3A_230 = tpu.memref_squeeze %dma_wait3A_229 : memref<1x40x128xf32, #tpu.memory_space<vmem>> -> memref<40x128xf32, #tpu.memory_space<vmem>>
      tpu.wait_dma2 semaphore(%run_scoped3A_207 : memref<!tpu.dma_semaphore, #tpu.memory_space<semaphore_mem>>) src(%dma_wait3A_230 : memref<40x128xf32, #tpu.memory_space<vmem>>) dst(%dma_wait3A_226 : memref<40x128xf32, #tpu.memory_space<vmem_shared>>)
      tpu.yield
    }) : () -> ()
    %add3A_21 = arith.constant 40 : i32
    %add3A_22 = arith.addi %mul3A_2, %add3A_21 : i32
    %run_scoped3A_23 = arith.constant 0 : i32
    "tpu.region"() ({
      %run_scoped3A_207 = tpu.sem_alloc : memref<!tpu.dma_semaphore, #tpu.memory_space<semaphore_mem>>
      %dma_start3A_208 = arith.constant 0 : i32
      %dma_start3A_209 = arith.constant 0 : i32
      %dma_start3A_210 = tpu.memref_slice %arg10[%run_scoped3A_23, %dma_start3A_208, %dma_start3A_209] : memref<5x40x128xf32, #tpu.memory_space<vmem>> -> memref<1x40x128xf32, #tpu.memory_space<vmem>>
      %dma_start3A_211 = tpu.memref_squeeze %dma_start3A_210 : memref<1x40x128xf32, #tpu.memory_space<vmem>> -> memref<40x128xf32, #tpu.memory_space<vmem>>
      %dma_start3A_212 = arith.constant 0 : i32
      %dma_start3A_213 = tpu.memref_slice %arg12[%add3A_22, %dma_start3A_212] : memref<10240x128xf32, #tpu.memory_space<vmem_shared>> -> memref<40x128xf32, #tpu.memory_space<vmem_shared>>
      %dma_start3A_214 = arith.constant 0 : i32
      %dma_start3A_215 = tpu.memref_slice %arg12[%add3A_22, %dma_start3A_214] : memref<10240x128xf32, #tpu.memory_space<vmem_shared>> -> memref<40x128xf32, #tpu.memory_space<vmem_shared>>
      %dma_start3A_216 = arith.constant 0 : i32
      %dma_start3A_217 = arith.constant 0 : i32
      %dma_start3A_218 = tpu.memref_slice %arg10[%run_scoped3A_23, %dma_start3A_216, %dma_start3A_217] : memref<5x40x128xf32, #tpu.memory_space<vmem>> -> memref<1x40x128xf32, #tpu.memory_space<vmem>>
      %dma_start3A_219 = tpu.memref_squeeze %dma_start3A_218 : memref<1x40x128xf32, #tpu.memory_space<vmem>> -> memref<40x128xf32, #tpu.memory_space<vmem>>
      tpu.enqueue_dma source(%dma_start3A_219 : memref<40x128xf32, #tpu.memory_space<vmem>>) target(%dma_start3A_215 : memref<40x128xf32, #tpu.memory_space<vmem_shared>>) target_semaphore(%run_scoped3A_207 : memref<!tpu.dma_semaphore, #tpu.memory_space<semaphore_mem>>)
      %dma_wait3A = arith.constant 0 : i32
      %dma_wait3A_220 = arith.constant 0 : i32
      %dma_wait3A_221 = tpu.memref_slice %arg10[%run_scoped3A_23, %dma_wait3A, %dma_wait3A_220] : memref<5x40x128xf32, #tpu.memory_space<vmem>> -> memref<1x40x128xf32, #tpu.memory_space<vmem>>
      %dma_wait3A_222 = tpu.memref_squeeze %dma_wait3A_221 : memref<1x40x128xf32, #tpu.memory_space<vmem>> -> memref<40x128xf32, #tpu.memory_space<vmem>>
      %dma_wait3A_223 = arith.constant 0 : i32
      %dma_wait3A_224 = tpu.memref_slice %arg12[%add3A_22, %dma_wait3A_223] : memref<10240x128xf32, #tpu.memory_space<vmem_shared>> -> memref<40x128xf32, #tpu.memory_space<vmem_shared>>
      %dma_wait3A_225 = arith.constant 0 : i32
      %dma_wait3A_226 = tpu.memref_slice %arg12[%add3A_22, %dma_wait3A_225] : memref<10240x128xf32, #tpu.memory_space<vmem_shared>> -> memref<40x128xf32, #tpu.memory_space<vmem_shared>>
      %dma_wait3A_227 = arith.constant 0 : i32
      %dma_wait3A_228 = arith.constant 0 : i32
      %dma_wait3A_229 = tpu.memref_slice %arg10[%run_scoped3A_23, %dma_wait3A_227, %dma_wait3A_228] : memref<5x40x128xf32, #tpu.memory_space<vmem>> -> memref<1x40x128xf32, #tpu.memory_space<vmem>>
      %dma_wait3A_230 = tpu.memref_squeeze %dma_wait3A_229 : memref<1x40x128xf32, #tpu.memory_space<vmem>> -> memref<40x128xf32, #tpu.memory_space<vmem>>
      tpu.wait_dma2 semaphore(%run_scoped3A_207 : memref<!tpu.dma_semaphore, #tpu.memory_space<semaphore_mem>>) src(%dma_wait3A_230 : memref<40x128xf32, #tpu.memory_space<vmem>>) dst(%dma_wait3A_226 : memref<40x128xf32, #tpu.memory_space<vmem_shared>>)
      tpu.yield
    }) : () -> ()
    %add3A_24 = arith.constant 80 : i32
    %add3A_25 = arith.addi %mul3A_2, %add3A_24 : i32
    %run_scoped3A_26 = arith.constant 0 : i32
    "tpu.region"() ({
      %run_scoped3A_207 = tpu.sem_alloc : memref<!tpu.dma_semaphore, #tpu.memory_space<semaphore_mem>>
      %dma_start3A_208 = arith.constant 0 : i32
      %dma_start3A_209 = arith.constant 0 : i32
      %dma_start3A_210 = tpu.memref_slice %arg10[%run_scoped3A_26, %dma_start3A_208, %dma_start3A_209] : memref<5x40x128xf32, #tpu.memory_space<vmem>> -> memref<1x40x128xf32, #tpu.memory_space<vmem>>
      %dma_start3A_211 = tpu.memref_squeeze %dma_start3A_210 : memref<1x40x128xf32, #tpu.memory_space<vmem>> -> memref<40x128xf32, #tpu.memory_space<vmem>>
      %dma_start3A_212 = arith.constant 0 : i32
      %dma_start3A_213 = tpu.memref_slice %arg12[%add3A_25, %dma_start3A_212] : memref<10240x128xf32, #tpu.memory_space<vmem_shared>> -> memref<40x128xf32, #tpu.memory_space<vmem_shared>>
      %dma_start3A_214 = arith.constant 0 : i32
      %dma_start3A_215 = tpu.memref_slice %arg12[%add3A_25, %dma_start3A_214] : memref<10240x128xf32, #tpu.memory_space<vmem_shared>> -> memref<40x128xf32, #tpu.memory_space<vmem_shared>>
      %dma_start3A_216 = arith.constant 0 : i32
      %dma_start3A_217 = arith.constant 0 : i32
      %dma_start3A_218 = tpu.memref_slice %arg10[%run_scoped3A_26, %dma_start3A_216, %dma_start3A_217] : memref<5x40x128xf32, #tpu.memory_space<vmem>> -> memref<1x40x128xf32, #tpu.memory_space<vmem>>
      %dma_start3A_219 = tpu.memref_squeeze %dma_start3A_218 : memref<1x40x128xf32, #tpu.memory_space<vmem>> -> memref<40x128xf32, #tpu.memory_space<vmem>>
      tpu.enqueue_dma source(%dma_start3A_219 : memref<40x128xf32, #tpu.memory_space<vmem>>) target(%dma_start3A_215 : memref<40x128xf32, #tpu.memory_space<vmem_shared>>) target_semaphore(%run_scoped3A_207 : memref<!tpu.dma_semaphore, #tpu.memory_space<semaphore_mem>>)
      %dma_wait3A = arith.constant 0 : i32
      %dma_wait3A_220 = arith.constant 0 : i32
      %dma_wait3A_221 = tpu.memref_slice %arg10[%run_scoped3A_26, %dma_wait3A, %dma_wait3A_220] : memref<5x40x128xf32, #tpu.memory_space<vmem>> -> memref<1x40x128xf32, #tpu.memory_space<vmem>>
      %dma_wait3A_222 = tpu.memref_squeeze %dma_wait3A_221 : memref<1x40x128xf32, #tpu.memory_space<vmem>> -> memref<40x128xf32, #tpu.memory_space<vmem>>
      %dma_wait3A_223 = arith.constant 0 : i32
      %dma_wait3A_224 = tpu.memref_slice %arg12[%add3A_25, %dma_wait3A_223] : memref<10240x128xf32, #tpu.memory_space<vmem_shared>> -> memref<40x128xf32, #tpu.memory_space<vmem_shared>>
      %dma_wait3A_225 = arith.constant 0 : i32
      %dma_wait3A_226 = tpu.memref_slice %arg12[%add3A_25, %dma_wait3A_225] : memref<10240x128xf32, #tpu.memory_space<vmem_shared>> -> memref<40x128xf32, #tpu.memory_space<vmem_shared>>
      %dma_wait3A_227 = arith.constant 0 : i32
      %dma_wait3A_228 = arith.constant 0 : i32
      %dma_wait3A_229 = tpu.memref_slice %arg10[%run_scoped3A_26, %dma_wait3A_227, %dma_wait3A_228] : memref<5x40x128xf32, #tpu.memory_space<vmem>> -> memref<1x40x128xf32, #tpu.memory_space<vmem>>
      %dma_wait3A_230 = tpu.memref_squeeze %dma_wait3A_229 : memref<1x40x128xf32, #tpu.memory_space<vmem>> -> memref<40x128xf32, #tpu.memory_space<vmem>>
      tpu.wait_dma2 semaphore(%run_scoped3A_207 : memref<!tpu.dma_semaphore, #tpu.memory_space<semaphore_mem>>) src(%dma_wait3A_230 : memref<40x128xf32, #tpu.memory_space<vmem>>) dst(%dma_wait3A_226 : memref<40x128xf32, #tpu.memory_space<vmem_shared>>)
      tpu.yield
    }) : () -> ()
    %add3A_27 = arith.constant 120 : i32
    %add3A_28 = arith.addi %mul3A_2, %add3A_27 : i32
    %run_scoped3A_29 = arith.constant 0 : i32
    "tpu.region"() ({
      %run_scoped3A_207 = tpu.sem_alloc : memref<!tpu.dma_semaphore, #tpu.memory_space<semaphore_mem>>
      %dma_start3A_208 = arith.constant 0 : i32
      %dma_start3A_209 = arith.constant 0 : i32
      %dma_start3A_210 = tpu.memref_slice %arg10[%run_scoped3A_29, %dma_start3A_208, %dma_start3A_209] : memref<5x40x128xf32, #tpu.memory_space<vmem>> -> memref<1x40x128xf32, #tpu.memory_space<vmem>>
      %dma_start3A_211 = tpu.memref_squeeze %dma_start3A_210 : memref<1x40x128xf32, #tpu.memory_space<vmem>> -> memref<40x128xf32, #tpu.memory_space<vmem>>
      %dma_start3A_212 = arith.constant 0 : i32
      %dma_start3A_213 = tpu.memref_slice %arg12[%add3A_28, %dma_start3A_212] : memref<10240x128xf32, #tpu.memory_space<vmem_shared>> -> memref<40x128xf32, #tpu.memory_space<vmem_shared>>
      %dma_start3A_214 = arith.constant 0 : i32
      %dma_start3A_215 = tpu.memref_slice %arg12[%add3A_28, %dma_start3A_214] : memref<10240x128xf32, #tpu.memory_space<vmem_shared>> -> memref<40x128xf32, #tpu.memory_space<vmem_shared>>
      %dma_start3A_216 = arith.constant 0 : i32
      %dma_start3A_217 = arith.constant 0 : i32
      %dma_start3A_218 = tpu.memref_slice %arg10[%run_scoped3A_29, %dma_start3A_216, %dma_start3A_217] : memref<5x40x128xf32, #tpu.memory_space<vmem>> -> memref<1x40x128xf32, #tpu.memory_space<vmem>>
      %dma_start3A_219 = tpu.memref_squeeze %dma_start3A_218 : memref<1x40x128xf32, #tpu.memory_space<vmem>> -> memref<40x128xf32, #tpu.memory_space<vmem>>
      tpu.enqueue_dma source(%dma_start3A_219 : memref<40x128xf32, #tpu.memory_space<vmem>>) target(%dma_start3A_215 : memref<40x128xf32, #tpu.memory_space<vmem_shared>>) target_semaphore(%run_scoped3A_207 : memref<!tpu.dma_semaphore, #tpu.memory_space<semaphore_mem>>)
      %dma_wait3A = arith.constant 0 : i32
      %dma_wait3A_220 = arith.constant 0 : i32
      %dma_wait3A_221 = tpu.memref_slice %arg10[%run_scoped3A_29, %dma_wait3A, %dma_wait3A_220] : memref<5x40x128xf32, #tpu.memory_space<vmem>> -> memref<1x40x128xf32, #tpu.memory_space<vmem>>
      %dma_wait3A_222 = tpu.memref_squeeze %dma_wait3A_221 : memref<1x40x128xf32, #tpu.memory_space<vmem>> -> memref<40x128xf32, #tpu.memory_space<vmem>>
      %dma_wait3A_223 = arith.constant 0 : i32
      %dma_wait3A_224 = tpu.memref_slice %arg12[%add3A_28, %dma_wait3A_223] : memref<10240x128xf32, #tpu.memory_space<vmem_shared>> -> memref<40x128xf32, #tpu.memory_space<vmem_shared>>
      %dma_wait3A_225 = arith.constant 0 : i32
      %dma_wait3A_226 = tpu.memref_slice %arg12[%add3A_28, %dma_wait3A_225] : memref<10240x128xf32, #tpu.memory_space<vmem_shared>> -> memref<40x128xf32, #tpu.memory_space<vmem_shared>>
      %dma_wait3A_227 = arith.constant 0 : i32
      %dma_wait3A_228 = arith.constant 0 : i32
      %dma_wait3A_229 = tpu.memref_slice %arg10[%run_scoped3A_29, %dma_wait3A_227, %dma_wait3A_228] : memref<5x40x128xf32, #tpu.memory_space<vmem>> -> memref<1x40x128xf32, #tpu.memory_space<vmem>>
      %dma_wait3A_230 = tpu.memref_squeeze %dma_wait3A_229 : memref<1x40x128xf32, #tpu.memory_space<vmem>> -> memref<40x128xf32, #tpu.memory_space<vmem>>
      tpu.wait_dma2 semaphore(%run_scoped3A_207 : memref<!tpu.dma_semaphore, #tpu.memory_space<semaphore_mem>>) src(%dma_wait3A_230 : memref<40x128xf32, #tpu.memory_space<vmem>>) dst(%dma_wait3A_226 : memref<40x128xf32, #tpu.memory_space<vmem_shared>>)
      tpu.yield
    }) : () -> ()
    %add3A_30 = arith.constant 160 : i32
    %add3A_31 = arith.addi %mul3A_2, %add3A_30 : i32
    %run_scoped3A_32 = arith.constant 0 : i32
    "tpu.region"() ({
      %run_scoped3A_207 = tpu.sem_alloc : memref<!tpu.dma_semaphore, #tpu.memory_space<semaphore_mem>>
      %dma_start3A_208 = arith.constant 0 : i32
      %dma_start3A_209 = arith.constant 0 : i32
      %dma_start3A_210 = tpu.memref_slice %arg10[%run_scoped3A_32, %dma_start3A_208, %dma_start3A_209] : memref<5x40x128xf32, #tpu.memory_space<vmem>> -> memref<1x40x128xf32, #tpu.memory_space<vmem>>
      %dma_start3A_211 = tpu.memref_squeeze %dma_start3A_210 : memref<1x40x128xf32, #tpu.memory_space<vmem>> -> memref<40x128xf32, #tpu.memory_space<vmem>>
      %dma_start3A_212 = arith.constant 0 : i32
      %dma_start3A_213 = tpu.memref_slice %arg12[%add3A_31, %dma_start3A_212] : memref<10240x128xf32, #tpu.memory_space<vmem_shared>> -> memref<40x128xf32, #tpu.memory_space<vmem_shared>>
      %dma_start3A_214 = arith.constant 0 : i32
      %dma_start3A_215 = tpu.memref_slice %arg12[%add3A_31, %dma_start3A_214] : memref<10240x128xf32, #tpu.memory_space<vmem_shared>> -> memref<40x128xf32, #tpu.memory_space<vmem_shared>>
      %dma_start3A_216 = arith.constant 0 : i32
      %dma_start3A_217 = arith.constant 0 : i32
      %dma_start3A_218 = tpu.memref_slice %arg10[%run_scoped3A_32, %dma_start3A_216, %dma_start3A_217] : memref<5x40x128xf32, #tpu.memory_space<vmem>> -> memref<1x40x128xf32, #tpu.memory_space<vmem>>
      %dma_start3A_219 = tpu.memref_squeeze %dma_start3A_218 : memref<1x40x128xf32, #tpu.memory_space<vmem>> -> memref<40x128xf32, #tpu.memory_space<vmem>>
      tpu.enqueue_dma source(%dma_start3A_219 : memref<40x128xf32, #tpu.memory_space<vmem>>) target(%dma_start3A_215 : memref<40x128xf32, #tpu.memory_space<vmem_shared>>) target_semaphore(%run_scoped3A_207 : memref<!tpu.dma_semaphore, #tpu.memory_space<semaphore_mem>>)
      %dma_wait3A = arith.constant 0 : i32
      %dma_wait3A_220 = arith.constant 0 : i32
      %dma_wait3A_221 = tpu.memref_slice %arg10[%run_scoped3A_32, %dma_wait3A, %dma_wait3A_220] : memref<5x40x128xf32, #tpu.memory_space<vmem>> -> memref<1x40x128xf32, #tpu.memory_space<vmem>>
      %dma_wait3A_222 = tpu.memref_squeeze %dma_wait3A_221 : memref<1x40x128xf32, #tpu.memory_space<vmem>> -> memref<40x128xf32, #tpu.memory_space<vmem>>
      %dma_wait3A_223 = arith.constant 0 : i32
      %dma_wait3A_224 = tpu.memref_slice %arg12[%add3A_31, %dma_wait3A_223] : memref<10240x128xf32, #tpu.memory_space<vmem_shared>> -> memref<40x128xf32, #tpu.memory_space<vmem_shared>>
      %dma_wait3A_225 = arith.constant 0 : i32
      %dma_wait3A_226 = tpu.memref_slice %arg12[%add3A_31, %dma_wait3A_225] : memref<10240x128xf32, #tpu.memory_space<vmem_shared>> -> memref<40x128xf32, #tpu.memory_space<vmem_shared>>
      %dma_wait3A_227 = arith.constant 0 : i32
      %dma_wait3A_228 = arith.constant 0 : i32
      %dma_wait3A_229 = tpu.memref_slice %arg10[%run_scoped3A_32, %dma_wait3A_227, %dma_wait3A_228] : memref<5x40x128xf32, #tpu.memory_space<vmem>> -> memref<1x40x128xf32, #tpu.memory_space<vmem>>
      %dma_wait3A_230 = tpu.memref_squeeze %dma_wait3A_229 : memref<1x40x128xf32, #tpu.memory_space<vmem>> -> memref<40x128xf32, #tpu.memory_space<vmem>>
      tpu.wait_dma2 semaphore(%run_scoped3A_207 : memref<!tpu.dma_semaphore, #tpu.memory_space<semaphore_mem>>) src(%dma_wait3A_230 : memref<40x128xf32, #tpu.memory_space<vmem>>) dst(%dma_wait3A_226 : memref<40x128xf32, #tpu.memory_space<vmem_shared>>)
      tpu.yield
    }) : () -> ()
    %add3A_33 = arith.constant 200 : i32
    %add3A_34 = arith.addi %mul3A_2, %add3A_33 : i32
    %run_scoped3A_35 = arith.constant 0 : i32
    "tpu.region"() ({
      %run_scoped3A_207 = tpu.sem_alloc : memref<!tpu.dma_semaphore, #tpu.memory_space<semaphore_mem>>
      %dma_start3A_208 = arith.constant 0 : i32
      %dma_start3A_209 = arith.constant 0 : i32
      %dma_start3A_210 = tpu.memref_slice %arg10[%run_scoped3A_35, %dma_start3A_208, %dma_start3A_209] : memref<5x40x128xf32, #tpu.memory_space<vmem>> -> memref<1x40x128xf32, #tpu.memory_space<vmem>>
      %dma_start3A_211 = tpu.memref_squeeze %dma_start3A_210 : memref<1x40x128xf32, #tpu.memory_space<vmem>> -> memref<40x128xf32, #tpu.memory_space<vmem>>
      %dma_start3A_212 = arith.constant 0 : i32
      %dma_start3A_213 = tpu.memref_slice %arg12[%add3A_34, %dma_start3A_212] : memref<10240x128xf32, #tpu.memory_space<vmem_shared>> -> memref<40x128xf32, #tpu.memory_space<vmem_shared>>
      %dma_start3A_214 = arith.constant 0 : i32
      %dma_start3A_215 = tpu.memref_slice %arg12[%add3A_34, %dma_start3A_214] : memref<10240x128xf32, #tpu.memory_space<vmem_shared>> -> memref<40x128xf32, #tpu.memory_space<vmem_shared>>
      %dma_start3A_216 = arith.constant 0 : i32
      %dma_start3A_217 = arith.constant 0 : i32
      %dma_start3A_218 = tpu.memref_slice %arg10[%run_scoped3A_35, %dma_start3A_216, %dma_start3A_217] : memref<5x40x128xf32, #tpu.memory_space<vmem>> -> memref<1x40x128xf32, #tpu.memory_space<vmem>>
      %dma_start3A_219 = tpu.memref_squeeze %dma_start3A_218 : memref<1x40x128xf32, #tpu.memory_space<vmem>> -> memref<40x128xf32, #tpu.memory_space<vmem>>
      tpu.enqueue_dma source(%dma_start3A_219 : memref<40x128xf32, #tpu.memory_space<vmem>>) target(%dma_start3A_215 : memref<40x128xf32, #tpu.memory_space<vmem_shared>>) target_semaphore(%run_scoped3A_207 : memref<!tpu.dma_semaphore, #tpu.memory_space<semaphore_mem>>)
      %dma_wait3A = arith.constant 0 : i32
      %dma_wait3A_220 = arith.constant 0 : i32
      %dma_wait3A_221 = tpu.memref_slice %arg10[%run_scoped3A_35, %dma_wait3A, %dma_wait3A_220] : memref<5x40x128xf32, #tpu.memory_space<vmem>> -> memref<1x40x128xf32, #tpu.memory_space<vmem>>
      %dma_wait3A_222 = tpu.memref_squeeze %dma_wait3A_221 : memref<1x40x128xf32, #tpu.memory_space<vmem>> -> memref<40x128xf32, #tpu.memory_space<vmem>>
      %dma_wait3A_223 = arith.constant 0 : i32
      %dma_wait3A_224 = tpu.memref_slice %arg12[%add3A_34, %dma_wait3A_223] : memref<10240x128xf32, #tpu.memory_space<vmem_shared>> -> memref<40x128xf32, #tpu.memory_space<vmem_shared>>
      %dma_wait3A_225 = arith.constant 0 : i32
      %dma_wait3A_226 = tpu.memref_slice %arg12[%add3A_34, %dma_wait3A_225] : memref<10240x128xf32, #tpu.memory_space<vmem_shared>> -> memref<40x128xf32, #tpu.memory_space<vmem_shared>>
      %dma_wait3A_227 = arith.constant 0 : i32
      %dma_wait3A_228 = arith.constant 0 : i32
      %dma_wait3A_229 = tpu.memref_slice %arg10[%run_scoped3A_35, %dma_wait3A_227, %dma_wait3A_228] : memref<5x40x128xf32, #tpu.memory_space<vmem>> -> memref<1x40x128xf32, #tpu.memory_space<vmem>>
      %dma_wait3A_230 = tpu.memref_squeeze %dma_wait3A_229 : memref<1x40x128xf32, #tpu.memory_space<vmem>> -> memref<40x128xf32, #tpu.memory_space<vmem>>
      tpu.wait_dma2 semaphore(%run_scoped3A_207 : memref<!tpu.dma_semaphore, #tpu.memory_space<semaphore_mem>>) src(%dma_wait3A_230 : memref<40x128xf32, #tpu.memory_space<vmem>>) dst(%dma_wait3A_226 : memref<40x128xf32, #tpu.memory_space<vmem_shared>>)
      tpu.yield
    }) : () -> ()
    %add3A_36 = arith.constant 240 : i32
    %add3A_37 = arith.addi %mul3A_2, %add3A_36 : i32
    %run_scoped3A_38 = arith.constant 0 : i32
    "tpu.region"() ({
      %run_scoped3A_207 = tpu.sem_alloc : memref<!tpu.dma_semaphore, #tpu.memory_space<semaphore_mem>>
      %dma_start3A_208 = arith.constant 0 : i32
      %dma_start3A_209 = arith.constant 0 : i32
      %dma_start3A_210 = tpu.memref_slice %arg10[%run_scoped3A_38, %dma_start3A_208, %dma_start3A_209] : memref<5x40x128xf32, #tpu.memory_space<vmem>> -> memref<1x40x128xf32, #tpu.memory_space<vmem>>
      %dma_start3A_211 = tpu.memref_squeeze %dma_start3A_210 : memref<1x40x128xf32, #tpu.memory_space<vmem>> -> memref<40x128xf32, #tpu.memory_space<vmem>>
      %dma_start3A_212 = arith.constant 0 : i32
      %dma_start3A_213 = tpu.memref_slice %arg12[%add3A_37, %dma_start3A_212] : memref<10240x128xf32, #tpu.memory_space<vmem_shared>> -> memref<40x128xf32, #tpu.memory_space<vmem_shared>>
      %dma_start3A_214 = arith.constant 0 : i32
      %dma_start3A_215 = tpu.memref_slice %arg12[%add3A_37, %dma_start3A_214] : memref<10240x128xf32, #tpu.memory_space<vmem_shared>> -> memref<40x128xf32, #tpu.memory_space<vmem_shared>>
      %dma_start3A_216 = arith.constant 0 : i32
      %dma_start3A_217 = arith.constant 0 : i32
      %dma_start3A_218 = tpu.memref_slice %arg10[%run_scoped3A_38, %dma_start3A_216, %dma_start3A_217] : memref<5x40x128xf32, #tpu.memory_space<vmem>> -> memref<1x40x128xf32, #tpu.memory_space<vmem>>
      %dma_start3A_219 = tpu.memref_squeeze %dma_start3A_218 : memref<1x40x128xf32, #tpu.memory_space<vmem>> -> memref<40x128xf32, #tpu.memory_space<vmem>>
      tpu.enqueue_dma source(%dma_start3A_219 : memref<40x128xf32, #tpu.memory_space<vmem>>) target(%dma_start3A_215 : memref<40x128xf32, #tpu.memory_space<vmem_shared>>) target_semaphore(%run_scoped3A_207 : memref<!tpu.dma_semaphore, #tpu.memory_space<semaphore_mem>>)
      %dma_wait3A = arith.constant 0 : i32
      %dma_wait3A_220 = arith.constant 0 : i32
      %dma_wait3A_221 = tpu.memref_slice %arg10[%run_scoped3A_38, %dma_wait3A, %dma_wait3A_220] : memref<5x40x128xf32, #tpu.memory_space<vmem>> -> memref<1x40x128xf32, #tpu.memory_space<vmem>>
      %dma_wait3A_222 = tpu.memref_squeeze %dma_wait3A_221 : memref<1x40x128xf32, #tpu.memory_space<vmem>> -> memref<40x128xf32, #tpu.memory_space<vmem>>
      %dma_wait3A_223 = arith.constant 0 : i32
      %dma_wait3A_224 = tpu.memref_slice %arg12[%add3A_37, %dma_wait3A_223] : memref<10240x128xf32, #tpu.memory_space<vmem_shared>> -> memref<40x128xf32, #tpu.memory_space<vmem_shared>>
      %dma_wait3A_225 = arith.constant 0 : i32
      %dma_wait3A_226 = tpu.memref_slice %arg12[%add3A_37, %dma_wait3A_225] : memref<10240x128xf32, #tpu.memory_space<vmem_shared>> -> memref<40x128xf32, #tpu.memory_space<vmem_shared>>
      %dma_wait3A_227 = arith.constant 0 : i32
      %dma_wait3A_228 = arith.constant 0 : i32
      %dma_wait3A_229 = tpu.memref_slice %arg10[%run_scoped3A_38, %dma_wait3A_227, %dma_wait3A_228] : memref<5x40x128xf32, #tpu.memory_space<vmem>> -> memref<1x40x128xf32, #tpu.memory_space<vmem>>
      %dma_wait3A_230 = tpu.memref_squeeze %dma_wait3A_229 : memref<1x40x128xf32, #tpu.memory_space<vmem>> -> memref<40x128xf32, #tpu.memory_space<vmem>>
      tpu.wait_dma2 semaphore(%run_scoped3A_207 : memref<!tpu.dma_semaphore, #tpu.memory_space<semaphore_mem>>) src(%dma_wait3A_230 : memref<40x128xf32, #tpu.memory_space<vmem>>) dst(%dma_wait3A_226 : memref<40x128xf32, #tpu.memory_space<vmem_shared>>)
      tpu.yield
    }) : () -> ()
    %add3A_39 = arith.constant 280 : i32
    %add3A_40 = arith.addi %mul3A_2, %add3A_39 : i32
    %run_scoped3A_41 = arith.constant 0 : i32
    "tpu.region"() ({
      %run_scoped3A_207 = tpu.sem_alloc : memref<!tpu.dma_semaphore, #tpu.memory_space<semaphore_mem>>
      %dma_start3A_208 = arith.constant 0 : i32
      %dma_start3A_209 = arith.constant 0 : i32
      %dma_start3A_210 = tpu.memref_slice %arg10[%run_scoped3A_41, %dma_start3A_208, %dma_start3A_209] : memref<5x40x128xf32, #tpu.memory_space<vmem>> -> memref<1x40x128xf32, #tpu.memory_space<vmem>>
      %dma_start3A_211 = tpu.memref_squeeze %dma_start3A_210 : memref<1x40x128xf32, #tpu.memory_space<vmem>> -> memref<40x128xf32, #tpu.memory_space<vmem>>
      %dma_start3A_212 = arith.constant 0 : i32
      %dma_start3A_213 = tpu.memref_slice %arg12[%add3A_40, %dma_start3A_212] : memref<10240x128xf32, #tpu.memory_space<vmem_shared>> -> memref<40x128xf32, #tpu.memory_space<vmem_shared>>
      %dma_start3A_214 = arith.constant 0 : i32
      %dma_start3A_215 = tpu.memref_slice %arg12[%add3A_40, %dma_start3A_214] : memref<10240x128xf32, #tpu.memory_space<vmem_shared>> -> memref<40x128xf32, #tpu.memory_space<vmem_shared>>
      %dma_start3A_216 = arith.constant 0 : i32
      %dma_start3A_217 = arith.constant 0 : i32
      %dma_start3A_218 = tpu.memref_slice %arg10[%run_scoped3A_41, %dma_start3A_216, %dma_start3A_217] : memref<5x40x128xf32, #tpu.memory_space<vmem>> -> memref<1x40x128xf32, #tpu.memory_space<vmem>>
      %dma_start3A_219 = tpu.memref_squeeze %dma_start3A_218 : memref<1x40x128xf32, #tpu.memory_space<vmem>> -> memref<40x128xf32, #tpu.memory_space<vmem>>
      tpu.enqueue_dma source(%dma_start3A_219 : memref<40x128xf32, #tpu.memory_space<vmem>>) target(%dma_start3A_215 : memref<40x128xf32, #tpu.memory_space<vmem_shared>>) target_semaphore(%run_scoped3A_207 : memref<!tpu.dma_semaphore, #tpu.memory_space<semaphore_mem>>)
      %dma_wait3A = arith.constant 0 : i32
      %dma_wait3A_220 = arith.constant 0 : i32
      %dma_wait3A_221 = tpu.memref_slice %arg10[%run_scoped3A_41, %dma_wait3A, %dma_wait3A_220] : memref<5x40x128xf32, #tpu.memory_space<vmem>> -> memref<1x40x128xf32, #tpu.memory_space<vmem>>
      %dma_wait3A_222 = tpu.memref_squeeze %dma_wait3A_221 : memref<1x40x128xf32, #tpu.memory_space<vmem>> -> memref<40x128xf32, #tpu.memory_space<vmem>>
      %dma_wait3A_223 = arith.constant 0 : i32
      %dma_wait3A_224 = tpu.memref_slice %arg12[%add3A_40, %dma_wait3A_223] : memref<10240x128xf32, #tpu.memory_space<vmem_shared>> -> memref<40x128xf32, #tpu.memory_space<vmem_shared>>
      %dma_wait3A_225 = arith.constant 0 : i32
      %dma_wait3A_226 = tpu.memref_slice %arg12[%add3A_40, %dma_wait3A_225] : memref<10240x128xf32, #tpu.memory_space<vmem_shared>> -> memref<40x128xf32, #tpu.memory_space<vmem_shared>>
      %dma_wait3A_227 = arith.constant 0 : i32
      %dma_wait3A_228 = arith.constant 0 : i32
      %dma_wait3A_229 = tpu.memref_slice %arg10[%run_scoped3A_41, %dma_wait3A_227, %dma_wait3A_228] : memref<5x40x128xf32, #tpu.memory_space<vmem>> -> memref<1x40x128xf32, #tpu.memory_space<vmem>>
      %dma_wait3A_230 = tpu.memref_squeeze %dma_wait3A_229 : memref<1x40x128xf32, #tpu.memory_space<vmem>> -> memref<40x128xf32, #tpu.memory_space<vmem>>
      tpu.wait_dma2 semaphore(%run_scoped3A_207 : memref<!tpu.dma_semaphore, #tpu.memory_space<semaphore_mem>>) src(%dma_wait3A_230 : memref<40x128xf32, #tpu.memory_space<vmem>>) dst(%dma_wait3A_226 : memref<40x128xf32, #tpu.memory_space<vmem_shared>>)
      tpu.yield
    }) : () -> ()
    %add3A_42 = arith.constant 320 : i32
    %add3A_43 = arith.addi %mul3A_2, %add3A_42 : i32
    %run_scoped3A_44 = arith.constant 0 : i32
    "tpu.region"() ({
      %run_scoped3A_207 = tpu.sem_alloc : memref<!tpu.dma_semaphore, #tpu.memory_space<semaphore_mem>>
      %dma_start3A_208 = arith.constant 0 : i32
      %dma_start3A_209 = arith.constant 0 : i32
      %dma_start3A_210 = tpu.memref_slice %arg10[%run_scoped3A_44, %dma_start3A_208, %dma_start3A_209] : memref<5x40x128xf32, #tpu.memory_space<vmem>> -> memref<1x40x128xf32, #tpu.memory_space<vmem>>
      %dma_start3A_211 = tpu.memref_squeeze %dma_start3A_210 : memref<1x40x128xf32, #tpu.memory_space<vmem>> -> memref<40x128xf32, #tpu.memory_space<vmem>>
      %dma_start3A_212 = arith.constant 0 : i32
      %dma_start3A_213 = tpu.memref_slice %arg12[%add3A_43, %dma_start3A_212] : memref<10240x128xf32, #tpu.memory_space<vmem_shared>> -> memref<40x128xf32, #tpu.memory_space<vmem_shared>>
      %dma_start3A_214 = arith.constant 0 : i32
      %dma_start3A_215 = tpu.memref_slice %arg12[%add3A_43, %dma_start3A_214] : memref<10240x128xf32, #tpu.memory_space<vmem_shared>> -> memref<40x128xf32, #tpu.memory_space<vmem_shared>>
      %dma_start3A_216 = arith.constant 0 : i32
      %dma_start3A_217 = arith.constant 0 : i32
      %dma_start3A_218 = tpu.memref_slice %arg10[%run_scoped3A_44, %dma_start3A_216, %dma_start3A_217] : memref<5x40x128xf32, #tpu.memory_space<vmem>> -> memref<1x40x128xf32, #tpu.memory_space<vmem>>
      %dma_start3A_219 = tpu.memref_squeeze %dma_start3A_218 : memref<1x40x128xf32, #tpu.memory_space<vmem>> -> memref<40x128xf32, #tpu.memory_space<vmem>>
      tpu.enqueue_dma source(%dma_start3A_219 : memref<40x128xf32, #tpu.memory_space<vmem>>) target(%dma_start3A_215 : memref<40x128xf32, #tpu.memory_space<vmem_shared>>) target_semaphore(%run_scoped3A_207 : memref<!tpu.dma_semaphore, #tpu.memory_space<semaphore_mem>>)
      %dma_wait3A = arith.constant 0 : i32
      %dma_wait3A_220 = arith.constant 0 : i32
      %dma_wait3A_221 = tpu.memref_slice %arg10[%run_scoped3A_44, %dma_wait3A, %dma_wait3A_220] : memref<5x40x128xf32, #tpu.memory_space<vmem>> -> memref<1x40x128xf32, #tpu.memory_space<vmem>>
      %dma_wait3A_222 = tpu.memref_squeeze %dma_wait3A_221 : memref<1x40x128xf32, #tpu.memory_space<vmem>> -> memref<40x128xf32, #tpu.memory_space<vmem>>
      %dma_wait3A_223 = arith.constant 0 : i32
      %dma_wait3A_224 = tpu.memref_slice %arg12[%add3A_43, %dma_wait3A_223] : memref<10240x128xf32, #tpu.memory_space<vmem_shared>> -> memref<40x128xf32, #tpu.memory_space<vmem_shared>>
      %dma_wait3A_225 = arith.constant 0 : i32
      %dma_wait3A_226 = tpu.memref_slice %arg12[%add3A_43, %dma_wait3A_225] : memref<10240x128xf32, #tpu.memory_space<vmem_shared>> -> memref<40x128xf32, #tpu.memory_space<vmem_shared>>
      %dma_wait3A_227 = arith.constant 0 : i32
      %dma_wait3A_228 = arith.constant 0 : i32
      %dma_wait3A_229 = tpu.memref_slice %arg10[%run_scoped3A_44, %dma_wait3A_227, %dma_wait3A_228] : memref<5x40x128xf32, #tpu.memory_space<vmem>> -> memref<1x40x128xf32, #tpu.memory_space<vmem>>
      %dma_wait3A_230 = tpu.memref_squeeze %dma_wait3A_229 : memref<1x40x128xf32, #tpu.memory_space<vmem>> -> memref<40x128xf32, #tpu.memory_space<vmem>>
      tpu.wait_dma2 semaphore(%run_scoped3A_207 : memref<!tpu.dma_semaphore, #tpu.memory_space<semaphore_mem>>) src(%dma_wait3A_230 : memref<40x128xf32, #tpu.memory_space<vmem>>) dst(%dma_wait3A_226 : memref<40x128xf32, #tpu.memory_space<vmem_shared>>)
      tpu.yield
    }) : () -> ()
    %add3A_45 = arith.constant 360 : i32
    %add3A_46 = arith.addi %mul3A_2, %add3A_45 : i32
    %run_scoped3A_47 = arith.constant 0 : i32
    "tpu.region"() ({
      %run_scoped3A_207 = tpu.sem_alloc : memref<!tpu.dma_semaphore, #tpu.memory_space<semaphore_mem>>
      %dma_start3A_208 = arith.constant 0 : i32
      %dma_start3A_209 = arith.constant 0 : i32
      %dma_start3A_210 = tpu.memref_slice %arg10[%run_scoped3A_47, %dma_start3A_208, %dma_start3A_209] : memref<5x40x128xf32, #tpu.memory_space<vmem>> -> memref<1x40x128xf32, #tpu.memory_space<vmem>>
      %dma_start3A_211 = tpu.memref_squeeze %dma_start3A_210 : memref<1x40x128xf32, #tpu.memory_space<vmem>> -> memref<40x128xf32, #tpu.memory_space<vmem>>
      %dma_start3A_212 = arith.constant 0 : i32
      %dma_start3A_213 = tpu.memref_slice %arg12[%add3A_46, %dma_start3A_212] : memref<10240x128xf32, #tpu.memory_space<vmem_shared>> -> memref<40x128xf32, #tpu.memory_space<vmem_shared>>
      %dma_start3A_214 = arith.constant 0 : i32
      %dma_start3A_215 = tpu.memref_slice %arg12[%add3A_46, %dma_start3A_214] : memref<10240x128xf32, #tpu.memory_space<vmem_shared>> -> memref<40x128xf32, #tpu.memory_space<vmem_shared>>
      %dma_start3A_216 = arith.constant 0 : i32
      %dma_start3A_217 = arith.constant 0 : i32
      %dma_start3A_218 = tpu.memref_slice %arg10[%run_scoped3A_47, %dma_start3A_216, %dma_start3A_217] : memref<5x40x128xf32, #tpu.memory_space<vmem>> -> memref<1x40x128xf32, #tpu.memory_space<vmem>>
      %dma_start3A_219 = tpu.memref_squeeze %dma_start3A_218 : memref<1x40x128xf32, #tpu.memory_space<vmem>> -> memref<40x128xf32, #tpu.memory_space<vmem>>
      tpu.enqueue_dma source(%dma_start3A_219 : memref<40x128xf32, #tpu.memory_space<vmem>>) target(%dma_start3A_215 : memref<40x128xf32, #tpu.memory_space<vmem_shared>>) target_semaphore(%run_scoped3A_207 : memref<!tpu.dma_semaphore, #tpu.memory_space<semaphore_mem>>)
      %dma_wait3A = arith.constant 0 : i32
      %dma_wait3A_220 = arith.constant 0 : i32
      %dma_wait3A_221 = tpu.memref_slice %arg10[%run_scoped3A_47, %dma_wait3A, %dma_wait3A_220] : memref<5x40x128xf32, #tpu.memory_space<vmem>> -> memref<1x40x128xf32, #tpu.memory_space<vmem>>
      %dma_wait3A_222 = tpu.memref_squeeze %dma_wait3A_221 : memref<1x40x128xf32, #tpu.memory_space<vmem>> -> memref<40x128xf32, #tpu.memory_space<vmem>>
      %dma_wait3A_223 = arith.constant 0 : i32
      %dma_wait3A_224 = tpu.memref_slice %arg12[%add3A_46, %dma_wait3A_223] : memref<10240x128xf32, #tpu.memory_space<vmem_shared>> -> memref<40x128xf32, #tpu.memory_space<vmem_shared>>
      %dma_wait3A_225 = arith.constant 0 : i32
      %dma_wait3A_226 = tpu.memref_slice %arg12[%add3A_46, %dma_wait3A_225] : memref<10240x128xf32, #tpu.memory_space<vmem_shared>> -> memref<40x128xf32, #tpu.memory_space<vmem_shared>>
      %dma_wait3A_227 = arith.constant 0 : i32
      %dma_wait3A_228 = arith.constant 0 : i32
      %dma_wait3A_229 = tpu.memref_slice %arg10[%run_scoped3A_47, %dma_wait3A_227, %dma_wait3A_228] : memref<5x40x128xf32, #tpu.memory_space<vmem>> -> memref<1x40x128xf32, #tpu.memory_space<vmem>>
      %dma_wait3A_230 = tpu.memref_squeeze %dma_wait3A_229 : memref<1x40x128xf32, #tpu.memory_space<vmem>> -> memref<40x128xf32, #tpu.memory_space<vmem>>
      tpu.wait_dma2 semaphore(%run_scoped3A_207 : memref<!tpu.dma_semaphore, #tpu.memory_space<semaphore_mem>>) src(%dma_wait3A_230 : memref<40x128xf32, #tpu.memory_space<vmem>>) dst(%dma_wait3A_226 : memref<40x128xf32, #tpu.memory_space<vmem_shared>>)
      tpu.yield
    }) : () -> ()
    %add3A_48 = arith.constant 400 : i32
    %add3A_49 = arith.addi %mul3A_2, %add3A_48 : i32
    %run_scoped3A_50 = arith.constant 0 : i32
    "tpu.region"() ({
      %run_scoped3A_207 = tpu.sem_alloc : memref<!tpu.dma_semaphore, #tpu.memory_space<semaphore_mem>>
      %dma_start3A_208 = arith.constant 0 : i32
      %dma_start3A_209 = arith.constant 0 : i32
      %dma_start3A_210 = tpu.memref_slice %arg10[%run_scoped3A_50, %dma_start3A_208, %dma_start3A_209] : memref<5x40x128xf32, #tpu.memory_space<vmem>> -> memref<1x40x128xf32, #tpu.memory_space<vmem>>
      %dma_start3A_211 = tpu.memref_squeeze %dma_start3A_210 : memref<1x40x128xf32, #tpu.memory_space<vmem>> -> memref<40x128xf32, #tpu.memory_space<vmem>>
      %dma_start3A_212 = arith.constant 0 : i32
      %dma_start3A_213 = tpu.memref_slice %arg12[%add3A_49, %dma_start3A_212] : memref<10240x128xf32, #tpu.memory_space<vmem_shared>> -> memref<40x128xf32, #tpu.memory_space<vmem_shared>>
      %dma_start3A_214 = arith.constant 0 : i32
      %dma_start3A_215 = tpu.memref_slice %arg12[%add3A_49, %dma_start3A_214] : memref<10240x128xf32, #tpu.memory_space<vmem_shared>> -> memref<40x128xf32, #tpu.memory_space<vmem_shared>>
      %dma_start3A_216 = arith.constant 0 : i32
      %dma_start3A_217 = arith.constant 0 : i32
      %dma_start3A_218 = tpu.memref_slice %arg10[%run_scoped3A_50, %dma_start3A_216, %dma_start3A_217] : memref<5x40x128xf32, #tpu.memory_space<vmem>> -> memref<1x40x128xf32, #tpu.memory_space<vmem>>
      %dma_start3A_219 = tpu.memref_squeeze %dma_start3A_218 : memref<1x40x128xf32, #tpu.memory_space<vmem>> -> memref<40x128xf32, #tpu.memory_space<vmem>>
      tpu.enqueue_dma source(%dma_start3A_219 : memref<40x128xf32, #tpu.memory_space<vmem>>) target(%dma_start3A_215 : memref<40x128xf32, #tpu.memory_space<vmem_shared>>) target_semaphore(%run_scoped3A_207 : memref<!tpu.dma_semaphore, #tpu.memory_space<semaphore_mem>>)
      %dma_wait3A = arith.constant 0 : i32
      %dma_wait3A_220 = arith.constant 0 : i32
      %dma_wait3A_221 = tpu.memref_slice %arg10[%run_scoped3A_50, %dma_wait3A, %dma_wait3A_220] : memref<5x40x128xf32, #tpu.memory_space<vmem>> -> memref<1x40x128xf32, #tpu.memory_space<vmem>>
      %dma_wait3A_222 = tpu.memref_squeeze %dma_wait3A_221 : memref<1x40x128xf32, #tpu.memory_space<vmem>> -> memref<40x128xf32, #tpu.memory_space<vmem>>
      %dma_wait3A_223 = arith.constant 0 : i32
      %dma_wait3A_224 = tpu.memref_slice %arg12[%add3A_49, %dma_wait3A_223] : memref<10240x128xf32, #tpu.memory_space<vmem_shared>> -> memref<40x128xf32, #tpu.memory_space<vmem_shared>>
      %dma_wait3A_225 = arith.constant 0 : i32
      %dma_wait3A_226 = tpu.memref_slice %arg12[%add3A_49, %dma_wait3A_225] : memref<10240x128xf32, #tpu.memory_space<vmem_shared>> -> memref<40x128xf32, #tpu.memory_space<vmem_shared>>
      %dma_wait3A_227 = arith.constant 0 : i32
      %dma_wait3A_228 = arith.constant 0 : i32
      %dma_wait3A_229 = tpu.memref_slice %arg10[%run_scoped3A_50, %dma_wait3A_227, %dma_wait3A_228] : memref<5x40x128xf32, #tpu.memory_space<vmem>> -> memref<1x40x128xf32, #tpu.memory_space<vmem>>
      %dma_wait3A_230 = tpu.memref_squeeze %dma_wait3A_229 : memref<1x40x128xf32, #tpu.memory_space<vmem>> -> memref<40x128xf32, #tpu.memory_space<vmem>>
      tpu.wait_dma2 semaphore(%run_scoped3A_207 : memref<!tpu.dma_semaphore, #tpu.memory_space<semaphore_mem>>) src(%dma_wait3A_230 : memref<40x128xf32, #tpu.memory_space<vmem>>) dst(%dma_wait3A_226 : memref<40x128xf32, #tpu.memory_space<vmem_shared>>)
      tpu.yield
    }) : () -> ()
    %add3A_51 = arith.constant 440 : i32
    %add3A_52 = arith.addi %mul3A_2, %add3A_51 : i32
    %run_scoped3A_53 = arith.constant 0 : i32
    "tpu.region"() ({
      %run_scoped3A_207 = tpu.sem_alloc : memref<!tpu.dma_semaphore, #tpu.memory_space<semaphore_mem>>
      %dma_start3A_208 = arith.constant 0 : i32
      %dma_start3A_209 = arith.constant 0 : i32
      %dma_start3A_210 = tpu.memref_slice %arg10[%run_scoped3A_53, %dma_start3A_208, %dma_start3A_209] : memref<5x40x128xf32, #tpu.memory_space<vmem>> -> memref<1x40x128xf32, #tpu.memory_space<vmem>>
      %dma_start3A_211 = tpu.memref_squeeze %dma_start3A_210 : memref<1x40x128xf32, #tpu.memory_space<vmem>> -> memref<40x128xf32, #tpu.memory_space<vmem>>
      %dma_start3A_212 = arith.constant 0 : i32
      %dma_start3A_213 = tpu.memref_slice %arg12[%add3A_52, %dma_start3A_212] : memref<10240x128xf32, #tpu.memory_space<vmem_shared>> -> memref<40x128xf32, #tpu.memory_space<vmem_shared>>
      %dma_start3A_214 = arith.constant 0 : i32
      %dma_start3A_215 = tpu.memref_slice %arg12[%add3A_52, %dma_start3A_214] : memref<10240x128xf32, #tpu.memory_space<vmem_shared>> -> memref<40x128xf32, #tpu.memory_space<vmem_shared>>
      %dma_start3A_216 = arith.constant 0 : i32
      %dma_start3A_217 = arith.constant 0 : i32
      %dma_start3A_218 = tpu.memref_slice %arg10[%run_scoped3A_53, %dma_start3A_216, %dma_start3A_217] : memref<5x40x128xf32, #tpu.memory_space<vmem>> -> memref<1x40x128xf32, #tpu.memory_space<vmem>>
      %dma_start3A_219 = tpu.memref_squeeze %dma_start3A_218 : memref<1x40x128xf32, #tpu.memory_space<vmem>> -> memref<40x128xf32, #tpu.memory_space<vmem>>
      tpu.enqueue_dma source(%dma_start3A_219 : memref<40x128xf32, #tpu.memory_space<vmem>>) target(%dma_start3A_215 : memref<40x128xf32, #tpu.memory_space<vmem_shared>>) target_semaphore(%run_scoped3A_207 : memref<!tpu.dma_semaphore, #tpu.memory_space<semaphore_mem>>)
      %dma_wait3A = arith.constant 0 : i32
      %dma_wait3A_220 = arith.constant 0 : i32
      %dma_wait3A_221 = tpu.memref_slice %arg10[%run_scoped3A_53, %dma_wait3A, %dma_wait3A_220] : memref<5x40x128xf32, #tpu.memory_space<vmem>> -> memref<1x40x128xf32, #tpu.memory_space<vmem>>
      %dma_wait3A_222 = tpu.memref_squeeze %dma_wait3A_221 : memref<1x40x128xf32, #tpu.memory_space<vmem>> -> memref<40x128xf32, #tpu.memory_space<vmem>>
      %dma_wait3A_223 = arith.constant 0 : i32
      %dma_wait3A_224 = tpu.memref_slice %arg12[%add3A_52, %dma_wait3A_223] : memref<10240x128xf32, #tpu.memory_space<vmem_shared>> -> memref<40x128xf32, #tpu.memory_space<vmem_shared>>
      %dma_wait3A_225 = arith.constant 0 : i32
      %dma_wait3A_226 = tpu.memref_slice %arg12[%add3A_52, %dma_wait3A_225] : memref<10240x128xf32, #tpu.memory_space<vmem_shared>> -> memref<40x128xf32, #tpu.memory_space<vmem_shared>>
      %dma_wait3A_227 = arith.constant 0 : i32
      %dma_wait3A_228 = arith.constant 0 : i32
      %dma_wait3A_229 = tpu.memref_slice %arg10[%run_scoped3A_53, %dma_wait3A_227, %dma_wait3A_228] : memref<5x40x128xf32, #tpu.memory_space<vmem>> -> memref<1x40x128xf32, #tpu.memory_space<vmem>>
      %dma_wait3A_230 = tpu.memref_squeeze %dma_wait3A_229 : memref<1x40x128xf32, #tpu.memory_space<vmem>> -> memref<40x128xf32, #tpu.memory_space<vmem>>
      tpu.wait_dma2 semaphore(%run_scoped3A_207 : memref<!tpu.dma_semaphore, #tpu.memory_space<semaphore_mem>>) src(%dma_wait3A_230 : memref<40x128xf32, #tpu.memory_space<vmem>>) dst(%dma_wait3A_226 : memref<40x128xf32, #tpu.memory_space<vmem_shared>>)
      tpu.yield
    }) : () -> ()
    %add3A_54 = arith.constant 480 : i32
    %add3A_55 = arith.addi %mul3A_2, %add3A_54 : i32
    %run_scoped3A_56 = arith.constant 0 : i32
    "tpu.region"() ({
      %run_scoped3A_207 = tpu.sem_alloc : memref<!tpu.dma_semaphore, #tpu.memory_space<semaphore_mem>>
      %dma_start3A_208 = arith.constant 0 : i32
      %dma_start3A_209 = arith.constant 0 : i32
      %dma_start3A_210 = tpu.memref_slice %arg10[%run_scoped3A_56, %dma_start3A_208, %dma_start3A_209] : memref<5x40x128xf32, #tpu.memory_space<vmem>> -> memref<1x40x128xf32, #tpu.memory_space<vmem>>
      %dma_start3A_211 = tpu.memref_squeeze %dma_start3A_210 : memref<1x40x128xf32, #tpu.memory_space<vmem>> -> memref<40x128xf32, #tpu.memory_space<vmem>>
      %dma_start3A_212 = arith.constant 0 : i32
      %dma_start3A_213 = tpu.memref_slice %arg12[%add3A_55, %dma_start3A_212] : memref<10240x128xf32, #tpu.memory_space<vmem_shared>> -> memref<40x128xf32, #tpu.memory_space<vmem_shared>>
      %dma_start3A_214 = arith.constant 0 : i32
      %dma_start3A_215 = tpu.memref_slice %arg12[%add3A_55, %dma_start3A_214] : memref<10240x128xf32, #tpu.memory_space<vmem_shared>> -> memref<40x128xf32, #tpu.memory_space<vmem_shared>>
      %dma_start3A_216 = arith.constant 0 : i32
      %dma_start3A_217 = arith.constant 0 : i32
      %dma_start3A_218 = tpu.memref_slice %arg10[%run_scoped3A_56, %dma_start3A_216, %dma_start3A_217] : memref<5x40x128xf32, #tpu.memory_space<vmem>> -> memref<1x40x128xf32, #tpu.memory_space<vmem>>
      %dma_start3A_219 = tpu.memref_squeeze %dma_start3A_218 : memref<1x40x128xf32, #tpu.memory_space<vmem>> -> memref<40x128xf32, #tpu.memory_space<vmem>>
      tpu.enqueue_dma source(%dma_start3A_219 : memref<40x128xf32, #tpu.memory_space<vmem>>) target(%dma_start3A_215 : memref<40x128xf32, #tpu.memory_space<vmem_shared>>) target_semaphore(%run_scoped3A_207 : memref<!tpu.dma_semaphore, #tpu.memory_space<semaphore_mem>>)
      %dma_wait3A = arith.constant 0 : i32
      %dma_wait3A_220 = arith.constant 0 : i32
      %dma_wait3A_221 = tpu.memref_slice %arg10[%run_scoped3A_56, %dma_wait3A, %dma_wait3A_220] : memref<5x40x128xf32, #tpu.memory_space<vmem>> -> memref<1x40x128xf32, #tpu.memory_space<vmem>>
      %dma_wait3A_222 = tpu.memref_squeeze %dma_wait3A_221 : memref<1x40x128xf32, #tpu.memory_space<vmem>> -> memref<40x128xf32, #tpu.memory_space<vmem>>
      %dma_wait3A_223 = arith.constant 0 : i32
      %dma_wait3A_224 = tpu.memref_slice %arg12[%add3A_55, %dma_wait3A_223] : memref<10240x128xf32, #tpu.memory_space<vmem_shared>> -> memref<40x128xf32, #tpu.memory_space<vmem_shared>>
      %dma_wait3A_225 = arith.constant 0 : i32
      %dma_wait3A_226 = tpu.memref_slice %arg12[%add3A_55, %dma_wait3A_225] : memref<10240x128xf32, #tpu.memory_space<vmem_shared>> -> memref<40x128xf32, #tpu.memory_space<vmem_shared>>
      %dma_wait3A_227 = arith.constant 0 : i32
      %dma_wait3A_228 = arith.constant 0 : i32
      %dma_wait3A_229 = tpu.memref_slice %arg10[%run_scoped3A_56, %dma_wait3A_227, %dma_wait3A_228] : memref<5x40x128xf32, #tpu.memory_space<vmem>> -> memref<1x40x128xf32, #tpu.memory_space<vmem>>
      %dma_wait3A_230 = tpu.memref_squeeze %dma_wait3A_229 : memref<1x40x128xf32, #tpu.memory_space<vmem>> -> memref<40x128xf32, #tpu.memory_space<vmem>>
      tpu.wait_dma2 semaphore(%run_scoped3A_207 : memref<!tpu.dma_semaphore, #tpu.memory_space<semaphore_mem>>) src(%dma_wait3A_230 : memref<40x128xf32, #tpu.memory_space<vmem>>) dst(%dma_wait3A_226 : memref<40x128xf32, #tpu.memory_space<vmem_shared>>)
      tpu.yield
    }) : () -> ()
    %add3A_57 = arith.constant 520 : i32
    %add3A_58 = arith.addi %mul3A_2, %add3A_57 : i32
    %run_scoped3A_59 = arith.constant 0 : i32
    "tpu.region"() ({
      %run_scoped3A_207 = tpu.sem_alloc : memref<!tpu.dma_semaphore, #tpu.memory_space<semaphore_mem>>
      %dma_start3A_208 = arith.constant 0 : i32
      %dma_start3A_209 = arith.constant 0 : i32
      %dma_start3A_210 = tpu.memref_slice %arg10[%run_scoped3A_59, %dma_start3A_208, %dma_start3A_209] : memref<5x40x128xf32, #tpu.memory_space<vmem>> -> memref<1x40x128xf32, #tpu.memory_space<vmem>>
      %dma_start3A_211 = tpu.memref_squeeze %dma_start3A_210 : memref<1x40x128xf32, #tpu.memory_space<vmem>> -> memref<40x128xf32, #tpu.memory_space<vmem>>
      %dma_start3A_212 = arith.constant 0 : i32
      %dma_start3A_213 = tpu.memref_slice %arg12[%add3A_58, %dma_start3A_212] : memref<10240x128xf32, #tpu.memory_space<vmem_shared>> -> memref<40x128xf32, #tpu.memory_space<vmem_shared>>
      %dma_start3A_214 = arith.constant 0 : i32
      %dma_start3A_215 = tpu.memref_slice %arg12[%add3A_58, %dma_start3A_214] : memref<10240x128xf32, #tpu.memory_space<vmem_shared>> -> memref<40x128xf32, #tpu.memory_space<vmem_shared>>
      %dma_start3A_216 = arith.constant 0 : i32
      %dma_start3A_217 = arith.constant 0 : i32
      %dma_start3A_218 = tpu.memref_slice %arg10[%run_scoped3A_59, %dma_start3A_216, %dma_start3A_217] : memref<5x40x128xf32, #tpu.memory_space<vmem>> -> memref<1x40x128xf32, #tpu.memory_space<vmem>>
      %dma_start3A_219 = tpu.memref_squeeze %dma_start3A_218 : memref<1x40x128xf32, #tpu.memory_space<vmem>> -> memref<40x128xf32, #tpu.memory_space<vmem>>
      tpu.enqueue_dma source(%dma_start3A_219 : memref<40x128xf32, #tpu.memory_space<vmem>>) target(%dma_start3A_215 : memref<40x128xf32, #tpu.memory_space<vmem_shared>>) target_semaphore(%run_scoped3A_207 : memref<!tpu.dma_semaphore, #tpu.memory_space<semaphore_mem>>)
      %dma_wait3A = arith.constant 0 : i32
      %dma_wait3A_220 = arith.constant 0 : i32
      %dma_wait3A_221 = tpu.memref_slice %arg10[%run_scoped3A_59, %dma_wait3A, %dma_wait3A_220] : memref<5x40x128xf32, #tpu.memory_space<vmem>> -> memref<1x40x128xf32, #tpu.memory_space<vmem>>
      %dma_wait3A_222 = tpu.memref_squeeze %dma_wait3A_221 : memref<1x40x128xf32, #tpu.memory_space<vmem>> -> memref<40x128xf32, #tpu.memory_space<vmem>>
      %dma_wait3A_223 = arith.constant 0 : i32
      %dma_wait3A_224 = tpu.memref_slice %arg12[%add3A_58, %dma_wait3A_223] : memref<10240x128xf32, #tpu.memory_space<vmem_shared>> -> memref<40x128xf32, #tpu.memory_space<vmem_shared>>
      %dma_wait3A_225 = arith.constant 0 : i32
      %dma_wait3A_226 = tpu.memref_slice %arg12[%add3A_58, %dma_wait3A_225] : memref<10240x128xf32, #tpu.memory_space<vmem_shared>> -> memref<40x128xf32, #tpu.memory_space<vmem_shared>>
      %dma_wait3A_227 = arith.constant 0 : i32
      %dma_wait3A_228 = arith.constant 0 : i32
      %dma_wait3A_229 = tpu.memref_slice %arg10[%run_scoped3A_59, %dma_wait3A_227, %dma_wait3A_228] : memref<5x40x128xf32, #tpu.memory_space<vmem>> -> memref<1x40x128xf32, #tpu.memory_space<vmem>>
      %dma_wait3A_230 = tpu.memref_squeeze %dma_wait3A_229 : memref<1x40x128xf32, #tpu.memory_space<vmem>> -> memref<40x128xf32, #tpu.memory_space<vmem>>
      tpu.wait_dma2 semaphore(%run_scoped3A_207 : memref<!tpu.dma_semaphore, #tpu.memory_space<semaphore_mem>>) src(%dma_wait3A_230 : memref<40x128xf32, #tpu.memory_space<vmem>>) dst(%dma_wait3A_226 : memref<40x128xf32, #tpu.memory_space<vmem_shared>>)
      tpu.yield
    }) : () -> ()
    %add3A_60 = arith.constant 560 : i32
    %add3A_61 = arith.addi %mul3A_2, %add3A_60 : i32
    %run_scoped3A_62 = arith.constant 0 : i32
    "tpu.region"() ({
      %run_scoped3A_207 = tpu.sem_alloc : memref<!tpu.dma_semaphore, #tpu.memory_space<semaphore_mem>>
      %dma_start3A_208 = arith.constant 0 : i32
      %dma_start3A_209 = arith.constant 0 : i32
      %dma_start3A_210 = tpu.memref_slice %arg10[%run_scoped3A_62, %dma_start3A_208, %dma_start3A_209] : memref<5x40x128xf32, #tpu.memory_space<vmem>> -> memref<1x40x128xf32, #tpu.memory_space<vmem>>
      %dma_start3A_211 = tpu.memref_squeeze %dma_start3A_210 : memref<1x40x128xf32, #tpu.memory_space<vmem>> -> memref<40x128xf32, #tpu.memory_space<vmem>>
      %dma_start3A_212 = arith.constant 0 : i32
      %dma_start3A_213 = tpu.memref_slice %arg12[%add3A_61, %dma_start3A_212] : memref<10240x128xf32, #tpu.memory_space<vmem_shared>> -> memref<40x128xf32, #tpu.memory_space<vmem_shared>>
      %dma_start3A_214 = arith.constant 0 : i32
      %dma_start3A_215 = tpu.memref_slice %arg12[%add3A_61, %dma_start3A_214] : memref<10240x128xf32, #tpu.memory_space<vmem_shared>> -> memref<40x128xf32, #tpu.memory_space<vmem_shared>>
      %dma_start3A_216 = arith.constant 0 : i32
      %dma_start3A_217 = arith.constant 0 : i32
      %dma_start3A_218 = tpu.memref_slice %arg10[%run_scoped3A_62, %dma_start3A_216, %dma_start3A_217] : memref<5x40x128xf32, #tpu.memory_space<vmem>> -> memref<1x40x128xf32, #tpu.memory_space<vmem>>
      %dma_start3A_219 = tpu.memref_squeeze %dma_start3A_218 : memref<1x40x128xf32, #tpu.memory_space<vmem>> -> memref<40x128xf32, #tpu.memory_space<vmem>>
      tpu.enqueue_dma source(%dma_start3A_219 : memref<40x128xf32, #tpu.memory_space<vmem>>) target(%dma_start3A_215 : memref<40x128xf32, #tpu.memory_space<vmem_shared>>) target_semaphore(%run_scoped3A_207 : memref<!tpu.dma_semaphore, #tpu.memory_space<semaphore_mem>>)
      %dma_wait3A = arith.constant 0 : i32
      %dma_wait3A_220 = arith.constant 0 : i32
      %dma_wait3A_221 = tpu.memref_slice %arg10[%run_scoped3A_62, %dma_wait3A, %dma_wait3A_220] : memref<5x40x128xf32, #tpu.memory_space<vmem>> -> memref<1x40x128xf32, #tpu.memory_space<vmem>>
      %dma_wait3A_222 = tpu.memref_squeeze %dma_wait3A_221 : memref<1x40x128xf32, #tpu.memory_space<vmem>> -> memref<40x128xf32, #tpu.memory_space<vmem>>
      %dma_wait3A_223 = arith.constant 0 : i32
      %dma_wait3A_224 = tpu.memref_slice %arg12[%add3A_61, %dma_wait3A_223] : memref<10240x128xf32, #tpu.memory_space<vmem_shared>> -> memref<40x128xf32, #tpu.memory_space<vmem_shared>>
      %dma_wait3A_225 = arith.constant 0 : i32
      %dma_wait3A_226 = tpu.memref_slice %arg12[%add3A_61, %dma_wait3A_225] : memref<10240x128xf32, #tpu.memory_space<vmem_shared>> -> memref<40x128xf32, #tpu.memory_space<vmem_shared>>
      %dma_wait3A_227 = arith.constant 0 : i32
      %dma_wait3A_228 = arith.constant 0 : i32
      %dma_wait3A_229 = tpu.memref_slice %arg10[%run_scoped3A_62, %dma_wait3A_227, %dma_wait3A_228] : memref<5x40x128xf32, #tpu.memory_space<vmem>> -> memref<1x40x128xf32, #tpu.memory_space<vmem>>
      %dma_wait3A_230 = tpu.memref_squeeze %dma_wait3A_229 : memref<1x40x128xf32, #tpu.memory_space<vmem>> -> memref<40x128xf32, #tpu.memory_space<vmem>>
      tpu.wait_dma2 semaphore(%run_scoped3A_207 : memref<!tpu.dma_semaphore, #tpu.memory_space<semaphore_mem>>) src(%dma_wait3A_230 : memref<40x128xf32, #tpu.memory_space<vmem>>) dst(%dma_wait3A_226 : memref<40x128xf32, #tpu.memory_space<vmem_shared>>)
      tpu.yield
    }) : () -> ()
    %add3A_63 = arith.constant 600 : i32
    %add3A_64 = arith.addi %mul3A_2, %add3A_63 : i32
    %run_scoped3A_65 = arith.constant 0 : i32
    "tpu.region"() ({
      %run_scoped3A_207 = tpu.sem_alloc : memref<!tpu.dma_semaphore, #tpu.memory_space<semaphore_mem>>
      %dma_start3A_208 = arith.constant 0 : i32
      %dma_start3A_209 = arith.constant 0 : i32
      %dma_start3A_210 = tpu.memref_slice %arg10[%run_scoped3A_65, %dma_start3A_208, %dma_start3A_209] : memref<5x40x128xf32, #tpu.memory_space<vmem>> -> memref<1x40x128xf32, #tpu.memory_space<vmem>>
      %dma_start3A_211 = tpu.memref_squeeze %dma_start3A_210 : memref<1x40x128xf32, #tpu.memory_space<vmem>> -> memref<40x128xf32, #tpu.memory_space<vmem>>
      %dma_start3A_212 = arith.constant 0 : i32
      %dma_start3A_213 = tpu.memref_slice %arg12[%add3A_64, %dma_start3A_212] : memref<10240x128xf32, #tpu.memory_space<vmem_shared>> -> memref<40x128xf32, #tpu.memory_space<vmem_shared>>
      %dma_start3A_214 = arith.constant 0 : i32
      %dma_start3A_215 = tpu.memref_slice %arg12[%add3A_64, %dma_start3A_214] : memref<10240x128xf32, #tpu.memory_space<vmem_shared>> -> memref<40x128xf32, #tpu.memory_space<vmem_shared>>
      %dma_start3A_216 = arith.constant 0 : i32
      %dma_start3A_217 = arith.constant 0 : i32
      %dma_start3A_218 = tpu.memref_slice %arg10[%run_scoped3A_65, %dma_start3A_216, %dma_start3A_217] : memref<5x40x128xf32, #tpu.memory_space<vmem>> -> memref<1x40x128xf32, #tpu.memory_space<vmem>>
      %dma_start3A_219 = tpu.memref_squeeze %dma_start3A_218 : memref<1x40x128xf32, #tpu.memory_space<vmem>> -> memref<40x128xf32, #tpu.memory_space<vmem>>
      tpu.enqueue_dma source(%dma_start3A_219 : memref<40x128xf32, #tpu.memory_space<vmem>>) target(%dma_start3A_215 : memref<40x128xf32, #tpu.memory_space<vmem_shared>>) target_semaphore(%run_scoped3A_207 : memref<!tpu.dma_semaphore, #tpu.memory_space<semaphore_mem>>)
      %dma_wait3A = arith.constant 0 : i32
      %dma_wait3A_220 = arith.constant 0 : i32
      %dma_wait3A_221 = tpu.memref_slice %arg10[%run_scoped3A_65, %dma_wait3A, %dma_wait3A_220] : memref<5x40x128xf32, #tpu.memory_space<vmem>> -> memref<1x40x128xf32, #tpu.memory_space<vmem>>
      %dma_wait3A_222 = tpu.memref_squeeze %dma_wait3A_221 : memref<1x40x128xf32, #tpu.memory_space<vmem>> -> memref<40x128xf32, #tpu.memory_space<vmem>>
      %dma_wait3A_223 = arith.constant 0 : i32
      %dma_wait3A_224 = tpu.memref_slice %arg12[%add3A_64, %dma_wait3A_223] : memref<10240x128xf32, #tpu.memory_space<vmem_shared>> -> memref<40x128xf32, #tpu.memory_space<vmem_shared>>
      %dma_wait3A_225 = arith.constant 0 : i32
      %dma_wait3A_226 = tpu.memref_slice %arg12[%add3A_64, %dma_wait3A_225] : memref<10240x128xf32, #tpu.memory_space<vmem_shared>> -> memref<40x128xf32, #tpu.memory_space<vmem_shared>>
      %dma_wait3A_227 = arith.constant 0 : i32
      %dma_wait3A_228 = arith.constant 0 : i32
      %dma_wait3A_229 = tpu.memref_slice %arg10[%run_scoped3A_65, %dma_wait3A_227, %dma_wait3A_228] : memref<5x40x128xf32, #tpu.memory_space<vmem>> -> memref<1x40x128xf32, #tpu.memory_space<vmem>>
      %dma_wait3A_230 = tpu.memref_squeeze %dma_wait3A_229 : memref<1x40x128xf32, #tpu.memory_space<vmem>> -> memref<40x128xf32, #tpu.memory_space<vmem>>
      tpu.wait_dma2 semaphore(%run_scoped3A_207 : memref<!tpu.dma_semaphore, #tpu.memory_space<semaphore_mem>>) src(%dma_wait3A_230 : memref<40x128xf32, #tpu.memory_space<vmem>>) dst(%dma_wait3A_226 : memref<40x128xf32, #tpu.memory_space<vmem_shared>>)
      tpu.yield
    }) : () -> ()
    %mul3A_66 = arith.constant 10000 : i32
    %mul3A_67 = arith.muli %add3A, %mul3A_66 : i32
    %run_scoped3A_68 = arith.constant 0 : i32
    "tpu.region"() ({
      %run_scoped3A_207 = tpu.sem_alloc : memref<!tpu.dma_semaphore, #tpu.memory_space<semaphore_mem>>
      %dma_start3A_208 = tpu.memref_slice %arg3[%run_scoped3A_68, %mul3A_67] : memref<2x320000xi32, #tpu.memory_space<hbm>> -> memref<1x10000xi32, #tpu.memory_space<hbm>>
      %dma_start3A_209 = tpu.memref_squeeze %dma_start3A_208 : memref<1x10000xi32, #tpu.memory_space<hbm>> -> memref<10000xi32, #tpu.memory_space<hbm>>
      %dma_start3A_210 = tpu.memref_slice %arg3[%run_scoped3A_68, %mul3A_67] : memref<2x320000xi32, #tpu.memory_space<hbm>> -> memref<1x10000xi32, #tpu.memory_space<hbm>>
      %dma_start3A_211 = tpu.memref_squeeze %dma_start3A_210 : memref<1x10000xi32, #tpu.memory_space<hbm>> -> memref<10000xi32, #tpu.memory_space<hbm>>
      tpu.enqueue_dma source(%dma_start3A_211 : memref<10000xi32, #tpu.memory_space<hbm>>) target(%arg7 : memref<10000xi32, #tpu.memory_space<vmem>>) target_semaphore(%run_scoped3A_207 : memref<!tpu.dma_semaphore, #tpu.memory_space<semaphore_mem>>)
      %dma_wait3A = tpu.memref_slice %arg3[%run_scoped3A_68, %mul3A_67] : memref<2x320000xi32, #tpu.memory_space<hbm>> -> memref<1x10000xi32, #tpu.memory_space<hbm>>
      %dma_wait3A_212 = tpu.memref_squeeze %dma_wait3A : memref<1x10000xi32, #tpu.memory_space<hbm>> -> memref<10000xi32, #tpu.memory_space<hbm>>
      %dma_wait3A_213 = tpu.memref_slice %arg3[%run_scoped3A_68, %mul3A_67] : memref<2x320000xi32, #tpu.memory_space<hbm>> -> memref<1x10000xi32, #tpu.memory_space<hbm>>
      %dma_wait3A_214 = tpu.memref_squeeze %dma_wait3A_213 : memref<1x10000xi32, #tpu.memory_space<hbm>> -> memref<10000xi32, #tpu.memory_space<hbm>>
      tpu.wait_dma2 semaphore(%run_scoped3A_207 : memref<!tpu.dma_semaphore, #tpu.memory_space<semaphore_mem>>) src(%dma_wait3A_214 : memref<10000xi32, #tpu.memory_space<hbm>>) dst(%arg7 : memref<10000xi32, #tpu.memory_space<vmem>>)
      tpu.yield
    }) : () -> ()
    %add3A_69 = arith.constant 0 : i32
    %add3A_70 = arith.addi %mul3A_67, %add3A_69 : i32
    "tpu.region"() ({
      %run_scoped3A_207 = tpu.sem_alloc : memref<!tpu.dma_semaphore, #tpu.memory_space<semaphore_mem>>
      %dma_start3A_208 = tpu.memref_slice %arg4[%add3A_70] : memref<320000xi32, #tpu.memory_space<hbm>> -> memref<2000xi32, #tpu.memory_space<hbm>>
      %dma_start3A_209 = tpu.memref_slice %arg4[%add3A_70] : memref<320000xi32, #tpu.memory_space<hbm>> -> memref<2000xi32, #tpu.memory_space<hbm>>
      tpu.enqueue_dma source(%dma_start3A_209 : memref<2000xi32, #tpu.memory_space<hbm>>) target(%arg8 : memref<2000xi32, #tpu.memory_space<vmem>>) target_semaphore(%run_scoped3A_207 : memref<!tpu.dma_semaphore, #tpu.memory_space<semaphore_mem>>)
      %dma_wait3A = tpu.memref_slice %arg4[%add3A_70] : memref<320000xi32, #tpu.memory_space<hbm>> -> memref<2000xi32, #tpu.memory_space<hbm>>
      %dma_wait3A_210 = tpu.memref_slice %arg4[%add3A_70] : memref<320000xi32, #tpu.memory_space<hbm>> -> memref<2000xi32, #tpu.memory_space<hbm>>
      tpu.wait_dma2 semaphore(%run_scoped3A_207 : memref<!tpu.dma_semaphore, #tpu.memory_space<semaphore_mem>>) src(%dma_wait3A_210 : memref<2000xi32, #tpu.memory_space<hbm>>) dst(%arg8 : memref<2000xi32, #tpu.memory_space<vmem>>)
      tpu.yield
    }) : () -> ()
    %scan3A_71 = arith.constant 0 : i32
    %scan3A_72 = arith.constant 0 : i32
    %scan3A_73 = arith.constant 125 : i32
    %scan3A_74 = arith.addi %scan3A_72, %scan3A_73 : i32
    %scan3A_75 = arith.constant 1 : i32
    %scan3A_76 = scf.for %scan3A_207 = %scan3A_72 to %scan3A_74 step %scan3A_75 iter_args(%scan3A_208 = %scan3A_71) -> (i32)  : i32 {
      %mul3A_209 = arith.constant 16 : i32
      %mul3A_210 = arith.muli %scan3A_207, %mul3A_209 : i32
      %add3A_211 = arith.constant 0 : i32
      %add3A_212 = arith.addi %add3A_211, %mul3A_210 : i32
      %mul3A_213 = arith.constant 16 : i32
      %mul3A_214 = arith.muli %scan3A_207, %mul3A_213 : i32
      %get3A = arith.index_cast %mul3A_214 : i32 to index
      %get3A_215 = tpu.vector_load %arg8[%get3A] {strides = array<i32>} : memref<2000xi32, #tpu.memory_space<vmem>>, vector<16xi32>,
      %mul3A_216 = arith.constant 10000 : i32
      %mul3A_217 = vector.broadcast %mul3A_216 : i32 to vector<16xi32>
      %mul3A_218 = arith.muli %get3A_215, %mul3A_217 : vector<16xi32>
      %get3A_219 = arith.index_cast %add3A_212 : i32 to index
      %get3A_220 = tpu.vector_load %arg7[%get3A_219] {strides = array<i32>} : memref<10000xi32, #tpu.memory_space<vmem>>, vector<16xi32>,
      %add3A_221 = arith.addi %mul3A_218, %get3A_220 : vector<16xi32>
      %swap3A = arith.index_cast %add3A_212 : i32 to index
      %swap3A_222 = tpu.vector_load %arg7[%swap3A] {strides = array<i32>} : memref<10000xi32, #tpu.memory_space<vmem>>, vector<16xi32>,
      tpu.vector_store %arg7[%swap3A], %add3A_221 {strides = array<i32>} : memref<10000xi32, #tpu.memory_space<vmem>>, vector<16xi32>,
      %scan3A_223 = arith.constant 0 : i32
      scf.yield %scan3A_223 : i32
    }
    %scan3A_77 = arith.constant 125 : i32
    %add3A_78 = arith.constant 2000 : i32
    %add3A_79 = arith.addi %mul3A_67, %add3A_78 : i32
    "tpu.region"() ({
      %run_scoped3A_207 = tpu.sem_alloc : memref<!tpu.dma_semaphore, #tpu.memory_space<semaphore_mem>>
      %dma_start3A_208 = tpu.memref_slice %arg4[%add3A_79] : memref<320000xi32, #tpu.memory_space<hbm>> -> memref<2000xi32, #tpu.memory_space<hbm>>
      %dma_start3A_209 = tpu.memref_slice %arg4[%add3A_79] : memref<320000xi32, #tpu.memory_space<hbm>> -> memref<2000xi32, #tpu.memory_space<hbm>>
      tpu.enqueue_dma source(%dma_start3A_209 : memref<2000xi32, #tpu.memory_space<hbm>>) target(%arg8 : memref<2000xi32, #tpu.memory_space<vmem>>) target_semaphore(%run_scoped3A_207 : memref<!tpu.dma_semaphore, #tpu.memory_space<semaphore_mem>>)
      %dma_wait3A = tpu.memref_slice %arg4[%add3A_79] : memref<320000xi32, #tpu.memory_space<hbm>> -> memref<2000xi32, #tpu.memory_space<hbm>>
      %dma_wait3A_210 = tpu.memref_slice %arg4[%add3A_79] : memref<320000xi32, #tpu.memory_space<hbm>> -> memref<2000xi32, #tpu.memory_space<hbm>>
      tpu.wait_dma2 semaphore(%run_scoped3A_207 : memref<!tpu.dma_semaphore, #tpu.memory_space<semaphore_mem>>) src(%dma_wait3A_210 : memref<2000xi32, #tpu.memory_space<hbm>>) dst(%arg8 : memref<2000xi32, #tpu.memory_space<vmem>>)
      tpu.yield
    }) : () -> ()
    %scan3A_80 = arith.constant 0 : i32
    %scan3A_81 = arith.constant 0 : i32
    %scan3A_82 = arith.constant 125 : i32
    %scan3A_83 = arith.addi %scan3A_81, %scan3A_82 : i32
    %scan3A_84 = arith.constant 1 : i32
    %scan3A_85 = scf.for %scan3A_207 = %scan3A_81 to %scan3A_83 step %scan3A_84 iter_args(%scan3A_208 = %scan3A_80) -> (i32)  : i32 {
      %mul3A_209 = arith.constant 16 : i32
      %mul3A_210 = arith.muli %scan3A_207, %mul3A_209 : i32
      %add3A_211 = arith.constant 2000 : i32
      %add3A_212 = arith.addi %add3A_211, %mul3A_210 : i32
      %mul3A_213 = arith.constant 16 : i32
      %mul3A_214 = arith.muli %scan3A_207, %mul3A_213 : i32
      %get3A = arith.index_cast %mul3A_214 : i32 to index
      %get3A_215 = tpu.vector_load %arg8[%get3A] {strides = array<i32>} : memref<2000xi32, #tpu.memory_space<vmem>>, vector<16xi32>,
      %mul3A_216 = arith.constant 10000 : i32
      %mul3A_217 = vector.broadcast %mul3A_216 : i32 to vector<16xi32>
      %mul3A_218 = arith.muli %get3A_215, %mul3A_217 : vector<16xi32>
      %get3A_219 = arith.index_cast %add3A_212 : i32 to index
      %get3A_220 = tpu.vector_load %arg7[%get3A_219] {strides = array<i32>} : memref<10000xi32, #tpu.memory_space<vmem>>, vector<16xi32>,
      %add3A_221 = arith.addi %mul3A_218, %get3A_220 : vector<16xi32>
      %swap3A = arith.index_cast %add3A_212 : i32 to index
      %swap3A_222 = tpu.vector_load %arg7[%swap3A] {strides = array<i32>} : memref<10000xi32, #tpu.memory_space<vmem>>, vector<16xi32>,
      tpu.vector_store %arg7[%swap3A], %add3A_221 {strides = array<i32>} : memref<10000xi32, #tpu.memory_space<vmem>>, vector<16xi32>,
      %scan3A_223 = arith.constant 0 : i32
      scf.yield %scan3A_223 : i32
    }
    %scan3A_86 = arith.constant 125 : i32
    %add3A_87 = arith.constant 4000 : i32
    %add3A_88 = arith.addi %mul3A_67, %add3A_87 : i32
    "tpu.region"() ({
      %run_scoped3A_207 = tpu.sem_alloc : memref<!tpu.dma_semaphore, #tpu.memory_space<semaphore_mem>>
      %dma_start3A_208 = tpu.memref_slice %arg4[%add3A_88] : memref<320000xi32, #tpu.memory_space<hbm>> -> memref<2000xi32, #tpu.memory_space<hbm>>
      %dma_start3A_209 = tpu.memref_slice %arg4[%add3A_88] : memref<320000xi32, #tpu.memory_space<hbm>> -> memref<2000xi32, #tpu.memory_space<hbm>>
      tpu.enqueue_dma source(%dma_start3A_209 : memref<2000xi32, #tpu.memory_space<hbm>>) target(%arg8 : memref<2000xi32, #tpu.memory_space<vmem>>) target_semaphore(%run_scoped3A_207 : memref<!tpu.dma_semaphore, #tpu.memory_space<semaphore_mem>>)
      %dma_wait3A = tpu.memref_slice %arg4[%add3A_88] : memref<320000xi32, #tpu.memory_space<hbm>> -> memref<2000xi32, #tpu.memory_space<hbm>>
      %dma_wait3A_210 = tpu.memref_slice %arg4[%add3A_88] : memref<320000xi32, #tpu.memory_space<hbm>> -> memref<2000xi32, #tpu.memory_space<hbm>>
      tpu.wait_dma2 semaphore(%run_scoped3A_207 : memref<!tpu.dma_semaphore, #tpu.memory_space<semaphore_mem>>) src(%dma_wait3A_210 : memref<2000xi32, #tpu.memory_space<hbm>>) dst(%arg8 : memref<2000xi32, #tpu.memory_space<vmem>>)
      tpu.yield
    }) : () -> ()
    %scan3A_89 = arith.constant 0 : i32
    %scan3A_90 = arith.constant 0 : i32
    %scan3A_91 = arith.constant 125 : i32
    %scan3A_92 = arith.addi %scan3A_90, %scan3A_91 : i32
    %scan3A_93 = arith.constant 1 : i32
    %scan3A_94 = scf.for %scan3A_207 = %scan3A_90 to %scan3A_92 step %scan3A_93 iter_args(%scan3A_208 = %scan3A_89) -> (i32)  : i32 {
      %mul3A_209 = arith.constant 16 : i32
      %mul3A_210 = arith.muli %scan3A_207, %mul3A_209 : i32
      %add3A_211 = arith.constant 4000 : i32
      %add3A_212 = arith.addi %add3A_211, %mul3A_210 : i32
      %mul3A_213 = arith.constant 16 : i32
      %mul3A_214 = arith.muli %scan3A_207, %mul3A_213 : i32
      %get3A = arith.index_cast %mul3A_214 : i32 to index
      %get3A_215 = tpu.vector_load %arg8[%get3A] {strides = array<i32>} : memref<2000xi32, #tpu.memory_space<vmem>>, vector<16xi32>,
      %mul3A_216 = arith.constant 10000 : i32
      %mul3A_217 = vector.broadcast %mul3A_216 : i32 to vector<16xi32>
      %mul3A_218 = arith.muli %get3A_215, %mul3A_217 : vector<16xi32>
      %get3A_219 = arith.index_cast %add3A_212 : i32 to index
      %get3A_220 = tpu.vector_load %arg7[%get3A_219] {strides = array<i32>} : memref<10000xi32, #tpu.memory_space<vmem>>, vector<16xi32>,
      %add3A_221 = arith.addi %mul3A_218, %get3A_220 : vector<16xi32>
      %swap3A = arith.index_cast %add3A_212 : i32 to index
      %swap3A_222 = tpu.vector_load %arg7[%swap3A] {strides = array<i32>} : memref<10000xi32, #tpu.memory_space<vmem>>, vector<16xi32>,
      tpu.vector_store %arg7[%swap3A], %add3A_221 {strides = array<i32>} : memref<10000xi32, #tpu.memory_space<vmem>>, vector<16xi32>,
      %scan3A_223 = arith.constant 0 : i32
      scf.yield %scan3A_223 : i32
    }
    %scan3A_95 = arith.constant 125 : i32
    %add3A_96 = arith.constant 6000 : i32
    %add3A_97 = arith.addi %mul3A_67, %add3A_96 : i32
    "tpu.region"() ({
      %run_scoped3A_207 = tpu.sem_alloc : memref<!tpu.dma_semaphore, #tpu.memory_space<semaphore_mem>>
      %dma_start3A_208 = tpu.memref_slice %arg4[%add3A_97] : memref<320000xi32, #tpu.memory_space<hbm>> -> memref<2000xi32, #tpu.memory_space<hbm>>
      %dma_start3A_209 = tpu.memref_slice %arg4[%add3A_97] : memref<320000xi32, #tpu.memory_space<hbm>> -> memref<2000xi32, #tpu.memory_space<hbm>>
      tpu.enqueue_dma source(%dma_start3A_209 : memref<2000xi32, #tpu.memory_space<hbm>>) target(%arg8 : memref<2000xi32, #tpu.memory_space<vmem>>) target_semaphore(%run_scoped3A_207 : memref<!tpu.dma_semaphore, #tpu.memory_space<semaphore_mem>>)
      %dma_wait3A = tpu.memref_slice %arg4[%add3A_97] : memref<320000xi32, #tpu.memory_space<hbm>> -> memref<2000xi32, #tpu.memory_space<hbm>>
      %dma_wait3A_210 = tpu.memref_slice %arg4[%add3A_97] : memref<320000xi32, #tpu.memory_space<hbm>> -> memref<2000xi32, #tpu.memory_space<hbm>>
      tpu.wait_dma2 semaphore(%run_scoped3A_207 : memref<!tpu.dma_semaphore, #tpu.memory_space<semaphore_mem>>) src(%dma_wait3A_210 : memref<2000xi32, #tpu.memory_space<hbm>>) dst(%arg8 : memref<2000xi32, #tpu.memory_space<vmem>>)
      tpu.yield
    }) : () -> ()
    %scan3A_98 = arith.constant 0 : i32
    %scan3A_99 = arith.constant 0 : i32
    %scan3A_100 = arith.constant 125 : i32
    %scan3A_101 = arith.addi %scan3A_99, %scan3A_100 : i32
    %scan3A_102 = arith.constant 1 : i32
    %scan3A_103 = scf.for %scan3A_207 = %scan3A_99 to %scan3A_101 step %scan3A_102 iter_args(%scan3A_208 = %scan3A_98) -> (i32)  : i32 {
      %mul3A_209 = arith.constant 16 : i32
      %mul3A_210 = arith.muli %scan3A_207, %mul3A_209 : i32
      %add3A_211 = arith.constant 6000 : i32
      %add3A_212 = arith.addi %add3A_211, %mul3A_210 : i32
      %mul3A_213 = arith.constant 16 : i32
      %mul3A_214 = arith.muli %scan3A_207, %mul3A_213 : i32
      %get3A = arith.index_cast %mul3A_214 : i32 to index
      %get3A_215 = tpu.vector_load %arg8[%get3A] {strides = array<i32>} : memref<2000xi32, #tpu.memory_space<vmem>>, vector<16xi32>,
      %mul3A_216 = arith.constant 10000 : i32
      %mul3A_217 = vector.broadcast %mul3A_216 : i32 to vector<16xi32>
      %mul3A_218 = arith.muli %get3A_215, %mul3A_217 : vector<16xi32>
      %get3A_219 = arith.index_cast %add3A_212 : i32 to index
      %get3A_220 = tpu.vector_load %arg7[%get3A_219] {strides = array<i32>} : memref<10000xi32, #tpu.memory_space<vmem>>, vector<16xi32>,
      %add3A_221 = arith.addi %mul3A_218, %get3A_220 : vector<16xi32>
      %swap3A = arith.index_cast %add3A_212 : i32 to index
      %swap3A_222 = tpu.vector_load %arg7[%swap3A] {strides = array<i32>} : memref<10000xi32, #tpu.memory_space<vmem>>, vector<16xi32>,
      tpu.vector_store %arg7[%swap3A], %add3A_221 {strides = array<i32>} : memref<10000xi32, #tpu.memory_space<vmem>>, vector<16xi32>,
      %scan3A_223 = arith.constant 0 : i32
      scf.yield %scan3A_223 : i32
    }
    %scan3A_104 = arith.constant 125 : i32
    %add3A_105 = arith.constant 8000 : i32
    %add3A_106 = arith.addi %mul3A_67, %add3A_105 : i32
    "tpu.region"() ({
      %run_scoped3A_207 = tpu.sem_alloc : memref<!tpu.dma_semaphore, #tpu.memory_space<semaphore_mem>>
      %dma_start3A_208 = tpu.memref_slice %arg4[%add3A_106] : memref<320000xi32, #tpu.memory_space<hbm>> -> memref<2000xi32, #tpu.memory_space<hbm>>
      %dma_start3A_209 = tpu.memref_slice %arg4[%add3A_106] : memref<320000xi32, #tpu.memory_space<hbm>> -> memref<2000xi32, #tpu.memory_space<hbm>>
      tpu.enqueue_dma source(%dma_start3A_209 : memref<2000xi32, #tpu.memory_space<hbm>>) target(%arg8 : memref<2000xi32, #tpu.memory_space<vmem>>) target_semaphore(%run_scoped3A_207 : memref<!tpu.dma_semaphore, #tpu.memory_space<semaphore_mem>>)
      %dma_wait3A = tpu.memref_slice %arg4[%add3A_106] : memref<320000xi32, #tpu.memory_space<hbm>> -> memref<2000xi32, #tpu.memory_space<hbm>>
      %dma_wait3A_210 = tpu.memref_slice %arg4[%add3A_106] : memref<320000xi32, #tpu.memory_space<hbm>> -> memref<2000xi32, #tpu.memory_space<hbm>>
      tpu.wait_dma2 semaphore(%run_scoped3A_207 : memref<!tpu.dma_semaphore, #tpu.memory_space<semaphore_mem>>) src(%dma_wait3A_210 : memref<2000xi32, #tpu.memory_space<hbm>>) dst(%arg8 : memref<2000xi32, #tpu.memory_space<vmem>>)
      tpu.yield
    }) : () -> ()
    %scan3A_107 = arith.constant 0 : i32
    %scan3A_108 = arith.constant 0 : i32
    %scan3A_109 = arith.constant 125 : i32
    %scan3A_110 = arith.addi %scan3A_108, %scan3A_109 : i32
    %scan3A_111 = arith.constant 1 : i32
    %scan3A_112 = scf.for %scan3A_207 = %scan3A_108 to %scan3A_110 step %scan3A_111 iter_args(%scan3A_208 = %scan3A_107) -> (i32)  : i32 {
      %mul3A_209 = arith.constant 16 : i32
      %mul3A_210 = arith.muli %scan3A_207, %mul3A_209 : i32
      %add3A_211 = arith.constant 8000 : i32
      %add3A_212 = arith.addi %add3A_211, %mul3A_210 : i32
      %mul3A_213 = arith.constant 16 : i32
      %mul3A_214 = arith.muli %scan3A_207, %mul3A_213 : i32
      %get3A = arith.index_cast %mul3A_214 : i32 to index
      %get3A_215 = tpu.vector_load %arg8[%get3A] {strides = array<i32>} : memref<2000xi32, #tpu.memory_space<vmem>>, vector<16xi32>,
      %mul3A_216 = arith.constant 10000 : i32
      %mul3A_217 = vector.broadcast %mul3A_216 : i32 to vector<16xi32>
      %mul3A_218 = arith.muli %get3A_215, %mul3A_217 : vector<16xi32>
      %get3A_219 = arith.index_cast %add3A_212 : i32 to index
      %get3A_220 = tpu.vector_load %arg7[%get3A_219] {strides = array<i32>} : memref<10000xi32, #tpu.memory_space<vmem>>, vector<16xi32>,
      %add3A_221 = arith.addi %mul3A_218, %get3A_220 : vector<16xi32>
      %swap3A = arith.index_cast %add3A_212 : i32 to index
      %swap3A_222 = tpu.vector_load %arg7[%swap3A] {strides = array<i32>} : memref<10000xi32, #tpu.memory_space<vmem>>, vector<16xi32>,
      tpu.vector_store %arg7[%swap3A], %add3A_221 {strides = array<i32>} : memref<10000xi32, #tpu.memory_space<vmem>>, vector<16xi32>,
      %scan3A_223 = arith.constant 0 : i32
      scf.yield %scan3A_223 : i32
    }
    %scan3A_113 = arith.constant 125 : i32
    %barrier3A = arith.constant 0 : index
    tpu.barrier barrier_id(%barrier3A)
    %add3A_114 = arith.constant 0 : i32
    %add3A_115 = arith.addi %mul3A_67, %add3A_114 : i32
    %dma_start3A = arith.constant 1 : i32
    %dma_start3A_116 = arith.constant 0 : i32
    %dma_start3A_117 = tpu.memref_slice %arg9[%dma_start3A_116] : memref<208xi32, #tpu.memory_space<vmem>> -> memref<40xi32, #tpu.memory_space<vmem>>
    %dma_start3A_118 = tpu.memref_slice %arg3[%dma_start3A, %add3A_115] : memref<2x320000xi32, #tpu.memory_space<hbm>> -> memref<1x40xi32, #tpu.memory_space<hbm>>
    %dma_start3A_119 = tpu.memref_squeeze %dma_start3A_118 : memref<1x40xi32, #tpu.memory_space<hbm>> -> memref<40xi32, #tpu.memory_space<hbm>>
    %dma_start3A_120 = arith.constant 0 : i32
    %dma_start3A_121 = tpu.memref_slice %arg9[%dma_start3A_120] : memref<208xi32, #tpu.memory_space<vmem>> -> memref<40xi32, #tpu.memory_space<vmem>>
    %dma_start3A_122 = tpu.memref_slice %arg3[%dma_start3A, %add3A_115] : memref<2x320000xi32, #tpu.memory_space<hbm>> -> memref<1x40xi32, #tpu.memory_space<hbm>>
    %dma_start3A_123 = tpu.memref_squeeze %dma_start3A_122 : memref<1x40xi32, #tpu.memory_space<hbm>> -> memref<40xi32, #tpu.memory_space<hbm>>
    tpu.enqueue_dma source(%dma_start3A_123 : memref<40xi32, #tpu.memory_space<hbm>>) target(%dma_start3A_121 : memref<40xi32, #tpu.memory_space<vmem>>) target_semaphore(%arg14 : memref<!tpu.dma_semaphore, #tpu.memory_space<semaphore_mem>>)
    %dma_start3A_124 = arith.constant 0 : i32
    %dma_start3A_125 = arith.constant 0 : i32
    %dma_start3A_126 = arith.constant 0 : i32
    %dma_start3A_127 = tpu.memref_slice %arg10[%dma_start3A_124, %dma_start3A_125, %dma_start3A_126] : memref<5x40x128xf32, #tpu.memory_space<vmem>> -> memref<1x40x128xf32, #tpu.memory_space<vmem>>
    %dma_start3A_128 = tpu.memref_squeeze %dma_start3A_127 : memref<1x40x128xf32, #tpu.memory_space<vmem>> -> memref<40x128xf32, #tpu.memory_space<vmem>>
    %dma_start3A_129 = arith.constant 0 : i32
    %dma_start3A_130 = tpu.memref_slice %arg7[%dma_start3A_129] : memref<10000xi32, #tpu.memory_space<vmem>> -> memref<40xi32, #tpu.memory_space<vmem>>
    %dma_start3A_131 = arith.constant 0 : i32
    %dma_start3A_132 = arith.constant 0 : i32
    %dma_start3A_133 = tpu.memref_slice %arg2[%dma_start3A_131, %dma_start3A_132] : memref<80000x128xf32, #tpu.memory_space<hbm>> -> memref<80000x128xf32, #tpu.memory_space<hbm>>
    tpu.enqueue_indirect_dma source(%dma_start3A_133 : memref<80000x128xf32, #tpu.memory_space<hbm>>) target(%dma_start3A_128 : memref<40x128xf32, #tpu.memory_space<vmem>>) offsets(%dma_start3A_130 : memref<40xi32, #tpu.memory_space<vmem>>) semaphore(%arg13 : memref<!tpu.dma_semaphore, #tpu.memory_space<semaphore_mem>>)
    %add3A_134 = arith.constant 40 : i32
    %add3A_135 = arith.addi %mul3A_67, %add3A_134 : i32
    %dma_start3A_136 = arith.constant 1 : i32
    %dma_start3A_137 = arith.constant 40 : i32
    %dma_start3A_138 = tpu.memref_slice %arg9[%dma_start3A_137] : memref<208xi32, #tpu.memory_space<vmem>> -> memref<40xi32, #tpu.memory_space<vmem>>
    %dma_start3A_139 = tpu.memref_slice %arg3[%dma_start3A_136, %add3A_135] : memref<2x320000xi32, #tpu.memory_space<hbm>> -> memref<1x40xi32, #tpu.memory_space<hbm>>
    %dma_start3A_140 = tpu.memref_squeeze %dma_start3A_139 : memref<1x40xi32, #tpu.memory_space<hbm>> -> memref<40xi32, #tpu.memory_space<hbm>>
    %dma_start3A_141 = arith.constant 40 : i32
    %dma_start3A_142 = tpu.memref_slice %arg9[%dma_start3A_141] : memref<208xi32, #tpu.memory_space<vmem>> -> memref<40xi32, #tpu.memory_space<vmem>>
    %dma_start3A_143 = tpu.memref_slice %arg3[%dma_start3A_136, %add3A_135] : memref<2x320000xi32, #tpu.memory_space<hbm>> -> memref<1x40xi32, #tpu.memory_space<hbm>>
    %dma_start3A_144 = tpu.memref_squeeze %dma_start3A_143 : memref<1x40xi32, #tpu.memory_space<hbm>> -> memref<40xi32, #tpu.memory_space<hbm>>
    tpu.enqueue_dma source(%dma_start3A_144 : memref<40xi32, #tpu.memory_space<hbm>>) target(%dma_start3A_142 : memref<40xi32, #tpu.memory_space<vmem>>) target_semaphore(%arg14 : memref<!tpu.dma_semaphore, #tpu.memory_space<semaphore_mem>>)
    %dma_start3A_145 = arith.constant 1 : i32
    %dma_start3A_146 = arith.constant 0 : i32
    %dma_start3A_147 = arith.constant 0 : i32
    %dma_start3A_148 = tpu.memref_slice %arg10[%dma_start3A_145, %dma_start3A_146, %dma_start3A_147] : memref<5x40x128xf32, #tpu.memory_space<vmem>> -> memref<1x40x128xf32, #tpu.memory_space<vmem>>
    %dma_start3A_149 = tpu.memref_squeeze %dma_start3A_148 : memref<1x40x128xf32, #tpu.memory_space<vmem>> -> memref<40x128xf32, #tpu.memory_space<vmem>>
    %dma_start3A_150 = arith.constant 40 : i32
    %dma_start3A_151 = tpu.memref_slice %arg7[%dma_start3A_150] : memref<10000xi32, #tpu.memory_space<vmem>> -> memref<40xi32, #tpu.memory_space<vmem>>
    %dma_start3A_152 = arith.constant 0 : i32
    %dma_start3A_153 = arith.constant 0 : i32
    %dma_start3A_154 = tpu.memref_slice %arg2[%dma_start3A_152, %dma_start3A_153] : memref<80000x128xf32, #tpu.memory_space<hbm>> -> memref<80000x128xf32, #tpu.memory_space<hbm>>
    tpu.enqueue_indirect_dma source(%dma_start3A_154 : memref<80000x128xf32, #tpu.memory_space<hbm>>) target(%dma_start3A_149 : memref<40x128xf32, #tpu.memory_space<vmem>>) offsets(%dma_start3A_151 : memref<40xi32, #tpu.memory_space<vmem>>) semaphore(%arg13 : memref<!tpu.dma_semaphore, #tpu.memory_space<semaphore_mem>>)
    %add3A_155 = arith.constant 80 : i32
    %add3A_156 = arith.addi %mul3A_67, %add3A_155 : i32
    %dma_start3A_157 = arith.constant 1 : i32
    %dma_start3A_158 = arith.constant 80 : i32
    %dma_start3A_159 = tpu.memref_slice %arg9[%dma_start3A_158] : memref<208xi32, #tpu.memory_space<vmem>> -> memref<40xi32, #tpu.memory_space<vmem>>
    %dma_start3A_160 = tpu.memref_slice %arg3[%dma_start3A_157, %add3A_156] : memref<2x320000xi32, #tpu.memory_space<hbm>> -> memref<1x40xi32, #tpu.memory_space<hbm>>
    %dma_start3A_161 = tpu.memref_squeeze %dma_start3A_160 : memref<1x40xi32, #tpu.memory_space<hbm>> -> memref<40xi32, #tpu.memory_space<hbm>>
    %dma_start3A_162 = arith.constant 80 : i32
    %dma_start3A_163 = tpu.memref_slice %arg9[%dma_start3A_162] : memref<208xi32, #tpu.memory_space<vmem>> -> memref<40xi32, #tpu.memory_space<vmem>>
    %dma_start3A_164 = tpu.memref_slice %arg3[%dma_start3A_157, %add3A_156] : memref<2x320000xi32, #tpu.memory_space<hbm>> -> memref<1x40xi32, #tpu.memory_space<hbm>>
    %dma_start3A_165 = tpu.memref_squeeze %dma_start3A_164 : memref<1x40xi32, #tpu.memory_space<hbm>> -> memref<40xi32, #tpu.memory_space<hbm>>
    tpu.enqueue_dma source(%dma_start3A_165 : memref<40xi32, #tpu.memory_space<hbm>>) target(%dma_start3A_163 : memref<40xi32, #tpu.memory_space<vmem>>) target_semaphore(%arg14 : memref<!tpu.dma_semaphore, #tpu.memory_space<semaphore_mem>>)
    %dma_start3A_166 = arith.constant 2 : i32
    %dma_start3A_167 = arith.constant 0 : i32
    %dma_start3A_168 = arith.constant 0 : i32
    %dma_start3A_169 = tpu.memref_slice %arg10[%dma_start3A_166, %dma_start3A_167, %dma_start3A_168] : memref<5x40x128xf32, #tpu.memory_space<vmem>> -> memref<1x40x128xf32, #tpu.memory_space<vmem>>
    %dma_start3A_170 = tpu.memref_squeeze %dma_start3A_169 : memref<1x40x128xf32, #tpu.memory_space<vmem>> -> memref<40x128xf32, #tpu.memory_space<vmem>>
    %dma_start3A_171 = arith.constant 80 : i32
    %dma_start3A_172 = tpu.memref_slice %arg7[%dma_start3A_171] : memref<10000xi32, #tpu.memory_space<vmem>> -> memref<40xi32, #tpu.memory_space<vmem>>
    %dma_start3A_173 = arith.constant 0 : i32
    %dma_start3A_174 = arith.constant 0 : i32
    %dma_start3A_175 = tpu.memref_slice %arg2[%dma_start3A_173, %dma_start3A_174] : memref<80000x128xf32, #tpu.memory_space<hbm>> -> memref<80000x128xf32, #tpu.memory_space<hbm>>
    tpu.enqueue_indirect_dma source(%dma_start3A_175 : memref<80000x128xf32, #tpu.memory_space<hbm>>) target(%dma_start3A_170 : memref<40x128xf32, #tpu.memory_space<vmem>>) offsets(%dma_start3A_172 : memref<40xi32, #tpu.memory_space<vmem>>) semaphore(%arg13 : memref<!tpu.dma_semaphore, #tpu.memory_space<semaphore_mem>>)
    %add3A_176 = arith.constant 120 : i32
    %add3A_177 = arith.addi %mul3A_67, %add3A_176 : i32
    %dma_start3A_178 = arith.constant 1 : i32
    %dma_start3A_179 = arith.constant 120 : i32
    %dma_start3A_180 = tpu.memref_slice %arg9[%dma_start3A_179] : memref<208xi32, #tpu.memory_space<vmem>> -> memref<40xi32, #tpu.memory_space<vmem>>
    %dma_start3A_181 = tpu.memref_slice %arg3[%dma_start3A_178, %add3A_177] : memref<2x320000xi32, #tpu.memory_space<hbm>> -> memref<1x40xi32, #tpu.memory_space<hbm>>
    %dma_start3A_182 = tpu.memref_squeeze %dma_start3A_181 : memref<1x40xi32, #tpu.memory_space<hbm>> -> memref<40xi32, #tpu.memory_space<hbm>>
    %dma_start3A_183 = arith.constant 120 : i32
    %dma_start3A_184 = tpu.memref_slice %arg9[%dma_start3A_183] : memref<208xi32, #tpu.memory_space<vmem>> -> memref<40xi32, #tpu.memory_space<vmem>>
    %dma_start3A_185 = tpu.memref_slice %arg3[%dma_start3A_178, %add3A_177] : memref<2x320000xi32, #tpu.memory_space<hbm>> -> memref<1x40xi32, #tpu.memory_space<hbm>>
    %dma_start3A_186 = tpu.memref_squeeze %dma_start3A_185 : memref<1x40xi32, #tpu.memory_space<hbm>> -> memref<40xi32, #tpu.memory_space<hbm>>
    tpu.enqueue_dma source(%dma_start3A_186 : memref<40xi32, #tpu.memory_space<hbm>>) target(%dma_start3A_184 : memref<40xi32, #tpu.memory_space<vmem>>) target_semaphore(%arg14 : memref<!tpu.dma_semaphore, #tpu.memory_space<semaphore_mem>>)
    %dma_start3A_187 = arith.constant 3 : i32
    %dma_start3A_188 = arith.constant 0 : i32
    %dma_start3A_189 = arith.constant 0 : i32
    %dma_start3A_190 = tpu.memref_slice %arg10[%dma_start3A_187, %dma_start3A_188, %dma_start3A_189] : memref<5x40x128xf32, #tpu.memory_space<vmem>> -> memref<1x40x128xf32, #tpu.memory_space<vmem>>
    %dma_start3A_191 = tpu.memref_squeeze %dma_start3A_190 : memref<1x40x128xf32, #tpu.memory_space<vmem>> -> memref<40x128xf32, #tpu.memory_space<vmem>>
    %dma_start3A_192 = arith.constant 120 : i32
    %dma_start3A_193 = tpu.memref_slice %arg7[%dma_start3A_192] : memref<10000xi32, #tpu.memory_space<vmem>> -> memref<40xi32, #tpu.memory_space<vmem>>
    %dma_start3A_194 = arith.constant 0 : i32
    %dma_start3A_195 = arith.constant 0 : i32
    %dma_start3A_196 = tpu.memref_slice %arg2[%dma_start3A_194, %dma_start3A_195] : memref<80000x128xf32, #tpu.memory_space<hbm>> -> memref<80000x128xf32, #tpu.memory_space<hbm>>
    tpu.enqueue_indirect_dma source(%dma_start3A_196 : memref<80000x128xf32, #tpu.memory_space<hbm>>) target(%dma_start3A_191 : memref<40x128xf32, #tpu.memory_space<vmem>>) offsets(%dma_start3A_193 : memref<40xi32, #tpu.memory_space<vmem>>) semaphore(%arg13 : memref<!tpu.dma_semaphore, #tpu.memory_space<semaphore_mem>>)
    %iota3A = tpu.iota {dimensions = array<i32: 0>} : vector<16xi32>
    %lt3A = arith.constant 8 : i32
    %lt3A_197 = vector.broadcast %lt3A : i32 to vector<16xi32>
    %lt3A_198 = arith.cmpi slt, %iota3A, %lt3A_197 : vector<16xi32>
    %scan3A_199 = arith.constant 0 : i32
    %scan3A_200 = arith.constant 0 : i32
    %scan3A_201 = arith.constant 50 : i32
    %scan3A_202 = arith.addi %scan3A_200, %scan3A_201 : i32
    %scan3A_203 = arith.constant 1 : i32
    %scan3A_204 = scf.for %scan3A_207 = %scan3A_200 to %scan3A_202 step %scan3A_203 iter_args(%scan3A_208 = %scan3A_199) -> (i32)  : i32 {
      %mul3A_209 = arith.constant 5 : i32
      %mul3A_210 = arith.muli %mul3A_209, %scan3A_207 : i32
      %add3A_211 = arith.constant 0 : i32
      %add3A_212 = arith.addi %mul3A_210, %add3A_211 : i32
      %dma_wait3A = arith.constant 1 : i32
      %dma_wait3A_213 = arith.constant 0 : i32
      %dma_wait3A_214 = tpu.memref_slice %arg9[%dma_wait3A_213] : memref<208xi32, #tpu.memory_space<vmem>> -> memref<40xi32, #tpu.memory_space<vmem>>
      %dma_wait3A_215 = tpu.memref_slice %arg3[%dma_wait3A, %mul3A_67] : memref<2x320000xi32, #tpu.memory_space<hbm>> -> memref<1x40xi32, #tpu.memory_space<hbm>>
      %dma_wait3A_216 = tpu.memref_squeeze %dma_wait3A_215 : memref<1x40xi32, #tpu.memory_space<hbm>> -> memref<40xi32, #tpu.memory_space<hbm>>
      %dma_wait3A_217 = arith.constant 0 : i32
      %dma_wait3A_218 = tpu.memref_slice %arg9[%dma_wait3A_217] : memref<208xi32, #tpu.memory_space<vmem>> -> memref<40xi32, #tpu.memory_space<vmem>>
      %dma_wait3A_219 = tpu.memref_slice %arg3[%dma_wait3A, %mul3A_67] : memref<2x320000xi32, #tpu.memory_space<hbm>> -> memref<1x40xi32, #tpu.memory_space<hbm>>
      %dma_wait3A_220 = tpu.memref_squeeze %dma_wait3A_219 : memref<1x40xi32, #tpu.memory_space<hbm>> -> memref<40xi32, #tpu.memory_space<hbm>>
      tpu.wait_dma2 semaphore(%arg14 : memref<!tpu.dma_semaphore, #tpu.memory_space<semaphore_mem>>) src(%dma_wait3A_220 : memref<40xi32, #tpu.memory_space<hbm>>) dst(%dma_wait3A_218 : memref<40xi32, #tpu.memory_space<vmem>>)
      %dma_wait3A_221 = arith.constant 0 : i32
      %dma_wait3A_222 = arith.constant 0 : i32
      %dma_wait3A_223 = arith.constant 0 : i32
      %dma_wait3A_224 = tpu.memref_slice %arg10[%dma_wait3A_221, %dma_wait3A_222, %dma_wait3A_223] : memref<5x40x128xf32, #tpu.memory_space<vmem>> -> memref<1x40x128xf32, #tpu.memory_space<vmem>>
      %dma_wait3A_225 = tpu.memref_squeeze %dma_wait3A_224 : memref<1x40x128xf32, #tpu.memory_space<vmem>> -> memref<40x128xf32, #tpu.memory_space<vmem>>
      %dma_wait3A_226 = arith.constant 0 : i32
      %dma_wait3A_227 = tpu.memref_slice %arg7[%dma_wait3A_226] : memref<10000xi32, #tpu.memory_space<vmem>> -> memref<40xi32, #tpu.memory_space<vmem>>
      %dma_wait3A_228 = arith.constant 0 : i32
      %dma_wait3A_229 = arith.constant 0 : i32
      %dma_wait3A_230 = tpu.memref_slice %arg2[%dma_wait3A_228, %dma_wait3A_229] : memref<80000x128xf32, #tpu.memory_space<hbm>> -> memref<80000x128xf32, #tpu.memory_space<hbm>>
      tpu.wait_indirect_dma semaphore(%arg13 : memref<!tpu.dma_semaphore, #tpu.memory_space<semaphore_mem>>) src(%dma_wait3A_230 : memref<80000x128xf32, #tpu.memory_space<hbm>>) dst(%dma_wait3A_225 : memref<40x128xf32, #tpu.memory_space<vmem>>)
      %get3A = arith.constant 0 : index
      %get3A_231 = tpu.vector_load %arg9[%get3A] {strides = array<i32>} : memref<208xi32, #tpu.memory_space<vmem>>, vector<16xi32>,
      tpu.vector_store_idx %arg11[%get3A_231], %broadcast_in_dim3A_5 {add = true} : memref<10240xf32, #tpu.memory_space<vmem>>[vector<16xi32>], vector<16xf32>,
      %get3A_232 = arith.constant 16 : index
      %get3A_233 = tpu.vector_load %arg9[%get3A_232] {strides = array<i32>} : memref<208xi32, #tpu.memory_space<vmem>>, vector<16xi32>,
      tpu.vector_store_idx %arg11[%get3A_233], %broadcast_in_dim3A_5 {add = true} : memref<10240xf32, #tpu.memory_space<vmem>>[vector<16xi32>], vector<16xf32>,
      %get3A_234 = arith.constant 32 : index
      %get3A_235 = tpu.vector_load %arg9[%get3A_234] {strides = array<i32>} : memref<208xi32, #tpu.memory_space<vmem>>, vector<16xi32>,
      tpu.vector_store_idx %arg11[%get3A_235], %broadcast_in_dim3A_5 masked %lt3A_198 {add = true} : memref<10240xf32, #tpu.memory_space<vmem>>[vector<16xi32>], vector<16xf32>, vector<16xi1>
      %add3A_236 = arith.constant 5 : i32
      %add3A_237 = arith.addi %add3A_212, %add3A_236 : i32
      %sub3A = arith.constant 1 : i32
      %sub3A_238 = arith.subi %add3A_237, %sub3A : i32
      %lt3A_239 = arith.constant 250 : i32
      %lt3A_240 = arith.cmpi slt, %sub3A_238, %lt3A_239 : i32
      %convert_element_type3A = arith.extui %lt3A_240 : i1 to i32
      %cond3A = arith.constant 0 : i32
      %cond3A_241 = arith.cmpi ne, %convert_element_type3A, %cond3A : i32
      scf.if %cond3A_241 {
        %add3A_400 = arith.constant 5 : i32
        %add3A_401 = arith.addi %add3A_212, %add3A_400 : i32
        %sub3A_402 = arith.constant 1 : i32
        %sub3A_403 = arith.subi %add3A_401, %sub3A_402 : i32
        %mul3A_404 = arith.constant 40 : i32
        %mul3A_405 = arith.muli %sub3A_403, %mul3A_404 : i32
        %add3A_406 = arith.addi %mul3A_67, %mul3A_405 : i32
        %dma_start3A_407 = arith.constant 1 : i32
        %dma_start3A_408 = arith.constant 160 : i32
        %dma_start3A_409 = tpu.memref_slice %arg9[%dma_start3A_408] : memref<208xi32, #tpu.memory_space<vmem>> -> memref<40xi32, #tpu.memory_space<vmem>>
        %dma_start3A_410 = tpu.memref_slice %arg3[%dma_start3A_407, %add3A_406] : memref<2x320000xi32, #tpu.memory_space<hbm>> -> memref<1x40xi32, #tpu.memory_space<hbm>>
        %dma_start3A_411 = tpu.memref_squeeze %dma_start3A_410 : memref<1x40xi32, #tpu.memory_space<hbm>> -> memref<40xi32, #tpu.memory_space<hbm>>
        %dma_start3A_412 = arith.constant 160 : i32
        %dma_start3A_413 = tpu.memref_slice %arg9[%dma_start3A_412] : memref<208xi32, #tpu.memory_space<vmem>> -> memref<40xi32, #tpu.memory_space<vmem>>
        %dma_start3A_414 = tpu.memref_slice %arg3[%dma_start3A_407, %add3A_406] : memref<2x320000xi32, #tpu.memory_space<hbm>> -> memref<1x40xi32, #tpu.memory_space<hbm>>
        %dma_start3A_415 = tpu.memref_squeeze %dma_start3A_414 : memref<1x40xi32, #tpu.memory_space<hbm>> -> memref<40xi32, #tpu.memory_space<hbm>>
        tpu.enqueue_dma source(%dma_start3A_415 : memref<40xi32, #tpu.memory_space<hbm>>) target(%dma_start3A_413 : memref<40xi32, #tpu.memory_space<vmem>>) target_semaphore(%arg14 : memref<!tpu.dma_semaphore, #tpu.memory_space<semaphore_mem>>)
        %mul3A_416 = arith.constant 40 : i32
        %mul3A_417 = arith.muli %sub3A_403, %mul3A_416 : i32
        %dma_start3A_418 = arith.constant 4 : i32
        %dma_start3A_419 = arith.constant 0 : i32
        %dma_start3A_420 = arith.constant 0 : i32
        %dma_start3A_421 = tpu.memref_slice %arg10[%dma_start3A_418, %dma_start3A_419, %dma_start3A_420] : memref<5x40x128xf32, #tpu.memory_space<vmem>> -> memref<1x40x128xf32, #tpu.memory_space<vmem>>
        %dma_start3A_422 = tpu.memref_squeeze %dma_start3A_421 : memref<1x40x128xf32, #tpu.memory_space<vmem>> -> memref<40x128xf32, #tpu.memory_space<vmem>>
        %dma_start3A_423 = tpu.memref_slice %arg7[%mul3A_417] : memref<10000xi32, #tpu.memory_space<vmem>> -> memref<40xi32, #tpu.memory_space<vmem>>
        %dma_start3A_424 = arith.constant 0 : i32
        %dma_start3A_425 = arith.constant 0 : i32
        %dma_start3A_426 = tpu.memref_slice %arg2[%dma_start3A_424, %dma_start3A_425] : memref<80000x128xf32, #tpu.memory_space<hbm>> -> memref<80000x128xf32, #tpu.memory_space<hbm>>
        tpu.enqueue_indirect_dma source(%dma_start3A_426 : memref<80000x128xf32, #tpu.memory_space<hbm>>) target(%dma_start3A_422 : memref<40x128xf32, #tpu.memory_space<vmem>>) offsets(%dma_start3A_423 : memref<40xi32, #tpu.memory_space<vmem>>) semaphore(%arg13 : memref<!tpu.dma_semaphore, #tpu.memory_space<semaphore_mem>>)
      } else {
      }
      %run_scoped3A_242 = arith.constant 0 : i32
      "tpu.region"() ({
        %run_scoped3A_400 = tpu.sem_alloc : memref<!tpu.dma_semaphore, #tpu.memory_space<semaphore_mem>>
        %dma_start3A_401 = arith.constant 0 : i32
        %dma_start3A_402 = arith.constant 0 : i32
        %dma_start3A_403 = tpu.memref_slice %arg10[%run_scoped3A_242, %dma_start3A_401, %dma_start3A_402] : memref<5x40x128xf32, #tpu.memory_space<vmem>> -> memref<1x40x128xf32, #tpu.memory_space<vmem>>
        %dma_start3A_404 = tpu.memref_squeeze %dma_start3A_403 : memref<1x40x128xf32, #tpu.memory_space<vmem>> -> memref<40x128xf32, #tpu.memory_space<vmem>>
        %dma_start3A_405 = arith.constant 0 : i32
        %dma_start3A_406 = tpu.memref_slice %arg9[%dma_start3A_405] : memref<208xi32, #tpu.memory_space<vmem>> -> memref<40xi32, #tpu.memory_space<vmem>>
        %dma_start3A_407 = arith.constant 0 : i32
        %dma_start3A_408 = arith.constant 0 : i32
        %dma_start3A_409 = tpu.memref_slice %arg12[%dma_start3A_407, %dma_start3A_408] : memref<10240x128xf32, #tpu.memory_space<vmem_shared>> -> memref<10240x128xf32, #tpu.memory_space<vmem_shared>>
        tpu.enqueue_indirect_dma source(%dma_start3A_404 : memref<40x128xf32, #tpu.memory_space<vmem>>) target(%dma_start3A_409 : memref<10240x128xf32, #tpu.memory_space<vmem_shared>>) offsets(%dma_start3A_406 : memref<40xi32, #tpu.memory_space<vmem>>) semaphore(%run_scoped3A_400 : memref<!tpu.dma_semaphore, #tpu.memory_space<semaphore_mem>>) {add = true}
        %dma_wait3A_410 = arith.constant 0 : i32
        %dma_wait3A_411 = arith.constant 0 : i32
        %dma_wait3A_412 = tpu.memref_slice %arg10[%run_scoped3A_242, %dma_wait3A_410, %dma_wait3A_411] : memref<5x40x128xf32, #tpu.memory_space<vmem>> -> memref<1x40x128xf32, #tpu.memory_space<vmem>>
        %dma_wait3A_413 = tpu.memref_squeeze %dma_wait3A_412 : memref<1x40x128xf32, #tpu.memory_space<vmem>> -> memref<40x128xf32, #tpu.memory_space<vmem>>
        %dma_wait3A_414 = arith.constant 0 : i32
        %dma_wait3A_415 = tpu.memref_slice %arg9[%dma_wait3A_414] : memref<208xi32, #tpu.memory_space<vmem>> -> memref<40xi32, #tpu.memory_space<vmem>>
        %dma_wait3A_416 = arith.constant 0 : i32
        %dma_wait3A_417 = arith.constant 0 : i32
        %dma_wait3A_418 = tpu.memref_slice %arg12[%dma_wait3A_416, %dma_wait3A_417] : memref<10240x128xf32, #tpu.memory_space<vmem_shared>> -> memref<10240x128xf32, #tpu.memory_space<vmem_shared>>
        tpu.wait_indirect_dma semaphore(%run_scoped3A_400 : memref<!tpu.dma_semaphore, #tpu.memory_space<semaphore_mem>>) src(%dma_wait3A_413 : memref<40x128xf32, #tpu.memory_space<vmem>>) dst(%dma_wait3A_418 : memref<10240x128xf32, #tpu.memory_space<vmem_shared>>)
        tpu.yield
      }) : () -> ()
      %mul3A_243 = arith.constant 5 : i32
      %mul3A_244 = arith.muli %mul3A_243, %scan3A_207 : i32
      %add3A_245 = arith.constant 1 : i32
      %add3A_246 = arith.addi %mul3A_244, %add3A_245 : i32
      %dma_wait3A_247 = arith.constant 1 : i32
      %dma_wait3A_248 = arith.constant 40 : i32
      %dma_wait3A_249 = tpu.memref_slice %arg9[%dma_wait3A_248] : memref<208xi32, #tpu.memory_space<vmem>> -> memref<40xi32, #tpu.memory_space<vmem>>
      %dma_wait3A_250 = tpu.memref_slice %arg3[%dma_wait3A_247, %mul3A_67] : memref<2x320000xi32, #tpu.memory_space<hbm>> -> memref<1x40xi32, #tpu.memory_space<hbm>>
      %dma_wait3A_251 = tpu.memref_squeeze %dma_wait3A_250 : memref<1x40xi32, #tpu.memory_space<hbm>> -> memref<40xi32, #tpu.memory_space<hbm>>
      %dma_wait3A_252 = arith.constant 40 : i32
      %dma_wait3A_253 = tpu.memref_slice %arg9[%dma_wait3A_252] : memref<208xi32, #tpu.memory_space<vmem>> -> memref<40xi32, #tpu.memory_space<vmem>>
      %dma_wait3A_254 = tpu.memref_slice %arg3[%dma_wait3A_247, %mul3A_67] : memref<2x320000xi32, #tpu.memory_space<hbm>> -> memref<1x40xi32, #tpu.memory_space<hbm>>
      %dma_wait3A_255 = tpu.memref_squeeze %dma_wait3A_254 : memref<1x40xi32, #tpu.memory_space<hbm>> -> memref<40xi32, #tpu.memory_space<hbm>>
      tpu.wait_dma2 semaphore(%arg14 : memref<!tpu.dma_semaphore, #tpu.memory_space<semaphore_mem>>) src(%dma_wait3A_255 : memref<40xi32, #tpu.memory_space<hbm>>) dst(%dma_wait3A_253 : memref<40xi32, #tpu.memory_space<vmem>>)
      %dma_wait3A_256 = arith.constant 1 : i32
      %dma_wait3A_257 = arith.constant 0 : i32
      %dma_wait3A_258 = arith.constant 0 : i32
      %dma_wait3A_259 = tpu.memref_slice %arg10[%dma_wait3A_256, %dma_wait3A_257, %dma_wait3A_258] : memref<5x40x128xf32, #tpu.memory_space<vmem>> -> memref<1x40x128xf32, #tpu.memory_space<vmem>>
      %dma_wait3A_260 = tpu.memref_squeeze %dma_wait3A_259 : memref<1x40x128xf32, #tpu.memory_space<vmem>> -> memref<40x128xf32, #tpu.memory_space<vmem>>
      %dma_wait3A_261 = arith.constant 0 : i32
      %dma_wait3A_262 = tpu.memref_slice %arg7[%dma_wait3A_261] : memref<10000xi32, #tpu.memory_space<vmem>> -> memref<40xi32, #tpu.memory_space<vmem>>
      %dma_wait3A_263 = arith.constant 0 : i32
      %dma_wait3A_264 = arith.constant 0 : i32
      %dma_wait3A_265 = tpu.memref_slice %arg2[%dma_wait3A_263, %dma_wait3A_264] : memref<80000x128xf32, #tpu.memory_space<hbm>> -> memref<80000x128xf32, #tpu.memory_space<hbm>>
      tpu.wait_indirect_dma semaphore(%arg13 : memref<!tpu.dma_semaphore, #tpu.memory_space<semaphore_mem>>) src(%dma_wait3A_265 : memref<80000x128xf32, #tpu.memory_space<hbm>>) dst(%dma_wait3A_260 : memref<40x128xf32, #tpu.memory_space<vmem>>)
      %get3A_266 = arith.constant 40 : index
      %get3A_267 = tpu.vector_load %arg9[%get3A_266] {strides = array<i32>} : memref<208xi32, #tpu.memory_space<vmem>>, vector<16xi32>,
      tpu.vector_store_idx %arg11[%get3A_267], %broadcast_in_dim3A_5 {add = true} : memref<10240xf32, #tpu.memory_space<vmem>>[vector<16xi32>], vector<16xf32>,
      %get3A_268 = arith.constant 56 : index
      %get3A_269 = tpu.vector_load %arg9[%get3A_268] {strides = array<i32>} : memref<208xi32, #tpu.memory_space<vmem>>, vector<16xi32>,
      tpu.vector_store_idx %arg11[%get3A_269], %broadcast_in_dim3A_5 {add = true} : memref<10240xf32, #tpu.memory_space<vmem>>[vector<16xi32>], vector<16xf32>,
      %get3A_270 = arith.constant 72 : index
      %get3A_271 = tpu.vector_load %arg9[%get3A_270] {strides = array<i32>} : memref<208xi32, #tpu.memory_space<vmem>>, vector<16xi32>,
      tpu.vector_store_idx %arg11[%get3A_271], %broadcast_in_dim3A_5 masked %lt3A_198 {add = true} : memref<10240xf32, #tpu.memory_space<vmem>>[vector<16xi32>], vector<16xf32>, vector<16xi1>
      %add3A_272 = arith.constant 5 : i32
      %add3A_273 = arith.addi %add3A_246, %add3A_272 : i32
      %sub3A_274 = arith.constant 1 : i32
      %sub3A_275 = arith.subi %add3A_273, %sub3A_274 : i32
      %lt3A_276 = arith.constant 250 : i32
      %lt3A_277 = arith.cmpi slt, %sub3A_275, %lt3A_276 : i32
      %convert_element_type3A_278 = arith.extui %lt3A_277 : i1 to i32
      %cond3A_279 = arith.constant 0 : i32
      %cond3A_280 = arith.cmpi ne, %convert_element_type3A_278, %cond3A_279 : i32
      scf.if %cond3A_280 {
        %add3A_400 = arith.constant 5 : i32
        %add3A_401 = arith.addi %add3A_246, %add3A_400 : i32
        %sub3A_402 = arith.constant 1 : i32
        %sub3A_403 = arith.subi %add3A_401, %sub3A_402 : i32
        %mul3A_404 = arith.constant 40 : i32
        %mul3A_405 = arith.muli %sub3A_403, %mul3A_404 : i32
        %add3A_406 = arith.addi %mul3A_67, %mul3A_405 : i32
        %dma_start3A_407 = arith.constant 1 : i32
        %dma_start3A_408 = arith.constant 0 : i32
        %dma_start3A_409 = tpu.memref_slice %arg9[%dma_start3A_408] : memref<208xi32, #tpu.memory_space<vmem>> -> memref<40xi32, #tpu.memory_space<vmem>>
        %dma_start3A_410 = tpu.memref_slice %arg3[%dma_start3A_407, %add3A_406] : memref<2x320000xi32, #tpu.memory_space<hbm>> -> memref<1x40xi32, #tpu.memory_space<hbm>>
        %dma_start3A_411 = tpu.memref_squeeze %dma_start3A_410 : memref<1x40xi32, #tpu.memory_space<hbm>> -> memref<40xi32, #tpu.memory_space<hbm>>
        %dma_start3A_412 = arith.constant 0 : i32
        %dma_start3A_413 = tpu.memref_slice %arg9[%dma_start3A_412] : memref<208xi32, #tpu.memory_space<vmem>> -> memref<40xi32, #tpu.memory_space<vmem>>
        %dma_start3A_414 = tpu.memref_slice %arg3[%dma_start3A_407, %add3A_406] : memref<2x320000xi32, #tpu.memory_space<hbm>> -> memref<1x40xi32, #tpu.memory_space<hbm>>
        %dma_start3A_415 = tpu.memref_squeeze %dma_start3A_414 : memref<1x40xi32, #tpu.memory_space<hbm>> -> memref<40xi32, #tpu.memory_space<hbm>>
        tpu.enqueue_dma source(%dma_start3A_415 : memref<40xi32, #tpu.memory_space<hbm>>) target(%dma_start3A_413 : memref<40xi32, #tpu.memory_space<vmem>>) target_semaphore(%arg14 : memref<!tpu.dma_semaphore, #tpu.memory_space<semaphore_mem>>)
        %mul3A_416 = arith.constant 40 : i32
        %mul3A_417 = arith.muli %sub3A_403, %mul3A_416 : i32
        %dma_start3A_418 = arith.constant 0 : i32
        %dma_start3A_419 = arith.constant 0 : i32
        %dma_start3A_420 = arith.constant 0 : i32
        %dma_start3A_421 = tpu.memref_slice %arg10[%dma_start3A_418, %dma_start3A_419, %dma_start3A_420] : memref<5x40x128xf32, #tpu.memory_space<vmem>> -> memref<1x40x128xf32, #tpu.memory_space<vmem>>
        %dma_start3A_422 = tpu.memref_squeeze %dma_start3A_421 : memref<1x40x128xf32, #tpu.memory_space<vmem>> -> memref<40x128xf32, #tpu.memory_space<vmem>>
        %dma_start3A_423 = tpu.memref_slice %arg7[%mul3A_417] : memref<10000xi32, #tpu.memory_space<vmem>> -> memref<40xi32, #tpu.memory_space<vmem>>
        %dma_start3A_424 = arith.constant 0 : i32
        %dma_start3A_425 = arith.constant 0 : i32
        %dma_start3A_426 = tpu.memref_slice %arg2[%dma_start3A_424, %dma_start3A_425] : memref<80000x128xf32, #tpu.memory_space<hbm>> -> memref<80000x128xf32, #tpu.memory_space<hbm>>
        tpu.enqueue_indirect_dma source(%dma_start3A_426 : memref<80000x128xf32, #tpu.memory_space<hbm>>) target(%dma_start3A_422 : memref<40x128xf32, #tpu.memory_space<vmem>>) offsets(%dma_start3A_423 : memref<40xi32, #tpu.memory_space<vmem>>) semaphore(%arg13 : memref<!tpu.dma_semaphore, #tpu.memory_space<semaphore_mem>>)
      } else {
      }
      %run_scoped3A_281 = arith.constant 1 : i32
      "tpu.region"() ({
        %run_scoped3A_400 = tpu.sem_alloc : memref<!tpu.dma_semaphore, #tpu.memory_space<semaphore_mem>>
        %dma_start3A_401 = arith.constant 0 : i32
        %dma_start3A_402 = arith.constant 0 : i32
        %dma_start3A_403 = tpu.memref_slice %arg10[%run_scoped3A_281, %dma_start3A_401, %dma_start3A_402] : memref<5x40x128xf32, #tpu.memory_space<vmem>> -> memref<1x40x128xf32, #tpu.memory_space<vmem>>
        %dma_start3A_404 = tpu.memref_squeeze %dma_start3A_403 : memref<1x40x128xf32, #tpu.memory_space<vmem>> -> memref<40x128xf32, #tpu.memory_space<vmem>>
        %dma_start3A_405 = arith.constant 40 : i32
        %dma_start3A_406 = tpu.memref_slice %arg9[%dma_start3A_405] : memref<208xi32, #tpu.memory_space<vmem>> -> memref<40xi32, #tpu.memory_space<vmem>>
        %dma_start3A_407 = arith.constant 0 : i32
        %dma_start3A_408 = arith.constant 0 : i32
        %dma_start3A_409 = tpu.memref_slice %arg12[%dma_start3A_407, %dma_start3A_408] : memref<10240x128xf32, #tpu.memory_space<vmem_shared>> -> memref<10240x128xf32, #tpu.memory_space<vmem_shared>>
        tpu.enqueue_indirect_dma source(%dma_start3A_404 : memref<40x128xf32, #tpu.memory_space<vmem>>) target(%dma_start3A_409 : memref<10240x128xf32, #tpu.memory_space<vmem_shared>>) offsets(%dma_start3A_406 : memref<40xi32, #tpu.memory_space<vmem>>) semaphore(%run_scoped3A_400 : memref<!tpu.dma_semaphore, #tpu.memory_space<semaphore_mem>>) {add = true}
        %dma_wait3A_410 = arith.constant 0 : i32
        %dma_wait3A_411 = arith.constant 0 : i32
        %dma_wait3A_412 = tpu.memref_slice %arg10[%run_scoped3A_281, %dma_wait3A_410, %dma_wait3A_411] : memref<5x40x128xf32, #tpu.memory_space<vmem>> -> memref<1x40x128xf32, #tpu.memory_space<vmem>>
        %dma_wait3A_413 = tpu.memref_squeeze %dma_wait3A_412 : memref<1x40x128xf32, #tpu.memory_space<vmem>> -> memref<40x128xf32, #tpu.memory_space<vmem>>
        %dma_wait3A_414 = arith.constant 40 : i32
        %dma_wait3A_415 = tpu.memref_slice %arg9[%dma_wait3A_414] : memref<208xi32, #tpu.memory_space<vmem>> -> memref<40xi32, #tpu.memory_space<vmem>>
        %dma_wait3A_416 = arith.constant 0 : i32
        %dma_wait3A_417 = arith.constant 0 : i32
        %dma_wait3A_418 = tpu.memref_slice %arg12[%dma_wait3A_416, %dma_wait3A_417] : memref<10240x128xf32, #tpu.memory_space<vmem_shared>> -> memref<10240x128xf32, #tpu.memory_space<vmem_shared>>
        tpu.wait_indirect_dma semaphore(%run_scoped3A_400 : memref<!tpu.dma_semaphore, #tpu.memory_space<semaphore_mem>>) src(%dma_wait3A_413 : memref<40x128xf32, #tpu.memory_space<vmem>>) dst(%dma_wait3A_418 : memref<10240x128xf32, #tpu.memory_space<vmem_shared>>)
        tpu.yield
      }) : () -> ()
      %mul3A_282 = arith.constant 5 : i32
      %mul3A_283 = arith.muli %mul3A_282, %scan3A_207 : i32
      %add3A_284 = arith.constant 2 : i32
      %add3A_285 = arith.addi %mul3A_283, %add3A_284 : i32
      %dma_wait3A_286 = arith.constant 1 : i32
      %dma_wait3A_287 = arith.constant 80 : i32
      %dma_wait3A_288 = tpu.memref_slice %arg9[%dma_wait3A_287] : memref<208xi32, #tpu.memory_space<vmem>> -> memref<40xi32, #tpu.memory_space<vmem>>
      %dma_wait3A_289 = tpu.memref_slice %arg3[%dma_wait3A_286, %mul3A_67] : memref<2x320000xi32, #tpu.memory_space<hbm>> -> memref<1x40xi32, #tpu.memory_space<hbm>>
      %dma_wait3A_290 = tpu.memref_squeeze %dma_wait3A_289 : memref<1x40xi32, #tpu.memory_space<hbm>> -> memref<40xi32, #tpu.memory_space<hbm>>
      %dma_wait3A_291 = arith.constant 80 : i32
      %dma_wait3A_292 = tpu.memref_slice %arg9[%dma_wait3A_291] : memref<208xi32, #tpu.memory_space<vmem>> -> memref<40xi32, #tpu.memory_space<vmem>>
      %dma_wait3A_293 = tpu.memref_slice %arg3[%dma_wait3A_286, %mul3A_67] : memref<2x320000xi32, #tpu.memory_space<hbm>> -> memref<1x40xi32, #tpu.memory_space<hbm>>
      %dma_wait3A_294 = tpu.memref_squeeze %dma_wait3A_293 : memref<1x40xi32, #tpu.memory_space<hbm>> -> memref<40xi32, #tpu.memory_space<hbm>>
      tpu.wait_dma2 semaphore(%arg14 : memref<!tpu.dma_semaphore, #tpu.memory_space<semaphore_mem>>) src(%dma_wait3A_294 : memref<40xi32, #tpu.memory_space<hbm>>) dst(%dma_wait3A_292 : memref<40xi32, #tpu.memory_space<vmem>>)
      %dma_wait3A_295 = arith.constant 2 : i32
      %dma_wait3A_296 = arith.constant 0 : i32
      %dma_wait3A_297 = arith.constant 0 : i32
      %dma_wait3A_298 = tpu.memref_slice %arg10[%dma_wait3A_295, %dma_wait3A_296, %dma_wait3A_297] : memref<5x40x128xf32, #tpu.memory_space<vmem>> -> memref<1x40x128xf32, #tpu.memory_space<vmem>>
      %dma_wait3A_299 = tpu.memref_squeeze %dma_wait3A_298 : memref<1x40x128xf32, #tpu.memory_space<vmem>> -> memref<40x128xf32, #tpu.memory_space<vmem>>
      %dma_wait3A_300 = arith.constant 0 : i32
      %dma_wait3A_301 = tpu.memref_slice %arg7[%dma_wait3A_300] : memref<10000xi32, #tpu.memory_space<vmem>> -> memref<40xi32, #tpu.memory_space<vmem>>
      %dma_wait3A_302 = arith.constant 0 : i32
      %dma_wait3A_303 = arith.constant 0 : i32
      %dma_wait3A_304 = tpu.memref_slice %arg2[%dma_wait3A_302, %dma_wait3A_303] : memref<80000x128xf32, #tpu.memory_space<hbm>> -> memref<80000x128xf32, #tpu.memory_space<hbm>>
      tpu.wait_indirect_dma semaphore(%arg13 : memref<!tpu.dma_semaphore, #tpu.memory_space<semaphore_mem>>) src(%dma_wait3A_304 : memref<80000x128xf32, #tpu.memory_space<hbm>>) dst(%dma_wait3A_299 : memref<40x128xf32, #tpu.memory_space<vmem>>)
      %get3A_305 = arith.constant 80 : index
      %get3A_306 = tpu.vector_load %arg9[%get3A_305] {strides = array<i32>} : memref<208xi32, #tpu.memory_space<vmem>>, vector<16xi32>,
      tpu.vector_store_idx %arg11[%get3A_306], %broadcast_in_dim3A_5 {add = true} : memref<10240xf32, #tpu.memory_space<vmem>>[vector<16xi32>], vector<16xf32>,
      %get3A_307 = arith.constant 96 : index
      %get3A_308 = tpu.vector_load %arg9[%get3A_307] {strides = array<i32>} : memref<208xi32, #tpu.memory_space<vmem>>, vector<16xi32>,
      tpu.vector_store_idx %arg11[%get3A_308], %broadcast_in_dim3A_5 {add = true} : memref<10240xf32, #tpu.memory_space<vmem>>[vector<16xi32>], vector<16xf32>,
      %get3A_309 = arith.constant 112 : index
      %get3A_310 = tpu.vector_load %arg9[%get3A_309] {strides = array<i32>} : memref<208xi32, #tpu.memory_space<vmem>>, vector<16xi32>,
      tpu.vector_store_idx %arg11[%get3A_310], %broadcast_in_dim3A_5 masked %lt3A_198 {add = true} : memref<10240xf32, #tpu.memory_space<vmem>>[vector<16xi32>], vector<16xf32>, vector<16xi1>
      %add3A_311 = arith.constant 5 : i32
      %add3A_312 = arith.addi %add3A_285, %add3A_311 : i32
      %sub3A_313 = arith.constant 1 : i32
      %sub3A_314 = arith.subi %add3A_312, %sub3A_313 : i32
      %lt3A_315 = arith.constant 250 : i32
      %lt3A_316 = arith.cmpi slt, %sub3A_314, %lt3A_315 : i32
      %convert_element_type3A_317 = arith.extui %lt3A_316 : i1 to i32
      %cond3A_318 = arith.constant 0 : i32
      %cond3A_319 = arith.cmpi ne, %convert_element_type3A_317, %cond3A_318 : i32
      scf.if %cond3A_319 {
        %add3A_400 = arith.constant 5 : i32
        %add3A_401 = arith.addi %add3A_285, %add3A_400 : i32
        %sub3A_402 = arith.constant 1 : i32
        %sub3A_403 = arith.subi %add3A_401, %sub3A_402 : i32
        %mul3A_404 = arith.constant 40 : i32
        %mul3A_405 = arith.muli %sub3A_403, %mul3A_404 : i32
        %add3A_406 = arith.addi %mul3A_67, %mul3A_405 : i32
        %dma_start3A_407 = arith.constant 1 : i32
        %dma_start3A_408 = arith.constant 40 : i32
        %dma_start3A_409 = tpu.memref_slice %arg9[%dma_start3A_408] : memref<208xi32, #tpu.memory_space<vmem>> -> memref<40xi32, #tpu.memory_space<vmem>>
        %dma_start3A_410 = tpu.memref_slice %arg3[%dma_start3A_407, %add3A_406] : memref<2x320000xi32, #tpu.memory_space<hbm>> -> memref<1x40xi32, #tpu.memory_space<hbm>>
        %dma_start3A_411 = tpu.memref_squeeze %dma_start3A_410 : memref<1x40xi32, #tpu.memory_space<hbm>> -> memref<40xi32, #tpu.memory_space<hbm>>
        %dma_start3A_412 = arith.constant 40 : i32
        %dma_start3A_413 = tpu.memref_slice %arg9[%dma_start3A_412] : memref<208xi32, #tpu.memory_space<vmem>> -> memref<40xi32, #tpu.memory_space<vmem>>
        %dma_start3A_414 = tpu.memref_slice %arg3[%dma_start3A_407, %add3A_406] : memref<2x320000xi32, #tpu.memory_space<hbm>> -> memref<1x40xi32, #tpu.memory_space<hbm>>
        %dma_start3A_415 = tpu.memref_squeeze %dma_start3A_414 : memref<1x40xi32, #tpu.memory_space<hbm>> -> memref<40xi32, #tpu.memory_space<hbm>>
        tpu.enqueue_dma source(%dma_start3A_415 : memref<40xi32, #tpu.memory_space<hbm>>) target(%dma_start3A_413 : memref<40xi32, #tpu.memory_space<vmem>>) target_semaphore(%arg14 : memref<!tpu.dma_semaphore, #tpu.memory_space<semaphore_mem>>)
        %mul3A_416 = arith.constant 40 : i32
        %mul3A_417 = arith.muli %sub3A_403, %mul3A_416 : i32
        %dma_start3A_418 = arith.constant 1 : i32
        %dma_start3A_419 = arith.constant 0 : i32
        %dma_start3A_420 = arith.constant 0 : i32
        %dma_start3A_421 = tpu.memref_slice %arg10[%dma_start3A_418, %dma_start3A_419, %dma_start3A_420] : memref<5x40x128xf32, #tpu.memory_space<vmem>> -> memref<1x40x128xf32, #tpu.memory_space<vmem>>
        %dma_start3A_422 = tpu.memref_squeeze %dma_start3A_421 : memref<1x40x128xf32, #tpu.memory_space<vmem>> -> memref<40x128xf32, #tpu.memory_space<vmem>>
        %dma_start3A_423 = tpu.memref_slice %arg7[%mul3A_417] : memref<10000xi32, #tpu.memory_space<vmem>> -> memref<40xi32, #tpu.memory_space<vmem>>
        %dma_start3A_424 = arith.constant 0 : i32
        %dma_start3A_425 = arith.constant 0 : i32
        %dma_start3A_426 = tpu.memref_slice %arg2[%dma_start3A_424, %dma_start3A_425] : memref<80000x128xf32, #tpu.memory_space<hbm>> -> memref<80000x128xf32, #tpu.memory_space<hbm>>
        tpu.enqueue_indirect_dma source(%dma_start3A_426 : memref<80000x128xf32, #tpu.memory_space<hbm>>) target(%dma_start3A_422 : memref<40x128xf32, #tpu.memory_space<vmem>>) offsets(%dma_start3A_423 : memref<40xi32, #tpu.memory_space<vmem>>) semaphore(%arg13 : memref<!tpu.dma_semaphore, #tpu.memory_space<semaphore_mem>>)
      } else {
      }
      %run_scoped3A_320 = arith.constant 2 : i32
      "tpu.region"() ({
        %run_scoped3A_400 = tpu.sem_alloc : memref<!tpu.dma_semaphore, #tpu.memory_space<semaphore_mem>>
        %dma_start3A_401 = arith.constant 0 : i32
        %dma_start3A_402 = arith.constant 0 : i32
        %dma_start3A_403 = tpu.memref_slice %arg10[%run_scoped3A_320, %dma_start3A_401, %dma_start3A_402] : memref<5x40x128xf32, #tpu.memory_space<vmem>> -> memref<1x40x128xf32, #tpu.memory_space<vmem>>
        %dma_start3A_404 = tpu.memref_squeeze %dma_start3A_403 : memref<1x40x128xf32, #tpu.memory_space<vmem>> -> memref<40x128xf32, #tpu.memory_space<vmem>>
        %dma_start3A_405 = arith.constant 80 : i32
        %dma_start3A_406 = tpu.memref_slice %arg9[%dma_start3A_405] : memref<208xi32, #tpu.memory_space<vmem>> -> memref<40xi32, #tpu.memory_space<vmem>>
        %dma_start3A_407 = arith.constant 0 : i32
        %dma_start3A_408 = arith.constant 0 : i32
        %dma_start3A_409 = tpu.memref_slice %arg12[%dma_start3A_407, %dma_start3A_408] : memref<10240x128xf32, #tpu.memory_space<vmem_shared>> -> memref<10240x128xf32, #tpu.memory_space<vmem_shared>>
        tpu.enqueue_indirect_dma source(%dma_start3A_404 : memref<40x128xf32, #tpu.memory_space<vmem>>) target(%dma_start3A_409 : memref<10240x128xf32, #tpu.memory_space<vmem_shared>>) offsets(%dma_start3A_406 : memref<40xi32, #tpu.memory_space<vmem>>) semaphore(%run_scoped3A_400 : memref<!tpu.dma_semaphore, #tpu.memory_space<semaphore_mem>>) {add = true}
        %dma_wait3A_410 = arith.constant 0 : i32
        %dma_wait3A_411 = arith.constant 0 : i32
        %dma_wait3A_412 = tpu.memref_slice %arg10[%run_scoped3A_320, %dma_wait3A_410, %dma_wait3A_411] : memref<5x40x128xf32, #tpu.memory_space<vmem>> -> memref<1x40x128xf32, #tpu.memory_space<vmem>>
        %dma_wait3A_413 = tpu.memref_squeeze %dma_wait3A_412 : memref<1x40x128xf32, #tpu.memory_space<vmem>> -> memref<40x128xf32, #tpu.memory_space<vmem>>
        %dma_wait3A_414 = arith.constant 80 : i32
        %dma_wait3A_415 = tpu.memref_slice %arg9[%dma_wait3A_414] : memref<208xi32, #tpu.memory_space<vmem>> -> memref<40xi32, #tpu.memory_space<vmem>>
        %dma_wait3A_416 = arith.constant 0 : i32
        %dma_wait3A_417 = arith.constant 0 : i32
        %dma_wait3A_418 = tpu.memref_slice %arg12[%dma_wait3A_416, %dma_wait3A_417] : memref<10240x128xf32, #tpu.memory_space<vmem_shared>> -> memref<10240x128xf32, #tpu.memory_space<vmem_shared>>
        tpu.wait_indirect_dma semaphore(%run_scoped3A_400 : memref<!tpu.dma_semaphore, #tpu.memory_space<semaphore_mem>>) src(%dma_wait3A_413 : memref<40x128xf32, #tpu.memory_space<vmem>>) dst(%dma_wait3A_418 : memref<10240x128xf32, #tpu.memory_space<vmem_shared>>)
        tpu.yield
      }) : () -> ()
      %mul3A_321 = arith.constant 5 : i32
      %mul3A_322 = arith.muli %mul3A_321, %scan3A_207 : i32
      %add3A_323 = arith.constant 3 : i32
      %add3A_324 = arith.addi %mul3A_322, %add3A_323 : i32
      %dma_wait3A_325 = arith.constant 1 : i32
      %dma_wait3A_326 = arith.constant 120 : i32
      %dma_wait3A_327 = tpu.memref_slice %arg9[%dma_wait3A_326] : memref<208xi32, #tpu.memory_space<vmem>> -> memref<40xi32, #tpu.memory_space<vmem>>
      %dma_wait3A_328 = tpu.memref_slice %arg3[%dma_wait3A_325, %mul3A_67] : memref<2x320000xi32, #tpu.memory_space<hbm>> -> memref<1x40xi32, #tpu.memory_space<hbm>>
      %dma_wait3A_329 = tpu.memref_squeeze %dma_wait3A_328 : memref<1x40xi32, #tpu.memory_space<hbm>> -> memref<40xi32, #tpu.memory_space<hbm>>
      %dma_wait3A_330 = arith.constant 120 : i32
      %dma_wait3A_331 = tpu.memref_slice %arg9[%dma_wait3A_330] : memref<208xi32, #tpu.memory_space<vmem>> -> memref<40xi32, #tpu.memory_space<vmem>>
      %dma_wait3A_332 = tpu.memref_slice %arg3[%dma_wait3A_325, %mul3A_67] : memref<2x320000xi32, #tpu.memory_space<hbm>> -> memref<1x40xi32, #tpu.memory_space<hbm>>
      %dma_wait3A_333 = tpu.memref_squeeze %dma_wait3A_332 : memref<1x40xi32, #tpu.memory_space<hbm>> -> memref<40xi32, #tpu.memory_space<hbm>>
      tpu.wait_dma2 semaphore(%arg14 : memref<!tpu.dma_semaphore, #tpu.memory_space<semaphore_mem>>) src(%dma_wait3A_333 : memref<40xi32, #tpu.memory_space<hbm>>) dst(%dma_wait3A_331 : memref<40xi32, #tpu.memory_space<vmem>>)
      %dma_wait3A_334 = arith.constant 3 : i32
      %dma_wait3A_335 = arith.constant 0 : i32
      %dma_wait3A_336 = arith.constant 0 : i32
      %dma_wait3A_337 = tpu.memref_slice %arg10[%dma_wait3A_334, %dma_wait3A_335, %dma_wait3A_336] : memref<5x40x128xf32, #tpu.memory_space<vmem>> -> memref<1x40x128xf32, #tpu.memory_space<vmem>>
      %dma_wait3A_338 = tpu.memref_squeeze %dma_wait3A_337 : memref<1x40x128xf32, #tpu.memory_space<vmem>> -> memref<40x128xf32, #tpu.memory_space<vmem>>
      %dma_wait3A_339 = arith.constant 0 : i32
      %dma_wait3A_340 = tpu.memref_slice %arg7[%dma_wait3A_339] : memref<10000xi32, #tpu.memory_space<vmem>> -> memref<40xi32, #tpu.memory_space<vmem>>
      %dma_wait3A_341 = arith.constant 0 : i32
      %dma_wait3A_342 = arith.constant 0 : i32
      %dma_wait3A_343 = tpu.memref_slice %arg2[%dma_wait3A_341, %dma_wait3A_342] : memref<80000x128xf32, #tpu.memory_space<hbm>> -> memref<80000x128xf32, #tpu.memory_space<hbm>>
      tpu.wait_indirect_dma semaphore(%arg13 : memref<!tpu.dma_semaphore, #tpu.memory_space<semaphore_mem>>) src(%dma_wait3A_343 : memref<80000x128xf32, #tpu.memory_space<hbm>>) dst(%dma_wait3A_338 : memref<40x128xf32, #tpu.memory_space<vmem>>)
      %get3A_344 = arith.constant 120 : index
      %get3A_345 = tpu.vector_load %arg9[%get3A_344] {strides = array<i32>} : memref<208xi32, #tpu.memory_space<vmem>>, vector<16xi32>,
      tpu.vector_store_idx %arg11[%get3A_345], %broadcast_in_dim3A_5 {add = true} : memref<10240xf32, #tpu.memory_space<vmem>>[vector<16xi32>], vector<16xf32>,
      %get3A_346 = arith.constant 136 : index
      %get3A_347 = tpu.vector_load %arg9[%get3A_346] {strides = array<i32>} : memref<208xi32, #tpu.memory_space<vmem>>, vector<16xi32>,
      tpu.vector_store_idx %arg11[%get3A_347], %broadcast_in_dim3A_5 {add = true} : memref<10240xf32, #tpu.memory_space<vmem>>[vector<16xi32>], vector<16xf32>,
      %get3A_348 = arith.constant 152 : index
      %get3A_349 = tpu.vector_load %arg9[%get3A_348] {strides = array<i32>} : memref<208xi32, #tpu.memory_space<vmem>>, vector<16xi32>,
      tpu.vector_store_idx %arg11[%get3A_349], %broadcast_in_dim3A_5 masked %lt3A_198 {add = true} : memref<10240xf32, #tpu.memory_space<vmem>>[vector<16xi32>], vector<16xf32>, vector<16xi1>
      %add3A_350 = arith.constant 5 : i32
      %add3A_351 = arith.addi %add3A_324, %add3A_350 : i32
      %sub3A_352 = arith.constant 1 : i32
      %sub3A_353 = arith.subi %add3A_351, %sub3A_352 : i32
      %lt3A_354 = arith.constant 250 : i32
      %lt3A_355 = arith.cmpi slt, %sub3A_353, %lt3A_354 : i32
      %convert_element_type3A_356 = arith.extui %lt3A_355 : i1 to i32
      %cond3A_357 = arith.constant 0 : i32
      %cond3A_358 = arith.cmpi ne, %convert_element_type3A_356, %cond3A_357 : i32
      scf.if %cond3A_358 {
        %add3A_400 = arith.constant 5 : i32
        %add3A_401 = arith.addi %add3A_324, %add3A_400 : i32
        %sub3A_402 = arith.constant 1 : i32
        %sub3A_403 = arith.subi %add3A_401, %sub3A_402 : i32
        %mul3A_404 = arith.constant 40 : i32
        %mul3A_405 = arith.muli %sub3A_403, %mul3A_404 : i32
        %add3A_406 = arith.addi %mul3A_67, %mul3A_405 : i32
        %dma_start3A_407 = arith.constant 1 : i32
        %dma_start3A_408 = arith.constant 80 : i32
        %dma_start3A_409 = tpu.memref_slice %arg9[%dma_start3A_408] : memref<208xi32, #tpu.memory_space<vmem>> -> memref<40xi32, #tpu.memory_space<vmem>>
        %dma_start3A_410 = tpu.memref_slice %arg3[%dma_start3A_407, %add3A_406] : memref<2x320000xi32, #tpu.memory_space<hbm>> -> memref<1x40xi32, #tpu.memory_space<hbm>>
        %dma_start3A_411 = tpu.memref_squeeze %dma_start3A_410 : memref<1x40xi32, #tpu.memory_space<hbm>> -> memref<40xi32, #tpu.memory_space<hbm>>
        %dma_start3A_412 = arith.constant 80 : i32
        %dma_start3A_413 = tpu.memref_slice %arg9[%dma_start3A_412] : memref<208xi32, #tpu.memory_space<vmem>> -> memref<40xi32, #tpu.memory_space<vmem>>
        %dma_start3A_414 = tpu.memref_slice %arg3[%dma_start3A_407, %add3A_406] : memref<2x320000xi32, #tpu.memory_space<hbm>> -> memref<1x40xi32, #tpu.memory_space<hbm>>
        %dma_start3A_415 = tpu.memref_squeeze %dma_start3A_414 : memref<1x40xi32, #tpu.memory_space<hbm>> -> memref<40xi32, #tpu.memory_space<hbm>>
        tpu.enqueue_dma source(%dma_start3A_415 : memref<40xi32, #tpu.memory_space<hbm>>) target(%dma_start3A_413 : memref<40xi32, #tpu.memory_space<vmem>>) target_semaphore(%arg14 : memref<!tpu.dma_semaphore, #tpu.memory_space<semaphore_mem>>)
        %mul3A_416 = arith.constant 40 : i32
        %mul3A_417 = arith.muli %sub3A_403, %mul3A_416 : i32
        %dma_start3A_418 = arith.constant 2 : i32
        %dma_start3A_419 = arith.constant 0 : i32
        %dma_start3A_420 = arith.constant 0 : i32
        %dma_start3A_421 = tpu.memref_slice %arg10[%dma_start3A_418, %dma_start3A_419, %dma_start3A_420] : memref<5x40x128xf32, #tpu.memory_space<vmem>> -> memref<1x40x128xf32, #tpu.memory_space<vmem>>
        %dma_start3A_422 = tpu.memref_squeeze %dma_start3A_421 : memref<1x40x128xf32, #tpu.memory_space<vmem>> -> memref<40x128xf32, #tpu.memory_space<vmem>>
        %dma_start3A_423 = tpu.memref_slice %arg7[%mul3A_417] : memref<10000xi32, #tpu.memory_space<vmem>> -> memref<40xi32, #tpu.memory_space<vmem>>
        %dma_start3A_424 = arith.constant 0 : i32
        %dma_start3A_425 = arith.constant 0 : i32
        %dma_start3A_426 = tpu.memref_slice %arg2[%dma_start3A_424, %dma_start3A_425] : memref<80000x128xf32, #tpu.memory_space<hbm>> -> memref<80000x128xf32, #tpu.memory_space<hbm>>
        tpu.enqueue_indirect_dma source(%dma_start3A_426 : memref<80000x128xf32, #tpu.memory_space<hbm>>) target(%dma_start3A_422 : memref<40x128xf32, #tpu.memory_space<vmem>>) offsets(%dma_start3A_423 : memref<40xi32, #tpu.memory_space<vmem>>) semaphore(%arg13 : memref<!tpu.dma_semaphore, #tpu.memory_space<semaphore_mem>>)
      } else {
      }
      %run_scoped3A_359 = arith.constant 3 : i32
      "tpu.region"() ({
        %run_scoped3A_400 = tpu.sem_alloc : memref<!tpu.dma_semaphore, #tpu.memory_space<semaphore_mem>>
        %dma_start3A_401 = arith.constant 0 : i32
        %dma_start3A_402 = arith.constant 0 : i32
        %dma_start3A_403 = tpu.memref_slice %arg10[%run_scoped3A_359, %dma_start3A_401, %dma_start3A_402] : memref<5x40x128xf32, #tpu.memory_space<vmem>> -> memref<1x40x128xf32, #tpu.memory_space<vmem>>
        %dma_start3A_404 = tpu.memref_squeeze %dma_start3A_403 : memref<1x40x128xf32, #tpu.memory_space<vmem>> -> memref<40x128xf32, #tpu.memory_space<vmem>>
        %dma_start3A_405 = arith.constant 120 : i32
        %dma_start3A_406 = tpu.memref_slice %arg9[%dma_start3A_405] : memref<208xi32, #tpu.memory_space<vmem>> -> memref<40xi32, #tpu.memory_space<vmem>>
        %dma_start3A_407 = arith.constant 0 : i32
        %dma_start3A_408 = arith.constant 0 : i32
        %dma_start3A_409 = tpu.memref_slice %arg12[%dma_start3A_407, %dma_start3A_408] : memref<10240x128xf32, #tpu.memory_space<vmem_shared>> -> memref<10240x128xf32, #tpu.memory_space<vmem_shared>>
        tpu.enqueue_indirect_dma source(%dma_start3A_404 : memref<40x128xf32, #tpu.memory_space<vmem>>) target(%dma_start3A_409 : memref<10240x128xf32, #tpu.memory_space<vmem_shared>>) offsets(%dma_start3A_406 : memref<40xi32, #tpu.memory_space<vmem>>) semaphore(%run_scoped3A_400 : memref<!tpu.dma_semaphore, #tpu.memory_space<semaphore_mem>>) {add = true}
        %dma_wait3A_410 = arith.constant 0 : i32
        %dma_wait3A_411 = arith.constant 0 : i32
        %dma_wait3A_412 = tpu.memref_slice %arg10[%run_scoped3A_359, %dma_wait3A_410, %dma_wait3A_411] : memref<5x40x128xf32, #tpu.memory_space<vmem>> -> memref<1x40x128xf32, #tpu.memory_space<vmem>>
        %dma_wait3A_413 = tpu.memref_squeeze %dma_wait3A_412 : memref<1x40x128xf32, #tpu.memory_space<vmem>> -> memref<40x128xf32, #tpu.memory_space<vmem>>
        %dma_wait3A_414 = arith.constant 120 : i32
        %dma_wait3A_415 = tpu.memref_slice %arg9[%dma_wait3A_414] : memref<208xi32, #tpu.memory_space<vmem>> -> memref<40xi32, #tpu.memory_space<vmem>>
        %dma_wait3A_416 = arith.constant 0 : i32
        %dma_wait3A_417 = arith.constant 0 : i32
        %dma_wait3A_418 = tpu.memref_slice %arg12[%dma_wait3A_416, %dma_wait3A_417] : memref<10240x128xf32, #tpu.memory_space<vmem_shared>> -> memref<10240x128xf32, #tpu.memory_space<vmem_shared>>
        tpu.wait_indirect_dma semaphore(%run_scoped3A_400 : memref<!tpu.dma_semaphore, #tpu.memory_space<semaphore_mem>>) src(%dma_wait3A_413 : memref<40x128xf32, #tpu.memory_space<vmem>>) dst(%dma_wait3A_418 : memref<10240x128xf32, #tpu.memory_space<vmem_shared>>)
        tpu.yield
      }) : () -> ()
      %mul3A_360 = arith.constant 5 : i32
      %mul3A_361 = arith.muli %mul3A_360, %scan3A_207 : i32
      %add3A_362 = arith.constant 4 : i32
      %add3A_363 = arith.addi %mul3A_361, %add3A_362 : i32
      %dma_wait3A_364 = arith.constant 1 : i32
      %dma_wait3A_365 = arith.constant 160 : i32
      %dma_wait3A_366 = tpu.memref_slice %arg9[%dma_wait3A_365] : memref<208xi32, #tpu.memory_space<vmem>> -> memref<40xi32, #tpu.memory_space<vmem>>
      %dma_wait3A_367 = tpu.memref_slice %arg3[%dma_wait3A_364, %mul3A_67] : memref<2x320000xi32, #tpu.memory_space<hbm>> -> memref<1x40xi32, #tpu.memory_space<hbm>>
      %dma_wait3A_368 = tpu.memref_squeeze %dma_wait3A_367 : memref<1x40xi32, #tpu.memory_space<hbm>> -> memref<40xi32, #tpu.memory_space<hbm>>
      %dma_wait3A_369 = arith.constant 160 : i32
      %dma_wait3A_370 = tpu.memref_slice %arg9[%dma_wait3A_369] : memref<208xi32, #tpu.memory_space<vmem>> -> memref<40xi32, #tpu.memory_space<vmem>>
      %dma_wait3A_371 = tpu.memref_slice %arg3[%dma_wait3A_364, %mul3A_67] : memref<2x320000xi32, #tpu.memory_space<hbm>> -> memref<1x40xi32, #tpu.memory_space<hbm>>
      %dma_wait3A_372 = tpu.memref_squeeze %dma_wait3A_371 : memref<1x40xi32, #tpu.memory_space<hbm>> -> memref<40xi32, #tpu.memory_space<hbm>>
      tpu.wait_dma2 semaphore(%arg14 : memref<!tpu.dma_semaphore, #tpu.memory_space<semaphore_mem>>) src(%dma_wait3A_372 : memref<40xi32, #tpu.memory_space<hbm>>) dst(%dma_wait3A_370 : memref<40xi32, #tpu.memory_space<vmem>>)
      %dma_wait3A_373 = arith.constant 4 : i32
      %dma_wait3A_374 = arith.constant 0 : i32
      %dma_wait3A_375 = arith.constant 0 : i32
      %dma_wait3A_376 = tpu.memref_slice %arg10[%dma_wait3A_373, %dma_wait3A_374, %dma_wait3A_375] : memref<5x40x128xf32, #tpu.memory_space<vmem>> -> memref<1x40x128xf32, #tpu.memory_space<vmem>>
      %dma_wait3A_377 = tpu.memref_squeeze %dma_wait3A_376 : memref<1x40x128xf32, #tpu.memory_space<vmem>> -> memref<40x128xf32, #tpu.memory_space<vmem>>
      %dma_wait3A_378 = arith.constant 0 : i32
      %dma_wait3A_379 = tpu.memref_slice %arg7[%dma_wait3A_378] : memref<10000xi32, #tpu.memory_space<vmem>> -> memref<40xi32, #tpu.memory_space<vmem>>
      %dma_wait3A_380 = arith.constant 0 : i32
      %dma_wait3A_381 = arith.constant 0 : i32
      %dma_wait3A_382 = tpu.memref_slice %arg2[%dma_wait3A_380, %dma_wait3A_381] : memref<80000x128xf32, #tpu.memory_space<hbm>> -> memref<80000x128xf32, #tpu.memory_space<hbm>>
      tpu.wait_indirect_dma semaphore(%arg13 : memref<!tpu.dma_semaphore, #tpu.memory_space<semaphore_mem>>) src(%dma_wait3A_382 : memref<80000x128xf32, #tpu.memory_space<hbm>>) dst(%dma_wait3A_377 : memref<40x128xf32, #tpu.memory_space<vmem>>)
      %get3A_383 = arith.constant 160 : index
      %get3A_384 = tpu.vector_load %arg9[%get3A_383] {strides = array<i32>} : memref<208xi32, #tpu.memory_space<vmem>>, vector<16xi32>,
      tpu.vector_store_idx %arg11[%get3A_384], %broadcast_in_dim3A_5 {add = true} : memref<10240xf32, #tpu.memory_space<vmem>>[vector<16xi32>], vector<16xf32>,
      %get3A_385 = arith.constant 176 : index
      %get3A_386 = tpu.vector_load %arg9[%get3A_385] {strides = array<i32>} : memref<208xi32, #tpu.memory_space<vmem>>, vector<16xi32>,
      tpu.vector_store_idx %arg11[%get3A_386], %broadcast_in_dim3A_5 {add = true} : memref<10240xf32, #tpu.memory_space<vmem>>[vector<16xi32>], vector<16xf32>,
      %get3A_387 = arith.constant 192 : index
      %get3A_388 = tpu.vector_load %arg9[%get3A_387] {strides = array<i32>} : memref<208xi32, #tpu.memory_space<vmem>>, vector<16xi32>,
      tpu.vector_store_idx %arg11[%get3A_388], %broadcast_in_dim3A_5 masked %lt3A_198 {add = true} : memref<10240xf32, #tpu.memory_space<vmem>>[vector<16xi32>], vector<16xf32>, vector<16xi1>
      %add3A_389 = arith.constant 5 : i32
      %add3A_390 = arith.addi %add3A_363, %add3A_389 : i32
      %sub3A_391 = arith.constant 1 : i32
      %sub3A_392 = arith.subi %add3A_390, %sub3A_391 : i32
      %lt3A_393 = arith.constant 250 : i32
      %lt3A_394 = arith.cmpi slt, %sub3A_392, %lt3A_393 : i32
      %convert_element_type3A_395 = arith.extui %lt3A_394 : i1 to i32
      %cond3A_396 = arith.constant 0 : i32
      %cond3A_397 = arith.cmpi ne, %convert_element_type3A_395, %cond3A_396 : i32
      scf.if %cond3A_397 {
        %add3A_400 = arith.constant 5 : i32
        %add3A_401 = arith.addi %add3A_363, %add3A_400 : i32
        %sub3A_402 = arith.constant 1 : i32
        %sub3A_403 = arith.subi %add3A_401, %sub3A_402 : i32
        %mul3A_404 = arith.constant 40 : i32
        %mul3A_405 = arith.muli %sub3A_403, %mul3A_404 : i32
        %add3A_406 = arith.addi %mul3A_67, %mul3A_405 : i32
        %dma_start3A_407 = arith.constant 1 : i32
        %dma_start3A_408 = arith.constant 120 : i32
        %dma_start3A_409 = tpu.memref_slice %arg9[%dma_start3A_408] : memref<208xi32, #tpu.memory_space<vmem>> -> memref<40xi32, #tpu.memory_space<vmem>>
        %dma_start3A_410 = tpu.memref_slice %arg3[%dma_start3A_407, %add3A_406] : memref<2x320000xi32, #tpu.memory_space<hbm>> -> memref<1x40xi32, #tpu.memory_space<hbm>>
        %dma_start3A_411 = tpu.memref_squeeze %dma_start3A_410 : memref<1x40xi32, #tpu.memory_space<hbm>> -> memref<40xi32, #tpu.memory_space<hbm>>
        %dma_start3A_412 = arith.constant 120 : i32
        %dma_start3A_413 = tpu.memref_slice %arg9[%dma_start3A_412] : memref<208xi32, #tpu.memory_space<vmem>> -> memref<40xi32, #tpu.memory_space<vmem>>
        %dma_start3A_414 = tpu.memref_slice %arg3[%dma_start3A_407, %add3A_406] : memref<2x320000xi32, #tpu.memory_space<hbm>> -> memref<1x40xi32, #tpu.memory_space<hbm>>
        %dma_start3A_415 = tpu.memref_squeeze %dma_start3A_414 : memref<1x40xi32, #tpu.memory_space<hbm>> -> memref<40xi32, #tpu.memory_space<hbm>>
        tpu.enqueue_dma source(%dma_start3A_415 : memref<40xi32, #tpu.memory_space<hbm>>) target(%dma_start3A_413 : memref<40xi32, #tpu.memory_space<vmem>>) target_semaphore(%arg14 : memref<!tpu.dma_semaphore, #tpu.memory_space<semaphore_mem>>)
        %mul3A_416 = arith.constant 40 : i32
        %mul3A_417 = arith.muli %sub3A_403, %mul3A_416 : i32
        %dma_start3A_418 = arith.constant 3 : i32
        %dma_start3A_419 = arith.constant 0 : i32
        %dma_start3A_420 = arith.constant 0 : i32
        %dma_start3A_421 = tpu.memref_slice %arg10[%dma_start3A_418, %dma_start3A_419, %dma_start3A_420] : memref<5x40x128xf32, #tpu.memory_space<vmem>> -> memref<1x40x128xf32, #tpu.memory_space<vmem>>
        %dma_start3A_422 = tpu.memref_squeeze %dma_start3A_421 : memref<1x40x128xf32, #tpu.memory_space<vmem>> -> memref<40x128xf32, #tpu.memory_space<vmem>>
        %dma_start3A_423 = tpu.memref_slice %arg7[%mul3A_417] : memref<10000xi32, #tpu.memory_space<vmem>> -> memref<40xi32, #tpu.memory_space<vmem>>
        %dma_start3A_424 = arith.constant 0 : i32
        %dma_start3A_425 = arith.constant 0 : i32
        %dma_start3A_426 = tpu.memref_slice %arg2[%dma_start3A_424, %dma_start3A_425] : memref<80000x128xf32, #tpu.memory_space<hbm>> -> memref<80000x128xf32, #tpu.memory_space<hbm>>
        tpu.enqueue_indirect_dma source(%dma_start3A_426 : memref<80000x128xf32, #tpu.memory_space<hbm>>) target(%dma_start3A_422 : memref<40x128xf32, #tpu.memory_space<vmem>>) offsets(%dma_start3A_423 : memref<40xi32, #tpu.memory_space<vmem>>) semaphore(%arg13 : memref<!tpu.dma_semaphore, #tpu.memory_space<semaphore_mem>>)
      } else {
      }
      %run_scoped3A_398 = arith.constant 4 : i32
      "tpu.region"() ({
        %run_scoped3A_400 = tpu.sem_alloc : memref<!tpu.dma_semaphore, #tpu.memory_space<semaphore_mem>>
        %dma_start3A_401 = arith.constant 0 : i32
        %dma_start3A_402 = arith.constant 0 : i32
        %dma_start3A_403 = tpu.memref_slice %arg10[%run_scoped3A_398, %dma_start3A_401, %dma_start3A_402] : memref<5x40x128xf32, #tpu.memory_space<vmem>> -> memref<1x40x128xf32, #tpu.memory_space<vmem>>
        %dma_start3A_404 = tpu.memref_squeeze %dma_start3A_403 : memref<1x40x128xf32, #tpu.memory_space<vmem>> -> memref<40x128xf32, #tpu.memory_space<vmem>>
        %dma_start3A_405 = arith.constant 160 : i32
        %dma_start3A_406 = tpu.memref_slice %arg9[%dma_start3A_405] : memref<208xi32, #tpu.memory_space<vmem>> -> memref<40xi32, #tpu.memory_space<vmem>>
        %dma_start3A_407 = arith.constant 0 : i32
        %dma_start3A_408 = arith.constant 0 : i32
        %dma_start3A_409 = tpu.memref_slice %arg12[%dma_start3A_407, %dma_start3A_408] : memref<10240x128xf32, #tpu.memory_space<vmem_shared>> -> memref<10240x128xf32, #tpu.memory_space<vmem_shared>>
        tpu.enqueue_indirect_dma source(%dma_start3A_404 : memref<40x128xf32, #tpu.memory_space<vmem>>) target(%dma_start3A_409 : memref<10240x128xf32, #tpu.memory_space<vmem_shared>>) offsets(%dma_start3A_406 : memref<40xi32, #tpu.memory_space<vmem>>) semaphore(%run_scoped3A_400 : memref<!tpu.dma_semaphore, #tpu.memory_space<semaphore_mem>>) {add = true}
        %dma_wait3A_410 = arith.constant 0 : i32
        %dma_wait3A_411 = arith.constant 0 : i32
        %dma_wait3A_412 = tpu.memref_slice %arg10[%run_scoped3A_398, %dma_wait3A_410, %dma_wait3A_411] : memref<5x40x128xf32, #tpu.memory_space<vmem>> -> memref<1x40x128xf32, #tpu.memory_space<vmem>>
        %dma_wait3A_413 = tpu.memref_squeeze %dma_wait3A_412 : memref<1x40x128xf32, #tpu.memory_space<vmem>> -> memref<40x128xf32, #tpu.memory_space<vmem>>
        %dma_wait3A_414 = arith.constant 160 : i32
        %dma_wait3A_415 = tpu.memref_slice %arg9[%dma_wait3A_414] : memref<208xi32, #tpu.memory_space<vmem>> -> memref<40xi32, #tpu.memory_space<vmem>>
        %dma_wait3A_416 = arith.constant 0 : i32
        %dma_wait3A_417 = arith.constant 0 : i32
        %dma_wait3A_418 = tpu.memref_slice %arg12[%dma_wait3A_416, %dma_wait3A_417] : memref<10240x128xf32, #tpu.memory_space<vmem_shared>> -> memref<10240x128xf32, #tpu.memory_space<vmem_shared>>
        tpu.wait_indirect_dma semaphore(%run_scoped3A_400 : memref<!tpu.dma_semaphore, #tpu.memory_space<semaphore_mem>>) src(%dma_wait3A_413 : memref<40x128xf32, #tpu.memory_space<vmem>>) dst(%dma_wait3A_418 : memref<10240x128xf32, #tpu.memory_space<vmem_shared>>)
        tpu.yield
      }) : () -> ()
      %scan3A_399 = arith.constant 0 : i32
      scf.yield %scan3A_399 : i32
    }
    %scan3A_205 = arith.constant 50 : i32
    %barrier3A_206 = arith.constant 0 : index
    tpu.barrier barrier_id(%barrier3A_206)
    "tpu.region"() ({
      %run_scoped3A_207 = tpu.sem_alloc : memref<!tpu.dma_semaphore, #tpu.memory_space<semaphore_mem>>
      %dma_start3A_208 = arith.constant 0 : i32
      %dma_start3A_209 = tpu.memref_slice %arg5[%arg0, %mul3A_2, %dma_start3A_208] : memref<2x10240x128xf32, #tpu.memory_space<hbm>> -> memref<1x640x128xf32, #tpu.memory_space<hbm>>
      %dma_start3A_210 = tpu.memref_squeeze %dma_start3A_209 : memref<1x640x128xf32, #tpu.memory_space<hbm>> -> memref<640x128xf32, #tpu.memory_space<hbm>>
      %dma_start3A_211 = arith.constant 0 : i32
      %dma_start3A_212 = tpu.memref_slice %arg12[%mul3A_2, %dma_start3A_211] : memref<10240x128xf32, #tpu.memory_space<vmem_shared>> -> memref<640x128xf32, #tpu.memory_space<vmem_shared>>
      tpu.enqueue_dma source(%dma_start3A_212 : memref<640x128xf32, #tpu.memory_space<vmem_shared>>) target(%dma_start3A_210 : memref<640x128xf32, #tpu.memory_space<hbm>>) target_semaphore(%run_scoped3A_207 : memref<!tpu.dma_semaphore, #tpu.memory_space<semaphore_mem>>)
      %dma_wait3A = arith.constant 0 : i32
      %dma_wait3A_213 = tpu.memref_slice %arg5[%arg0, %mul3A_2, %dma_wait3A] : memref<2x10240x128xf32, #tpu.memory_space<hbm>> -> memref<1x640x128xf32, #tpu.memory_space<hbm>>
      %dma_wait3A_214 = tpu.memref_squeeze %dma_wait3A_213 : memref<1x640x128xf32, #tpu.memory_space<hbm>> -> memref<640x128xf32, #tpu.memory_space<hbm>>
      %dma_wait3A_215 = arith.constant 0 : i32
      %dma_wait3A_216 = tpu.memref_slice %arg12[%mul3A_2, %dma_wait3A_215] : memref<10240x128xf32, #tpu.memory_space<vmem_shared>> -> memref<640x128xf32, #tpu.memory_space<vmem_shared>>
      tpu.wait_dma2 semaphore(%run_scoped3A_207 : memref<!tpu.dma_semaphore, #tpu.memory_space<semaphore_mem>>) src(%dma_wait3A_216 : memref<640x128xf32, #tpu.memory_space<vmem_shared>>) dst(%dma_wait3A_214 : memref<640x128xf32, #tpu.memory_space<hbm>>)
      tpu.yield
    }) : () -> ()
    "tpu.region"() ({
      %run_scoped3A_207 = tpu.sem_alloc : memref<!tpu.dma_semaphore, #tpu.memory_space<semaphore_mem>>
      %dma_start3A_208 = arith.constant 0 : i32
      %dma_start3A_209 = tpu.memref_slice %arg6[%add3A, %dma_start3A_208] : memref<32x10240xf32, #tpu.memory_space<hbm>> -> memref<1x10240xf32, #tpu.memory_space<hbm>>
      %dma_start3A_210 = tpu.memref_squeeze %dma_start3A_209 : memref<1x10240xf32, #tpu.memory_space<hbm>> -> memref<10240xf32, #tpu.memory_space<hbm>>
      %dma_start3A_211 = arith.constant 0 : i32
      %dma_start3A_212 = tpu.memref_slice %arg6[%add3A, %dma_start3A_211] : memref<32x10240xf32, #tpu.memory_space<hbm>> -> memref<1x10240xf32, #tpu.memory_space<hbm>>
      %dma_start3A_213 = tpu.memref_squeeze %dma_start3A_212 : memref<1x10240xf32, #tpu.memory_space<hbm>> -> memref<10240xf32, #tpu.memory_space<hbm>>
      tpu.enqueue_dma source(%arg11 : memref<10240xf32, #tpu.memory_space<vmem>>) target(%dma_start3A_213 : memref<10240xf32, #tpu.memory_space<hbm>>) target_semaphore(%run_scoped3A_207 : memref<!tpu.dma_semaphore, #tpu.memory_space<semaphore_mem>>)
      %dma_wait3A = arith.constant 0 : i32
      %dma_wait3A_214 = tpu.memref_slice %arg6[%add3A, %dma_wait3A] : memref<32x10240xf32, #tpu.memory_space<hbm>> -> memref<1x10240xf32, #tpu.memory_space<hbm>>
      %dma_wait3A_215 = tpu.memref_squeeze %dma_wait3A_214 : memref<1x10240xf32, #tpu.memory_space<hbm>> -> memref<10240xf32, #tpu.memory_space<hbm>>
      %dma_wait3A_216 = arith.constant 0 : i32
      %dma_wait3A_217 = tpu.memref_slice %arg6[%add3A, %dma_wait3A_216] : memref<32x10240xf32, #tpu.memory_space<hbm>> -> memref<1x10240xf32, #tpu.memory_space<hbm>>
      %dma_wait3A_218 = tpu.memref_squeeze %dma_wait3A_217 : memref<1x10240xf32, #tpu.memory_space<hbm>> -> memref<10240xf32, #tpu.memory_space<hbm>>
      tpu.wait_dma2 semaphore(%run_scoped3A_207 : memref<!tpu.dma_semaphore, #tpu.memory_space<semaphore_mem>>) src(%arg11 : memref<10240xf32, #tpu.memory_space<vmem>>) dst(%dma_wait3A_218 : memref<10240xf32, #tpu.memory_space<hbm>>)
      tpu.yield
    }) : () -> ()
    return
  }
}

module attributes {stable_mosaic.version = 14 : i64} {
  func.func @body(%arg0: i32, %arg1: memref<8x4xf32, #tpu.memory_space<vmem>>, %arg2: memref<4x128x128xf32, #tpu.memory_space<vmem>>, %arg3: memref<1000x128xf32, #tpu.memory_space<vmem>>, %arg4: memref<8x1000x128xf32, #tpu.memory_space<vmem>>) attributes {dimension_semantics = [#tpu.dimension_semantics<arbitrary>], iteration_bounds = array<i64: 10>, scalar_prefetch = 0 : i64, scratch_operands = 0 : i64, tpu.core_type = #tpu.core_type<tc>, window_params = [{pipeline_mode = #tpu.pipeline_mode<synchronous>, transform_indices = @transform_0, window_bounds = array<i64: 8, 4>}, {pipeline_mode = #tpu.pipeline_mode<synchronous>, transform_indices = @transform_1, window_bounds = array<i64: 4, 128, 128>}, {transform_indices = @transform_2, window_bounds = array<i64: 1000, 128>}, {transform_indices = @transform_3, window_bounds = array<i64: 8, 1000, 128>}]} {
    %get3A = arith.constant 0 : index
    %get3A_0 = arith.constant 0 : index
    %get3A_1 = vector.load %arg3[%get3A, %get3A_0] : memref<1000x128xf32, #tpu.memory_space<vmem>>, vector<1000x128xf32>
    %get3A_2 = arith.constant 0 : index
    %get3A_3 = arith.constant 0 : index
    %get3A_4 = vector.load %arg1[%get3A_2, %get3A_3] : memref<8x4xf32, #tpu.memory_space<vmem>>, vector<1x4xf32>
    %get3A_5 = vector.shape_cast %get3A_4 : vector<1x4xf32> to vector<4xf32>
    %broadcast_in_dim3A = vector.shape_cast %get3A_5 : vector<4xf32> to vector<4x1x1xf32>
    %get3A_6 = arith.constant 0 : index
    %get3A_7 = arith.constant 0 : index
    %get3A_8 = arith.constant 0 : index
    %get3A_9 = vector.load %arg2[%get3A_6, %get3A_7, %get3A_8] : memref<4x128x128xf32, #tpu.memory_space<vmem>>, vector<4x128x128xf32>
    %mul3A = vector.broadcast %broadcast_in_dim3A : vector<4x1x1xf32> to vector<4x128x128xf32>
    %mul3A_10 = arith.mulf %mul3A, %get3A_9 : vector<4x128x128xf32>
    %reduce_sum3A = arith.constant dense<0.000000e+00> : vector<128x128xf32>
    %reduce_sum3A_11 = vector.multi_reduction <add>, %mul3A_10, %reduce_sum3A [0] : vector<4x128x128xf32> to vector<128x128xf32>
    %dot_general3A = arith.constant dense<0.000000e+00> : vector<1000x128xf32>
    %dot_general3A_12 = tpu.matmul %get3A_1, %reduce_sum3A_11, %dot_general3A {dimension_numbers = #tpu.dot_dimension_numbers<[1], [0], [0], [1], [0, 0, 1, 1], [], []>, transpose_lhs_hint = false} : vector<1000x128xf32>, vector<128x128xf32>, vector<1000x128xf32> -> vector<1000x128xf32>
    %swap3A = arith.constant 0 : index
    %swap3A_13 = arith.constant 0 : index
    %swap3A_14 = arith.constant 0 : index
    %swap3A_15 = vector.load %arg4[%swap3A, %swap3A_13, %swap3A_14] : memref<8x1000x128xf32, #tpu.memory_space<vmem>>, vector<1x1000x128xf32>
    %swap3A_16 = vector.shape_cast %swap3A_15 : vector<1x1000x128xf32> to vector<1000x128xf32>
    %swap3A_17 = vector.shape_cast %dot_general3A_12 : vector<1000x128xf32> to vector<1x1000x128xf32>
    tpu.vector_store %arg4[%swap3A, %swap3A_13, %swap3A_14], %swap3A_17 {strides = array<i32>} : memref<8x1000x128xf32, #tpu.memory_space<vmem>>, vector<1x1000x128xf32>,
    %get3A_18 = arith.constant 1 : index
    %get3A_19 = arith.constant 0 : index
    %get3A_20 = vector.load %arg1[%get3A_18, %get3A_19] : memref<8x4xf32, #tpu.memory_space<vmem>>, vector<1x4xf32>
    %get3A_21 = vector.shape_cast %get3A_20 : vector<1x4xf32> to vector<4xf32>
    %broadcast_in_dim3A_22 = vector.shape_cast %get3A_21 : vector<4xf32> to vector<4x1x1xf32>
    %get3A_23 = arith.constant 0 : index
    %get3A_24 = arith.constant 0 : index
    %get3A_25 = arith.constant 0 : index
    %get3A_26 = vector.load %arg2[%get3A_23, %get3A_24, %get3A_25] : memref<4x128x128xf32, #tpu.memory_space<vmem>>, vector<4x128x128xf32>
    %mul3A_27 = vector.broadcast %broadcast_in_dim3A_22 : vector<4x1x1xf32> to vector<4x128x128xf32>
    %mul3A_28 = arith.mulf %mul3A_27, %get3A_26 : vector<4x128x128xf32>
    %reduce_sum3A_29 = arith.constant dense<0.000000e+00> : vector<128x128xf32>
    %reduce_sum3A_30 = vector.multi_reduction <add>, %mul3A_28, %reduce_sum3A_29 [0] : vector<4x128x128xf32> to vector<128x128xf32>
    %dot_general3A_31 = arith.constant dense<0.000000e+00> : vector<1000x128xf32>
    %dot_general3A_32 = tpu.matmul %get3A_1, %reduce_sum3A_30, %dot_general3A_31 {dimension_numbers = #tpu.dot_dimension_numbers<[1], [0], [0], [1], [0, 0, 1, 1], [], []>, transpose_lhs_hint = false} : vector<1000x128xf32>, vector<128x128xf32>, vector<1000x128xf32> -> vector<1000x128xf32>
    %swap3A_33 = arith.constant 1 : index
    %swap3A_34 = arith.constant 0 : index
    %swap3A_35 = arith.constant 0 : index
    %swap3A_36 = vector.load %arg4[%swap3A_33, %swap3A_34, %swap3A_35] : memref<8x1000x128xf32, #tpu.memory_space<vmem>>, vector<1x1000x128xf32>
    %swap3A_37 = vector.shape_cast %swap3A_36 : vector<1x1000x128xf32> to vector<1000x128xf32>
    %swap3A_38 = vector.shape_cast %dot_general3A_32 : vector<1000x128xf32> to vector<1x1000x128xf32>
    tpu.vector_store %arg4[%swap3A_33, %swap3A_34, %swap3A_35], %swap3A_38 {strides = array<i32>} : memref<8x1000x128xf32, #tpu.memory_space<vmem>>, vector<1x1000x128xf32>,
    %get3A_39 = arith.constant 2 : index
    %get3A_40 = arith.constant 0 : index
    %get3A_41 = vector.load %arg1[%get3A_39, %get3A_40] : memref<8x4xf32, #tpu.memory_space<vmem>>, vector<1x4xf32>
    %get3A_42 = vector.shape_cast %get3A_41 : vector<1x4xf32> to vector<4xf32>
    %broadcast_in_dim3A_43 = vector.shape_cast %get3A_42 : vector<4xf32> to vector<4x1x1xf32>
    %get3A_44 = arith.constant 0 : index
    %get3A_45 = arith.constant 0 : index
    %get3A_46 = arith.constant 0 : index
    %get3A_47 = vector.load %arg2[%get3A_44, %get3A_45, %get3A_46] : memref<4x128x128xf32, #tpu.memory_space<vmem>>, vector<4x128x128xf32>
    %mul3A_48 = vector.broadcast %broadcast_in_dim3A_43 : vector<4x1x1xf32> to vector<4x128x128xf32>
    %mul3A_49 = arith.mulf %mul3A_48, %get3A_47 : vector<4x128x128xf32>
    %reduce_sum3A_50 = arith.constant dense<0.000000e+00> : vector<128x128xf32>
    %reduce_sum3A_51 = vector.multi_reduction <add>, %mul3A_49, %reduce_sum3A_50 [0] : vector<4x128x128xf32> to vector<128x128xf32>
    %dot_general3A_52 = arith.constant dense<0.000000e+00> : vector<1000x128xf32>
    %dot_general3A_53 = tpu.matmul %get3A_1, %reduce_sum3A_51, %dot_general3A_52 {dimension_numbers = #tpu.dot_dimension_numbers<[1], [0], [0], [1], [0, 0, 1, 1], [], []>, transpose_lhs_hint = false} : vector<1000x128xf32>, vector<128x128xf32>, vector<1000x128xf32> -> vector<1000x128xf32>
    %swap3A_54 = arith.constant 2 : index
    %swap3A_55 = arith.constant 0 : index
    %swap3A_56 = arith.constant 0 : index
    %swap3A_57 = vector.load %arg4[%swap3A_54, %swap3A_55, %swap3A_56] : memref<8x1000x128xf32, #tpu.memory_space<vmem>>, vector<1x1000x128xf32>
    %swap3A_58 = vector.shape_cast %swap3A_57 : vector<1x1000x128xf32> to vector<1000x128xf32>
    %swap3A_59 = vector.shape_cast %dot_general3A_53 : vector<1000x128xf32> to vector<1x1000x128xf32>
    tpu.vector_store %arg4[%swap3A_54, %swap3A_55, %swap3A_56], %swap3A_59 {strides = array<i32>} : memref<8x1000x128xf32, #tpu.memory_space<vmem>>, vector<1x1000x128xf32>,
    %get3A_60 = arith.constant 3 : index
    %get3A_61 = arith.constant 0 : index
    %get3A_62 = vector.load %arg1[%get3A_60, %get3A_61] : memref<8x4xf32, #tpu.memory_space<vmem>>, vector<1x4xf32>
    %get3A_63 = vector.shape_cast %get3A_62 : vector<1x4xf32> to vector<4xf32>
    %broadcast_in_dim3A_64 = vector.shape_cast %get3A_63 : vector<4xf32> to vector<4x1x1xf32>
    %get3A_65 = arith.constant 0 : index
    %get3A_66 = arith.constant 0 : index
    %get3A_67 = arith.constant 0 : index
    %get3A_68 = vector.load %arg2[%get3A_65, %get3A_66, %get3A_67] : memref<4x128x128xf32, #tpu.memory_space<vmem>>, vector<4x128x128xf32>
    %mul3A_69 = vector.broadcast %broadcast_in_dim3A_64 : vector<4x1x1xf32> to vector<4x128x128xf32>
    %mul3A_70 = arith.mulf %mul3A_69, %get3A_68 : vector<4x128x128xf32>
    %reduce_sum3A_71 = arith.constant dense<0.000000e+00> : vector<128x128xf32>
    %reduce_sum3A_72 = vector.multi_reduction <add>, %mul3A_70, %reduce_sum3A_71 [0] : vector<4x128x128xf32> to vector<128x128xf32>
    %dot_general3A_73 = arith.constant dense<0.000000e+00> : vector<1000x128xf32>
    %dot_general3A_74 = tpu.matmul %get3A_1, %reduce_sum3A_72, %dot_general3A_73 {dimension_numbers = #tpu.dot_dimension_numbers<[1], [0], [0], [1], [0, 0, 1, 1], [], []>, transpose_lhs_hint = false} : vector<1000x128xf32>, vector<128x128xf32>, vector<1000x128xf32> -> vector<1000x128xf32>
    %swap3A_75 = arith.constant 3 : index
    %swap3A_76 = arith.constant 0 : index
    %swap3A_77 = arith.constant 0 : index
    %swap3A_78 = vector.load %arg4[%swap3A_75, %swap3A_76, %swap3A_77] : memref<8x1000x128xf32, #tpu.memory_space<vmem>>, vector<1x1000x128xf32>
    %swap3A_79 = vector.shape_cast %swap3A_78 : vector<1x1000x128xf32> to vector<1000x128xf32>
    %swap3A_80 = vector.shape_cast %dot_general3A_74 : vector<1000x128xf32> to vector<1x1000x128xf32>
    tpu.vector_store %arg4[%swap3A_75, %swap3A_76, %swap3A_77], %swap3A_80 {strides = array<i32>} : memref<8x1000x128xf32, #tpu.memory_space<vmem>>, vector<1x1000x128xf32>,
    %get3A_81 = arith.constant 4 : index
    %get3A_82 = arith.constant 0 : index
    %get3A_83 = vector.load %arg1[%get3A_81, %get3A_82] : memref<8x4xf32, #tpu.memory_space<vmem>>, vector<1x4xf32>
    %get3A_84 = vector.shape_cast %get3A_83 : vector<1x4xf32> to vector<4xf32>
    %broadcast_in_dim3A_85 = vector.shape_cast %get3A_84 : vector<4xf32> to vector<4x1x1xf32>
    %get3A_86 = arith.constant 0 : index
    %get3A_87 = arith.constant 0 : index
    %get3A_88 = arith.constant 0 : index
    %get3A_89 = vector.load %arg2[%get3A_86, %get3A_87, %get3A_88] : memref<4x128x128xf32, #tpu.memory_space<vmem>>, vector<4x128x128xf32>
    %mul3A_90 = vector.broadcast %broadcast_in_dim3A_85 : vector<4x1x1xf32> to vector<4x128x128xf32>
    %mul3A_91 = arith.mulf %mul3A_90, %get3A_89 : vector<4x128x128xf32>
    %reduce_sum3A_92 = arith.constant dense<0.000000e+00> : vector<128x128xf32>
    %reduce_sum3A_93 = vector.multi_reduction <add>, %mul3A_91, %reduce_sum3A_92 [0] : vector<4x128x128xf32> to vector<128x128xf32>
    %dot_general3A_94 = arith.constant dense<0.000000e+00> : vector<1000x128xf32>
    %dot_general3A_95 = tpu.matmul %get3A_1, %reduce_sum3A_93, %dot_general3A_94 {dimension_numbers = #tpu.dot_dimension_numbers<[1], [0], [0], [1], [0, 0, 1, 1], [], []>, transpose_lhs_hint = false} : vector<1000x128xf32>, vector<128x128xf32>, vector<1000x128xf32> -> vector<1000x128xf32>
    %swap3A_96 = arith.constant 4 : index
    %swap3A_97 = arith.constant 0 : index
    %swap3A_98 = arith.constant 0 : index
    %swap3A_99 = vector.load %arg4[%swap3A_96, %swap3A_97, %swap3A_98] : memref<8x1000x128xf32, #tpu.memory_space<vmem>>, vector<1x1000x128xf32>
    %swap3A_100 = vector.shape_cast %swap3A_99 : vector<1x1000x128xf32> to vector<1000x128xf32>
    %swap3A_101 = vector.shape_cast %dot_general3A_95 : vector<1000x128xf32> to vector<1x1000x128xf32>
    tpu.vector_store %arg4[%swap3A_96, %swap3A_97, %swap3A_98], %swap3A_101 {strides = array<i32>} : memref<8x1000x128xf32, #tpu.memory_space<vmem>>, vector<1x1000x128xf32>,
    %get3A_102 = arith.constant 5 : index
    %get3A_103 = arith.constant 0 : index
    %get3A_104 = vector.load %arg1[%get3A_102, %get3A_103] : memref<8x4xf32, #tpu.memory_space<vmem>>, vector<1x4xf32>
    %get3A_105 = vector.shape_cast %get3A_104 : vector<1x4xf32> to vector<4xf32>
    %broadcast_in_dim3A_106 = vector.shape_cast %get3A_105 : vector<4xf32> to vector<4x1x1xf32>
    %get3A_107 = arith.constant 0 : index
    %get3A_108 = arith.constant 0 : index
    %get3A_109 = arith.constant 0 : index
    %get3A_110 = vector.load %arg2[%get3A_107, %get3A_108, %get3A_109] : memref<4x128x128xf32, #tpu.memory_space<vmem>>, vector<4x128x128xf32>
    %mul3A_111 = vector.broadcast %broadcast_in_dim3A_106 : vector<4x1x1xf32> to vector<4x128x128xf32>
    %mul3A_112 = arith.mulf %mul3A_111, %get3A_110 : vector<4x128x128xf32>
    %reduce_sum3A_113 = arith.constant dense<0.000000e+00> : vector<128x128xf32>
    %reduce_sum3A_114 = vector.multi_reduction <add>, %mul3A_112, %reduce_sum3A_113 [0] : vector<4x128x128xf32> to vector<128x128xf32>
    %dot_general3A_115 = arith.constant dense<0.000000e+00> : vector<1000x128xf32>
    %dot_general3A_116 = tpu.matmul %get3A_1, %reduce_sum3A_114, %dot_general3A_115 {dimension_numbers = #tpu.dot_dimension_numbers<[1], [0], [0], [1], [0, 0, 1, 1], [], []>, transpose_lhs_hint = false} : vector<1000x128xf32>, vector<128x128xf32>, vector<1000x128xf32> -> vector<1000x128xf32>
    %swap3A_117 = arith.constant 5 : index
    %swap3A_118 = arith.constant 0 : index
    %swap3A_119 = arith.constant 0 : index
    %swap3A_120 = vector.load %arg4[%swap3A_117, %swap3A_118, %swap3A_119] : memref<8x1000x128xf32, #tpu.memory_space<vmem>>, vector<1x1000x128xf32>
    %swap3A_121 = vector.shape_cast %swap3A_120 : vector<1x1000x128xf32> to vector<1000x128xf32>
    %swap3A_122 = vector.shape_cast %dot_general3A_116 : vector<1000x128xf32> to vector<1x1000x128xf32>
    tpu.vector_store %arg4[%swap3A_117, %swap3A_118, %swap3A_119], %swap3A_122 {strides = array<i32>} : memref<8x1000x128xf32, #tpu.memory_space<vmem>>, vector<1x1000x128xf32>,
    %get3A_123 = arith.constant 6 : index
    %get3A_124 = arith.constant 0 : index
    %get3A_125 = vector.load %arg1[%get3A_123, %get3A_124] : memref<8x4xf32, #tpu.memory_space<vmem>>, vector<1x4xf32>
    %get3A_126 = vector.shape_cast %get3A_125 : vector<1x4xf32> to vector<4xf32>
    %broadcast_in_dim3A_127 = vector.shape_cast %get3A_126 : vector<4xf32> to vector<4x1x1xf32>
    %get3A_128 = arith.constant 0 : index
    %get3A_129 = arith.constant 0 : index
    %get3A_130 = arith.constant 0 : index
    %get3A_131 = vector.load %arg2[%get3A_128, %get3A_129, %get3A_130] : memref<4x128x128xf32, #tpu.memory_space<vmem>>, vector<4x128x128xf32>
    %mul3A_132 = vector.broadcast %broadcast_in_dim3A_127 : vector<4x1x1xf32> to vector<4x128x128xf32>
    %mul3A_133 = arith.mulf %mul3A_132, %get3A_131 : vector<4x128x128xf32>
    %reduce_sum3A_134 = arith.constant dense<0.000000e+00> : vector<128x128xf32>
    %reduce_sum3A_135 = vector.multi_reduction <add>, %mul3A_133, %reduce_sum3A_134 [0] : vector<4x128x128xf32> to vector<128x128xf32>
    %dot_general3A_136 = arith.constant dense<0.000000e+00> : vector<1000x128xf32>
    %dot_general3A_137 = tpu.matmul %get3A_1, %reduce_sum3A_135, %dot_general3A_136 {dimension_numbers = #tpu.dot_dimension_numbers<[1], [0], [0], [1], [0, 0, 1, 1], [], []>, transpose_lhs_hint = false} : vector<1000x128xf32>, vector<128x128xf32>, vector<1000x128xf32> -> vector<1000x128xf32>
    %swap3A_138 = arith.constant 6 : index
    %swap3A_139 = arith.constant 0 : index
    %swap3A_140 = arith.constant 0 : index
    %swap3A_141 = vector.load %arg4[%swap3A_138, %swap3A_139, %swap3A_140] : memref<8x1000x128xf32, #tpu.memory_space<vmem>>, vector<1x1000x128xf32>
    %swap3A_142 = vector.shape_cast %swap3A_141 : vector<1x1000x128xf32> to vector<1000x128xf32>
    %swap3A_143 = vector.shape_cast %dot_general3A_137 : vector<1000x128xf32> to vector<1x1000x128xf32>
    tpu.vector_store %arg4[%swap3A_138, %swap3A_139, %swap3A_140], %swap3A_143 {strides = array<i32>} : memref<8x1000x128xf32, #tpu.memory_space<vmem>>, vector<1x1000x128xf32>,
    %get3A_144 = arith.constant 7 : index
    %get3A_145 = arith.constant 0 : index
    %get3A_146 = vector.load %arg1[%get3A_144, %get3A_145] : memref<8x4xf32, #tpu.memory_space<vmem>>, vector<1x4xf32>
    %get3A_147 = vector.shape_cast %get3A_146 : vector<1x4xf32> to vector<4xf32>
    %broadcast_in_dim3A_148 = vector.shape_cast %get3A_147 : vector<4xf32> to vector<4x1x1xf32>
    %get3A_149 = arith.constant 0 : index
    %get3A_150 = arith.constant 0 : index
    %get3A_151 = arith.constant 0 : index
    %get3A_152 = vector.load %arg2[%get3A_149, %get3A_150, %get3A_151] : memref<4x128x128xf32, #tpu.memory_space<vmem>>, vector<4x128x128xf32>
    %mul3A_153 = vector.broadcast %broadcast_in_dim3A_148 : vector<4x1x1xf32> to vector<4x128x128xf32>
    %mul3A_154 = arith.mulf %mul3A_153, %get3A_152 : vector<4x128x128xf32>
    %reduce_sum3A_155 = arith.constant dense<0.000000e+00> : vector<128x128xf32>
    %reduce_sum3A_156 = vector.multi_reduction <add>, %mul3A_154, %reduce_sum3A_155 [0] : vector<4x128x128xf32> to vector<128x128xf32>
    %dot_general3A_157 = arith.constant dense<0.000000e+00> : vector<1000x128xf32>
    %dot_general3A_158 = tpu.matmul %get3A_1, %reduce_sum3A_156, %dot_general3A_157 {dimension_numbers = #tpu.dot_dimension_numbers<[1], [0], [0], [1], [0, 0, 1, 1], [], []>, transpose_lhs_hint = false} : vector<1000x128xf32>, vector<128x128xf32>, vector<1000x128xf32> -> vector<1000x128xf32>
    %swap3A_159 = arith.constant 7 : index
    %swap3A_160 = arith.constant 0 : index
    %swap3A_161 = arith.constant 0 : index
    %swap3A_162 = vector.load %arg4[%swap3A_159, %swap3A_160, %swap3A_161] : memref<8x1000x128xf32, #tpu.memory_space<vmem>>, vector<1x1000x128xf32>
    %swap3A_163 = vector.shape_cast %swap3A_162 : vector<1x1000x128xf32> to vector<1000x128xf32>
    %swap3A_164 = vector.shape_cast %dot_general3A_158 : vector<1000x128xf32> to vector<1x1000x128xf32>
    tpu.vector_store %arg4[%swap3A_159, %swap3A_160, %swap3A_161], %swap3A_164 {strides = array<i32>} : memref<8x1000x128xf32, #tpu.memory_space<vmem>>, vector<1x1000x128xf32>,
    return
  }
  func.func @transform_0(%arg0: i32) -> (i32, i32) {
    %c0_i32 = arith.constant 0 : i32
    %c0_i32_0 = arith.constant 0 : i32
    %c0_i32_1 = arith.constant 0 : i32
    return %c0_i32, %c0_i32_0 : i32, i32
  }
  func.func @transform_1(%arg0: i32) -> (i32, i32, i32) {
    %c0_i32 = arith.constant 0 : i32
    %c0_i32_0 = arith.constant 0 : i32
    %c0_i32_1 = arith.constant 0 : i32
    %c0_i32_2 = arith.constant 0 : i32
    return %c0_i32, %c0_i32_0, %c0_i32_1 : i32, i32, i32
  }
  func.func @transform_2(%arg0: i32) -> (i32, i32) {
    %c0_i32 = arith.constant 0 : i32
    %c0_i32_0 = arith.constant 0 : i32
    return %arg0, %c0_i32 : i32, i32
  }
  func.func @transform_3(%arg0: i32) -> (i32, i32, i32) {
    %c0_i32 = arith.constant 0 : i32
    %c0_i32_0 = arith.constant 0 : i32
    %c0_i32_1 = arith.constant 0 : i32
    return %c0_i32, %arg0, %c0_i32_0 : i32, i32, i32
  }
}

module attributes {stable_mosaic.version = 14 : i64} {
  func.func @body(%arg0: i32, %arg1: memref<2x2048x128xf32, #tpu.memory_space<vmem>>, %arg2: memref<32x2048xf32, #tpu.memory_space<vmem>>, %arg3: memref<2048x128xf32, #tpu.memory_space<vmem>>) attributes {dimension_semantics = [#tpu.dimension_semantics<arbitrary>], iteration_bounds = array<i64: 5>, scalar_prefetch = 0 : i64, scratch_operands = 0 : i64, tpu.core_type = #tpu.core_type<tc>, window_params = [{transform_indices = @transform_0, window_bounds = array<i64: 2, 2048, 128>}, {transform_indices = @transform_1, window_bounds = array<i64: 32, 2048>}, {transform_indices = @transform_2, window_bounds = array<i64: 2048, 128>}]} {
    %get3A = arith.constant 0 : index
    %get3A_0 = arith.constant 0 : index
    %get3A_1 = vector.load %arg2[%get3A, %get3A_0] : memref<32x2048xf32, #tpu.memory_space<vmem>>, vector<32x2048xf32>
    %reduce_sum3A = arith.constant dense<0.000000e+00> : vector<2048xf32>
    %reduce_sum3A_2 = vector.multi_reduction <add>, %get3A_1, %reduce_sum3A [0] : vector<32x2048xf32> to vector<2048xf32>
    %broadcast_in_dim3A = vector.shape_cast %reduce_sum3A_2 : vector<2048xf32> to vector<2048x1xf32>
    %max3A = arith.constant 1.000000e+00 : f32
    %max3A_3 = vector.broadcast %max3A : f32 to vector<2048x1xf32>
    %max3A_4 = arith.maximumf %broadcast_in_dim3A, %max3A_3 : vector<2048x1xf32>
    %div3A = arith.constant 1.000000e+00 : f32
    %div3A_5 = vector.broadcast %div3A : f32 to vector<2048x1xf32>
    %div3A_6 = arith.divf %div3A_5, %max3A_4 : vector<2048x1xf32>
    %get3A_7 = arith.constant 0 : index
    %get3A_8 = arith.constant 0 : index
    %get3A_9 = arith.constant 0 : index
    %get3A_10 = vector.load %arg1[%get3A_7, %get3A_8, %get3A_9] : memref<2x2048x128xf32, #tpu.memory_space<vmem>>, vector<1x2048x128xf32>
    %get3A_11 = vector.shape_cast %get3A_10 : vector<1x2048x128xf32> to vector<2048x128xf32>
    %get3A_12 = arith.constant 1 : index
    %get3A_13 = arith.constant 0 : index
    %get3A_14 = arith.constant 0 : index
    %get3A_15 = vector.load %arg1[%get3A_12, %get3A_13, %get3A_14] : memref<2x2048x128xf32, #tpu.memory_space<vmem>>, vector<1x2048x128xf32>
    %get3A_16 = vector.shape_cast %get3A_15 : vector<1x2048x128xf32> to vector<2048x128xf32>
    %add3A = arith.addf %get3A_11, %get3A_16 : vector<2048x128xf32>
    %mul3A = vector.broadcast %div3A_6 : vector<2048x1xf32> to vector<2048x128xf32>
    %mul3A_17 = arith.mulf %add3A, %mul3A : vector<2048x128xf32>
    %max3A_18 = arith.constant 0.000000e+00 : f32
    %max3A_19 = vector.broadcast %max3A_18 : f32 to vector<2048x128xf32>
    %max3A_20 = arith.maximumf %mul3A_17, %max3A_19 : vector<2048x128xf32>
    %swap3A = arith.constant 0 : index
    %swap3A_21 = arith.constant 0 : index
    %swap3A_22 = vector.load %arg3[%swap3A, %swap3A_21] : memref<2048x128xf32, #tpu.memory_space<vmem>>, vector<2048x128xf32>
    tpu.vector_store %arg3[%swap3A, %swap3A_21], %max3A_20 {strides = array<i32>} : memref<2048x128xf32, #tpu.memory_space<vmem>>, vector<2048x128xf32>,
    return
  }
  func.func @transform_0(%arg0: i32) -> (i32, i32, i32) {
    %c0_i32 = arith.constant 0 : i32
    %c0_i32_0 = arith.constant 0 : i32
    %c0_i32_1 = arith.constant 0 : i32
    return %c0_i32, %arg0, %c0_i32_0 : i32, i32, i32
  }
  func.func @transform_1(%arg0: i32) -> (i32, i32) {
    %c0_i32 = arith.constant 0 : i32
    %c0_i32_0 = arith.constant 0 : i32
    return %c0_i32, %arg0 : i32, i32
  }
  func.func @transform_2(%arg0: i32) -> (i32, i32) {
    %c0_i32 = arith.constant 0 : i32
    %c0_i32_0 = arith.constant 0 : i32
    return %arg0, %c0_i32 : i32, i32
  }
}

</mosaic_0001>

<sc_bundles>
// kernel: kernel.5.cloned.1.call-start
scs
__scs_entry_jumppad:
0x0: {  	(pc) =	sbr.rel $0x88, $3  }
0x1: {  	(tag) =	ssettag $0x0;
	lr =	simm.s32 $0x1  }
0x2: {  	[smem:$0x3F9C] =	sst lr;
	_ =	strace $0xD0000000  }
0x3: {  	_ = 	snop  }
0x4: {  	_ = 	snop  }
0x5: {  	_ = 	snop  }
0x6: {  	_ = 	snop  }
0x7: {  	_ = 	snop  }
__scs_overlays_trampoline_lowered:
0x8: {  	[smem:$0x3FAB] =	sst s0  }
0x9: {  	[smem:$0x3FAC] =	sst s1  }
0xa: {  	[smem:$0x3FAD] =	sst s2  }
0xb: {  	[smem:$0x3FAE] =	sst s3  }
0xc: {  	[smem:$0x3FAF] =	sst s4  }
0xd: {  	[smem:$0x3FB0] =	sst s5  }
0xe: {  	[smem:$0x3FB1] =	sst s6  }
0xf: {  	[smem:$0x3FB2] =	sst s7  }
0x10: {  	[smem:$0x3FB3] =	sst s8  }
0x11: {  	[smem:$0x3FB4] =	sst s9;
	s0 =	simm.s32 @!p0 $0x0  }
0x12: {  	s1 =	sld [smem:$0x3F9A];
	s0 =	simm.s32 @p0 $0x1  }
0x13: {  	[smem:$0x3FB5] =	sst s0;
	s0 =	simm.s32 @!p1 $0x0  }
0x14: {  	s2 =	sld [smem:$0x3F99];
	s0 =	simm.s32 @p1 $0x1  }
0x15: {  	[smem:$0x3FB6] =	sst s0;
	s0 =	simm.s32 @!p2 $0x0  }
0x16: {  	s3 =	sld [smem:$0x3FDB];
	s0 =	simm.s32 @p2 $0x1  }
0x17: {  	s4 =	simm.s32 $0x1BF5;
	[smem:$0x3FB8] =	sst s0  }
0x18: {  	s0 =	sld [smem:$0x3F9B];
	_ =	swait.ge [sflag:s4], $0x0  }
0x19: {  	s7 =	sld [smem:$0x3F9C]  }
0x1a: {  	s8 =	sadd.s32 $0xFFFFE003, lr  }
0x1b: {  	s9 =	sadd.s32 $0xFFFFFEF7, lr;
	s5 =	simm.s32 $0xFFFFFFFF;
	p2 =	slt.u32 s8, $0xFFFFF086  }
0x1c: {  	p1 =	slt.u32 s9, $0xF7A;
	s5 =	simm.s32 @!p2 $0x0  }
0x1d: {  	s5 =	simm.s32 @p1 $0x1;
	p0 =	seq.s32 s7, s2  }
0x1e: {  	s7 =	smul.u32 @!p0 $0xF7A, s2;
	p2 =	seq.s32 @!p0 s5, $0x0  }
0x1f: {  	s9 =	smul.u32 $0xF7A, s1;
	s8 =	simm.s32 @!p0 $0x1BF5;
	p2 =	por !p2, p0  }
0x20: {  	[sflag:s8] =	ssyncset.s32 @!p0 $0xFFFFF086;
	s6 =	sadd.s32 @!p0 s3, s7;
	s7 =	simm.s32 @!p0 $0x108  }
0x21: {  	s3 =	sadd.s32 s3, s9;
	s6 =	sadd.s32 @!p0 $0x88, s6;
	s7 =	simm.s32 @p2 $0x1082  }
0x22: {  	[simem:s7], [sflag:s8] =	dma.local @!p0 [hbm:s6], $0xF7A  }
0x23: {  	s9 =	sor.u32 $0xD0000000, s2;
	s6 =	simm.s32 $0x108;
	_ =	swait.ge @!p0 [sflag:s8], $0x0  }
0x24: {  	s3 =	sadd.s32 $0x88, s3;
	s6 =	simm.s32 @!p1 $0x1082;
	[sflag:s4] =	ssyncset.s32 $0xFFFFF086  }
0x25: {  	[simem:s6], [sflag:s4] =	dma.local [hbm:s3], $0xF7A  }
0x26: {  	[smem:$0x3F9C] =	sst s1;
	(tag) =	ssettag s2;
	_ =	strace s9  }
0x27: {  	s1 =	sld [smem:$0x3FAC]  }
0x28: {  	s2 =	sld [smem:$0x3FAD]  }
0x29: {  	s4 =	sld [smem:$0x3FAF]  }
0x2a: {  	p0 =	seq.s32 s5, $0x0;
	s5 =	sld [smem:$0x3FB0]  }
0x2b: {  	s6 =	sld [smem:$0x3FB1]  }
0x2c: {  	s7 =	sld [smem:$0x3FB2]  }
0x2d: {  	s3 =	simm.s32 $0x108;
	s8 =	sld [smem:$0x3FB3]  }
0x2e: {  	s3 =	simm.s32 @!p0 $0x1082;
	s9 =	sld [smem:$0x3FB4]  }
0x2f: {  	lr =	sadd.s32 s0, s3;
	s0 =	sld [smem:$0x3FAB]  }
0x30: {  	s3 =	sld [smem:$0x3FAE]  }
0x31: {  	[smem:$0x3FB7] =	sst s10  }
0x32: {  	s10 =	sld [smem:$0x3FB5];
	_ =	sdelay $0x3  }
0x33: {  	p0 =	seq.s32 s10, $0x1;
	s10 =	sld [smem:$0x3FB7];
	_ =	sdelay $0x3  }
0x34: {  	[smem:$0x3FB7] =	sst s10  }
0x35: {  	s10 =	sld [smem:$0x3FB6];
	_ =	sdelay $0x3  }
0x36: {  	p1 =	seq.s32 s10, $0x1;
	s10 =	sld [smem:$0x3FB7];
	_ =	sdelay $0x3  }
0x37: {  	[smem:$0x3FB7] =	sst s10  }
0x38: {  	s10 =	sld [smem:$0x3FB8]  }
0x39: {  	_ = 	snop;
	(pc) =	sbr.ind lr, $3  }
0x3a: {  	_ = 	snop  }
0x3b: {  	_ = 	snop  }
0x3c: {  	p2 =	seq.s32 s10, $0x1;
	s10 =	sld [smem:$0x3FB7]  }
0x3d: {  	_ =	shalt  }
0x3e: {  	_ =	shalt  }
0x3f: {  	_ =	shalt  }
0x40: {  	_ =	shalt  }
0x41: {  	_ =	shalt  }
0x42: {  	_ =	shalt  }
0x43: {  	_ =	shalt  }
0x44: {  	_ =	shalt  }
0x45: {  	_ =	shalt  }
0x46: {  	_ =	shalt  }
0x47: {  	_ =	shalt  }
0x48: {  	_ =	shalt  }
0x49: {  	_ =	shalt  }
0x4a: {  	_ =	shalt  }
0x4b: {  	_ =	shalt  }
0x4c: {  	_ =	shalt  }
0x4d: {  	_ =	shalt  }
0x4e: {  	_ =	shalt  }
0x4f: {  	_ =	shalt  }
0x50: {  	_ =	shalt  }
0x51: {  	_ =	shalt  }
0x52: {  	_ =	shalt  }
0x53: {  	_ =	shalt  }
0x54: {  	_ =	shalt  }
0x55: {  	_ =	shalt  }
0x56: {  	_ =	shalt  }
0x57: {  	_ =	shalt  }
0x58: {  	_ =	shalt  }
0x59: {  	_ =	shalt  }
0x5a: {  	_ =	shalt  }
0x5b: {  	_ =	shalt  }
0x5c: {  	_ =	shalt  }
0x5d: {  	_ =	shalt  }
0x5e: {  	_ =	shalt  }
0x5f: {  	_ =	shalt  }
0x60: {  	_ =	shalt  }
0x61: {  	_ =	shalt  }
0x62: {  	_ =	shalt  }
0x63: {  	_ =	shalt  }
0x64: {  	_ =	shalt  }
0x65: {  	_ =	shalt  }
0x66: {  	_ =	shalt  }
0x67: {  	_ =	shalt  }
0x68: {  	_ =	shalt  }
0x69: {  	_ =	shalt  }
0x6a: {  	_ =	shalt  }
0x6b: {  	_ =	shalt  }
0x6c: {  	_ =	shalt  }
0x6d: {  	_ =	shalt  }
0x6e: {  	_ =	shalt  }
0x6f: {  	_ =	shalt  }
0x70: {  	_ =	shalt  }
0x71: {  	_ =	shalt  }
0x72: {  	_ =	shalt  }
0x73: {  	_ =	shalt  }
0x74: {  	_ =	shalt  }
0x75: {  	_ =	shalt  }
0x76: {  	_ =	shalt  }
0x77: {  	_ =	shalt  }
0x78: {  	_ =	shalt  }
0x79: {  	_ =	shalt  }
0x7a: {  	_ =	shalt  }
0x7b: {  	_ =	shalt  }
0x7c: {  	_ =	shalt  }
0x7d: {  	_ =	shalt  }
0x7e: {  	_ =	shalt  }
0x7f: {  	_ =	shalt  }
0x80: {  	_ =	shalt  }
0x81: {  	_ =	shalt  }
0x82: {  	_ =	shalt  }
0x83: {  	_ =	shalt  }
0x84: {  	_ =	shalt  }
0x85: {  	_ =	shalt  }
0x86: {  	_ =	shalt  }
0x87: {  	_ =	shalt  }
.Lfunc_end0:
.L_simem_size_0:
called_computation_lowered:
.L_overlay_start_0:
0x88: {  	s2 =	sld [smem:$0x3FD9]  }
0x89: {  	s3 =	sld [smem:$0x3FFE];
	_ =	sdelay $0x1  }
0x8a: {  	s1 =	srdreg.scid  }
0x8b: {  	s0 =	sand.u32 $0x1, s1  }
0x8c: {  	s17 =	sshll.u32 s0, $0xA;
	s2 =	sadd.s32 s3, s2  }
0x8d: {  	s2 =	sadd.s32 s2, s17  }
0x8e: {  	[smem:$0x3FC3] =	sst s2  }
0x8f: {  	_ = 	snop  }
0x90: {  	s2 =	sld [smem:$0x3FC7]  }
0x91: {  	s18 =	sld [smem:$0x3FD0];
	(tm) =	ssettm $0x1  }
0x92: {  	s4 =	sld [smem:$0x3FFB];
	_ =	sdelay $0x3  }
0x93: {  	_ =	strace s4  }
0x94: {  	s4 =	sld [smem:$0x3FFC];
	_ =	sdelay $0x3  }
0x95: {  	_ =	strace s4  }
0x96: {  	s4 =	sld [smem:$0x3FFD];
	_ =	sdelay $0x3  }
0x97: {  	_ =	strace s4  }
0x98: {  	_ =	strace $0x8FFFFFFF  }
0x99: {  	s19 =	sld [smem:$0x3FDB];
	_ =	sdelay $0x1  }
0x9a: {  	s5 =	simm.s32 $_scs_section_size  }
0x9b: {  	s6 =	simm.s32 $_size__tile_overlayer_lowered;
	s7 =	simm.s32 $_tile_overlayer_lowered  }
0x9c: {  	s22 =	simm.s32 $0x1BFF;
	s21 =	sshll.u32 s7, $0x1;
	s4 =	sadd.s32 s5, s19  }
0x9d: {  	s8 =	simm.s32 $0x0;
	s20 =	sshll.u32 s6, $0x1;
	s6 =	sadd.s32 s21, s4  }
0x9e: {  	[timem:s8], [sflag:s22] =	dma.local [hbm:s6], s20  }
0x9f: {  	_ =	swait.ge [sflag:s22], s20  }
0xa0: {  	s5 =	ssub.s32 $0x0, s20;
	[sflag:s22] =	ssyncset.done $0x0  }
0xa1: {  	[sflag:s22] =	ssyncadd.s32 s5;
	_ =	sdelay $0x1  }
0xa2: {  	s23 =	simm.s32 $0x1B8B  }
0xa3: {  	_ =	swait.ge [sflag:s23], $0x1  }
0xa4: {  	[sflag:s23] =	ssyncset.done $0x0  }
0xa5: {  	s25 =	simm.s32 $0x1B8E;
	s24 =	sld [smem:$0x3FFE];
	[sflag:s23] =	ssyncadd.s32 $0xFFFFFFFF  }
0xa6: {  	s26 =	simm.s32 $execute0_lowered;
	[smem:$0x3FD2] =	sst s25  }
0xa7: {  	s6 =	sshll.u32 s26, $0x1;
	_ =	strace $0x80000046;
	[dreg:$0x1] =	wrdreg $0xFFFFFFFF  }
0xa8: {  	s28 =	simm.s32 $_size_execute0_lowered;
	s4 =	sadd.s32 s4, s6;
	[dreg:$0x0] =	wrdreg $0x0  }
0xa9: {  	s6 =	sshll.u32 s28, $0x1;
	[dreg:$0x2] =	wrdreg s4  }
0xaa: {  	[dreg:$0x3] =	wrdreg s6  }
0xab: {  	[dreg:$0x4] =	wrdreg $0xC0  }
0xac: {  	_ =	task [dreg:s8], $0x5FFFF  }
0xad: {  	[dreg:$0x1] =	wrdreg $0xFFFFFFFF  }
0xae: {  	[dreg:$0x0] =	wrdreg $0x60  }
0xaf: {  	[dreg:$0x2] =	wrdreg s24  }
0xb0: {  	[dreg:$0x3] =	wrdreg s18  }
0xb1: {  	[dreg:$0x4] =	wrdreg s2  }
0xb2: {  	[dreg:$0x5] =	wrdreg $0xBBB00  }
0xb3: {  	[dreg:$0x6] =	wrdreg $0x9  }
0xb4: {  	_ =	task.clear_ibuf [dreg:s8], $0x7FFFF;
	_ =	strace $0x90000046  }
0xb5: {  	s29 =	simm.s32 $0x9;
	_ =	strace $0x80000048  }
0xb6: {  	_ =	swait.ge [sflag:s29], $0x1  }
0xb7: {  	[sflag:s29] =	ssyncadd.s32 $0xFFFFFFFF  }
0xb8: {  	_ =	strace $0x90000048  }
0xb9: {  	_ =	sfence  }
0xba: {  	s30 =	sld [smem:$0x0];
	_ =	sdelay $0x2  }
0xbb: {  	s31 =	sshll.u32 s1, $0xD;
	s1 =	sshrl.u32 s1, $0x2  }
0xbc: {  	s3 =	sand.u32 $0x4000, s31;
	s1 =	sadd.s32 s1, s30  }
0xbd: {  	s0 =	sor.u32 s3, s0;
	s1 =	sshll.u32 s1, $0x11  }
0xbe: {  	s0 =	sor.u32 s1, s0  }
0xbf: {  	s0 =	sadd.s32 $0x8F2B, s0  }
0xc0: {  	[sflag:s0] =	ssyncadd.remote.s32 $0x1  }
0xc1: {  	_ =	sfence.sel $0xFFFF  }
0xc2: {  	[dreg:$0x0] =	wrdreg $0xFFFFFFFF;
	(pc) =	sbr.abs _section_cstart, $3  }
0xc3: {  	[dreg:$0x1] =	wrdreg $0xFFFFFFFF  }
0xc4: {  	_ =	task.clear_ibuf [dreg:s8], $0x2FFFF;
	_ =	strace $0x9FFFFFFF  }
0xc5: {  	(tm) =	ssettm $0x7FFFFFFF  }
tec
execute0_lowered:
.L_overlay_start_1:
0x0: {  	(tag) =	ssettag $0x1  }
0x1: {  	s1 =	rddreg [dreg:$0x0]  }
0x2: {  	s0 =	rddreg [dreg:$0x1]  }
0x3: {  	s6 =	rddreg [dreg:$0x2];
	s14 =	stileid.u32  }
0x4: {  	s2 =	rddreg [dreg:$0x3];
	s5 =	smul.u32 $0x14000, s14  }
0x5: {  	s3 =	srdreg.scid;
	s12 =	smul.u32 $0x50000, s14  }
0x6: {  	s7 =	sand.u32 $0x1, s3;
	s3 =	simm.s32 $0x0;
	s31 =	smul.u32 $0x2710, s14  }
0x7: {  	s4 =	smul.u32 $0x140000, s7;
	s8 =	sshll.u32 s7, $0x4;
	[smem:$0x7FF] =	sst s3  }
0x8: {  	s11 =	ssub.s32 $0x2, s7;
	s7 =	smul.u32 $0x27100, s7;
	s8 =	sor.u32 s14, s8  }
0x9: {  	_ =	strace $0x80000047;
	s13 =	sshrl.u32 s11, $0x1;
	s4 =	sadd.s32 s5, s4  }
0xa: {  	s28 =	sshrl.u32 s12, $0x2;
	s9 =	smul.u32 $0x500, s8;
	s10 =	sshrl.u32 s4, $0x3  }
0xb: {  	s5 =	sadd.s32 s5, s2;
	s4 =	sadd.s32 $0xE00, s1;
	s10 =	sadd.s32 s10, s1  }
0xc: {  	s1 =	sadd.s32 s9, s1;
	s9 =	ssub.s32 s11, s13;
	s11 =	sadd.s32 s28, s2  }
0xd: {  	s7 =	sadd.s32 s31, s7;
	s8 =	smul.u32 $0x2710, s8;
	s29 =	sadd.s32 $0x1400, s11  }
0xe: {  	s21 =	sadd.s32 $0x4E2C8, s7;
	s30 =	sadd.s32 $0x2800, s11;
	[dreg:$0xa] =	wrdreg s29  }
0xf: {  	s22 =	sadd.s32 $0x4E2F0, s7;
	s14 =	sadd.s32 $0x3C00, s11;
	[dreg:$0xb] =	wrdreg s30  }
0x10: {  	s23 =	sadd.s32 $0x4E318, s7;
	s15 =	sadd.s32 $0x5000, s11;
	[dreg:$0xc] =	wrdreg s14  }
0x11: {  	s12 =	sshrl.u32 s21, $0x3;
	s16 =	sadd.s32 $0x6400, s11;
	[dreg:$0xd] =	wrdreg s15  }
0x12: {  	s13 =	sshrl.u32 s22, $0x3;
	s17 =	sadd.s32 $0x7800, s11;
	[dreg:$0xe] =	wrdreg s16  }
0x13: {  	s25 =	sshrl.u32 s23, $0x3;
	s18 =	sadd.s32 $0x8C00, s11;
	[dreg:$0xf] =	wrdreg s17  }
0x14: {  	s28 =	sadd.s32 $0x4E340, s7;
	s19 =	sadd.s32 $0xA000, s11;
	[dreg:$0x10] =	wrdreg s18  }
0x15: {  	s7 =	sadd.s32 $0x4E2A0, s7;
	s20 =	sadd.s32 $0xB400, s11;
	[dreg:$0x11] =	wrdreg s19  }
0x16: {  	s12 =	sadd.s32 s12, s0;
	s24 =	sadd.s32 s13, s0;
	[dreg:$0x12] =	wrdreg s20  }
0x17: {  	s26 =	sadd.s32 s25, s0;
	s31 =	sadd.s32 $0xC800, s11;
	[dreg:$0x5] =	wrdreg s12  }
0x18: {  	s7 =	sshrl.u32 s7, $0x3;
	s21 =	sadd.s32 $0x10400, s11;
	[dreg:$0x6] =	wrdreg s24  }
0x19: {  	s22 =	sadd.s32 $0x11800, s11;
	s23 =	sadd.s32 $0x12C00, s11;
	[dreg:$0x7] =	wrdreg s26  }
0x1a: {  	s25 =	sadd.s32 $0x139600, s1;
	s29 =	sshrl.u32 s8, $0x3;
	[dreg:$0x13] =	wrdreg s31  }
0x1b: {  	s30 =	sshrl.u32 s28, $0x3;
	s15 =	sadd.s32 $0x4E228, s8;
	[dreg:$0x18] =	wrdreg s21  }
0x1c: {  	s8 =	sadd.s32 $0x4E278, s8;
	s19 =	sadd.s32 $0xDC00, s11;
	[dreg:$0x19] =	wrdreg s22  }
0x1d: {  	s20 =	sadd.s32 $0xF000, s11;
	[dreg:$0x1a] =	wrdreg s23;
	s24 =	sadd.s32 $0x143600, s10  }
0x1e: {  	[dreg:$0x1c] =	wrdreg s25;
	s26 =	smax.u32 s9, $0x1;
	s9 =	simm.s32 $0x2710  }
0x1f: {  	s10 =	simm.s32 $0x2EE0;
	s11 =	simm.s32 $0x28;
	s12 =	simm.s32 $0x2F08  }
0x20: {  	s14 =	simm.s32 $0x2F30;
	s21 =	simm.s32 $0x1;
	s22 =	simm.s32 $0x93B0  }
0x21: {  	s23 =	simm.s32 $0x2F80;
	s25 =	simm.s32 $0x0;
	[dreg:$0x16] =	wrdreg s19  }
0x22: {  	s16 =	sadd.s32 s6, s29;
	s13 =	sadd.s32 s30, s0;
	[dreg:$0x17] =	wrdreg s20  }
0x23: {  	s17 =	sadd.s32 s0, s29;
	s6 =	sshrl.u32 s15, $0x3;
	[dreg:$0x1b] =	wrdreg s24  }
0x24: {  	s18 =	sshrl.u32 s8, $0x3;
	[dreg:$0x1d] =	wrdreg s26;
	s8 =	simm.s32 $0x3  }
0x25: {  	s15 =	simm.s32 $0x57B0;
	[dreg:$0x8] =	wrdreg s13;
	s6 =	sadd.s32 s0, s6  }
0x26: {  	s19 =	simm.s32 $0x6BB0;
	s28 =	sadd.s32 $0xFA, s16;
	[dreg:$0x14] =	wrdreg s6  }
0x27: {  	s20 =	simm.s32 $0x2;
	s29 =	sadd.s32 $0x1F4, s16;
	[dreg:$0x1e] =	wrdreg s28  }
0x28: {  	s24 =	simm.s32 $0x7FB0;
	s30 =	sadd.s32 $0x2EE, s16;
	[dreg:$0x1f] =	wrdreg s29  }
0x29: {  	s31 =	sadd.s32 $0x3E8, s16;
	s1 =	sadd.s32 $0x9C40, s17;
	[smem:$0x7FC] =	sst s30  }
0x2a: {  	s13 =	simm.s32 $0x43B0;
	s6 =	sadd.s32 s0, s18;
	[smem:$0x7FD] =	sst s31  }
0x2b: {  	s0 =	sadd.s32 s7, s0;
	s7 =	simm.s32 $0x2FB0;
	[dreg:$0x15] =	wrdreg s6  }
0x2c: {  	v0 =	vimm.f32 $0.0e+00;
	v1 =	vimm.f32 $1.000000000e+00;
	s18 =	simm.s32 $0x2F58;
	[dreg:$0x9] =	wrdreg s0;
	s6 =	sadd.s32 $0x9C4A, s17  }
.LBB2_1:
0x2d: {  	s26 =	simm.s32 $0x0;
	s28 =	simm.s32 $0x0  }
.LBB2_2:
0x2e: {  	p0 =	sne.s32 s28, $0x4FC0  }
.Ltmp0:
0x2f: {  	_ = 	snop;
	(pc) =	sbr.rel @p0 .LBB2_2-.Ltmp0, $4  }
0x30: {  	s29 =	sand.u32 $0x7E00, s28  }
0x31: {  	s30 =	sand.u32 $0x70, s26;
	s29 =	sshrl.u32 s29, $0x2  }
0x32: {  	s29 =	sor.u32 s30, s29  }
0x33: {  	s26 =	sadd.s32 $0x10, s26;
	s28 =	sadd.s32 $0x40, s28;
	[tilespmem:s29+$0x2FB0] =	vst v0  }
0x34: {  	s26 =	simm.s32 $0x40;
	s28 =	simm.s32 $0x0  }
.LBB2_4:
0x35: {  	p0 =	sne.s32 s26, $0x9FC0;
	[tilespmem:s28+$0x93B0] =	vst v0;
	s28 =	smov.u32 s26;
	s26 =	sadd.s32 $0x40, s26  }
.Ltmp1:
0x36: {  	(pc) =	sbr.rel @p0 .LBB2_4-.Ltmp1, $2  }
0x37: {  	_ =	sdelay $0x2  }
0x38: {  	s28 =	sshra.s32 s28, $0x2  }
0x39: {  	[tilespmem:s28+$0x93B0] =	vst v0  }
0x3a: {  	[spmem:s5] =	stream.linear.scatter [tilespmem:s7], [sflag:$0x3], $0x1400, $0x38;
	[tilespmem:$0x1FBB0] =	vst v63  }
0x3b: {  	_ =	swait.ge [sflag:s8], $0x1400  }
0x3c: {  	[sflag:s8] =	ssyncset.done $0x0  }
0x3d: {  	s0 =	rddreg [dreg:$0xa];
	[sflag:s8] =	ssyncadd.s32 $0xFFFFEC00  }
0x3e: {  	[spmem:s0] =	stream.linear.scatter [tilespmem:s7], [sflag:$0x3], $0x1400, $0x38;
	[tilespmem:$0x1FBB0] =	vst v63  }
0x3f: {  	_ =	swait.ge [sflag:s8], $0x1400  }
0x40: {  	[sflag:s8] =	ssyncset.done $0x0  }
0x41: {  	s30 =	rddreg [dreg:$0xb];
	[sflag:s8] =	ssyncadd.s32 $0xFFFFEC00  }
0x42: {  	[spmem:s30] =	stream.linear.scatter [tilespmem:s7], [sflag:$0x3], $0x1400, $0x38;
	[tilespmem:$0x1FBB0] =	vst v63  }
0x43: {  	_ =	swait.ge [sflag:s8], $0x1400  }
0x44: {  	[sflag:s8] =	ssyncset.done $0x0  }
0x45: {  	s31 =	rddreg [dreg:$0xc];
	[sflag:s8] =	ssyncadd.s32 $0xFFFFEC00  }
0x46: {  	[spmem:s31] =	stream.linear.scatter [tilespmem:s7], [sflag:$0x3], $0x1400, $0x38;
	[tilespmem:$0x1FBB0] =	vst v63  }
0x47: {  	_ =	swait.ge [sflag:s8], $0x1400  }
0x48: {  	[sflag:s8] =	ssyncset.done $0x0  }
0x49: {  	s26 =	rddreg [dreg:$0xd];
	[sflag:s8] =	ssyncadd.s32 $0xFFFFEC00  }
0x4a: {  	[spmem:s26] =	stream.linear.scatter [tilespmem:s7], [sflag:$0x3], $0x1400, $0x38;
	[tilespmem:$0x1FBB0] =	vst v63  }
0x4b: {  	_ =	swait.ge [sflag:s8], $0x1400  }
0x4c: {  	[sflag:s8] =	ssyncset.done $0x0  }
0x4d: {  	s30 =	rddreg [dreg:$0xe];
	[sflag:s8] =	ssyncadd.s32 $0xFFFFEC00  }
0x4e: {  	[spmem:s30] =	stream.linear.scatter [tilespmem:s7], [sflag:$0x3], $0x1400, $0x38;
	[tilespmem:$0x1FBB0] =	vst v63  }
0x4f: {  	_ =	swait.ge [sflag:s8], $0x1400  }
0x50: {  	[sflag:s8] =	ssyncset.done $0x0  }
0x51: {  	s31 =	rddreg [dreg:$0xf];
	[sflag:s8] =	ssyncadd.s32 $0xFFFFEC00  }
0x52: {  	[spmem:s31] =	stream.linear.scatter [tilespmem:s7], [sflag:$0x3], $0x1400, $0x38;
	[tilespmem:$0x1FBB0] =	vst v63  }
0x53: {  	_ =	swait.ge [sflag:s8], $0x1400  }
0x54: {  	[sflag:s8] =	ssyncset.done $0x0  }
0x55: {  	s26 =	rddreg [dreg:$0x10];
	[sflag:s8] =	ssyncadd.s32 $0xFFFFEC00  }
0x56: {  	[spmem:s26] =	stream.linear.scatter [tilespmem:s7], [sflag:$0x3], $0x1400, $0x38;
	[tilespmem:$0x1FBB0] =	vst v63  }
0x57: {  	_ =	swait.ge [sflag:s8], $0x1400  }
0x58: {  	[sflag:s8] =	ssyncset.done $0x0  }
0x59: {  	s30 =	rddreg [dreg:$0x11];
	[sflag:s8] =	ssyncadd.s32 $0xFFFFEC00  }
0x5a: {  	[spmem:s30] =	stream.linear.scatter [tilespmem:s7], [sflag:$0x3], $0x1400, $0x38;
	[tilespmem:$0x1FBB0] =	vst v63  }
0x5b: {  	_ =	swait.ge [sflag:s8], $0x1400  }
0x5c: {  	[sflag:s8] =	ssyncset.done $0x0  }
0x5d: {  	s31 =	rddreg [dreg:$0x12];
	[sflag:s8] =	ssyncadd.s32 $0xFFFFEC00  }
0x5e: {  	[spmem:s31] =	stream.linear.scatter [tilespmem:s7], [sflag:$0x3], $0x1400, $0x38;
	[tilespmem:$0x1FBB0] =	vst v63  }
0x5f: {  	_ =	swait.ge [sflag:s8], $0x1400  }
0x60: {  	[sflag:s8] =	ssyncset.done $0x0  }
0x61: {  	s26 =	rddreg [dreg:$0x13];
	[sflag:s8] =	ssyncadd.s32 $0xFFFFEC00  }
0x62: {  	[spmem:s26] =	stream.linear.scatter [tilespmem:s7], [sflag:$0x3], $0x1400, $0x38;
	[tilespmem:$0x1FBB0] =	vst v63  }
0x63: {  	_ =	swait.ge [sflag:s8], $0x1400  }
0x64: {  	[sflag:s8] =	ssyncset.done $0x0  }
0x65: {  	s30 =	rddreg [dreg:$0x16];
	[sflag:s8] =	ssyncadd.s32 $0xFFFFEC00  }
0x66: {  	[spmem:s30] =	stream.linear.scatter [tilespmem:s7], [sflag:$0x3], $0x1400, $0x38;
	[tilespmem:$0x1FBB0] =	vst v63  }
0x67: {  	_ =	swait.ge [sflag:s8], $0x1400  }
0x68: {  	[sflag:s8] =	ssyncset.done $0x0  }
0x69: {  	s31 =	rddreg [dreg:$0x17];
	[sflag:s8] =	ssyncadd.s32 $0xFFFFEC00  }
0x6a: {  	[spmem:s31] =	stream.linear.scatter [tilespmem:s7], [sflag:$0x3], $0x1400, $0x38;
	[tilespmem:$0x1FBB0] =	vst v63  }
0x6b: {  	_ =	swait.ge [sflag:s8], $0x1400  }
0x6c: {  	[sflag:s8] =	ssyncset.done $0x0  }
0x6d: {  	s26 =	rddreg [dreg:$0x18];
	[sflag:s8] =	ssyncadd.s32 $0xFFFFEC00  }
0x6e: {  	[spmem:s26] =	stream.linear.scatter [tilespmem:s7], [sflag:$0x3], $0x1400, $0x38;
	[tilespmem:$0x1FBB0] =	vst v63  }
0x6f: {  	_ =	swait.ge [sflag:s8], $0x1400  }
0x70: {  	[sflag:s8] =	ssyncset.done $0x0  }
0x71: {  	s30 =	rddreg [dreg:$0x19];
	[sflag:s8] =	ssyncadd.s32 $0xFFFFEC00  }
0x72: {  	[spmem:s30] =	stream.linear.scatter [tilespmem:s7], [sflag:$0x3], $0x1400, $0x38;
	[tilespmem:$0x1FBB0] =	vst v63  }
0x73: {  	_ =	swait.ge [sflag:s8], $0x1400  }
0x74: {  	[sflag:s8] =	ssyncset.done $0x0  }
0x75: {  	s31 =	rddreg [dreg:$0x1a];
	[sflag:s8] =	ssyncadd.s32 $0xFFFFEC00  }
0x76: {  	[spmem:s31] =	stream.linear.scatter [tilespmem:s7], [sflag:$0x3], $0x1400, $0x38;
	[tilespmem:$0x1FBB0] =	vst v63  }
0x77: {  	_ =	swait.ge [sflag:s8], $0x1400  }
0x78: {  	[sflag:s8] =	ssyncset.done $0x0  }
0x79: {  	s26 =	simm.s32 $0x0;
	[sflag:s8] =	ssyncadd.s32 $0xFFFFEC00  }
0x7a: {  	[tilespmem:s26], [sflag:$0x3] =	stream.linear.gather [hbm4b:s17+s26], $0x2710, $0x38;
	[tilespmem:$0x1FBB0] =	vst v63  }
0x7b: {  	_ =	swait.ge [sflag:s8], $0x2710  }
0x7c: {  	[sflag:s8] =	ssyncset.done $0x0  }
0x7d: {  	[sflag:s8] =	ssyncadd.s32 $0xFFFFD8F0  }
0x7e: {  	[tilespmem:s9], [sflag:$0x3] =	stream.linear.gather [hbm4b:s16+s26], $0x7D0, $0x38;
	[tilespmem:$0x1FBB0] =	vst v63  }
0x7f: {  	_ =	swait.ge [sflag:s8], $0x7D0  }
0x80: {  	[sflag:s8] =	ssyncset.done $0x0  }
0x81: {  	s26 =	simm.s32 $0x0;
	[sflag:s8] =	ssyncadd.s32 $0xFFFFF830  }
0x82: {  	v3 =	vld [tilespmem:s26+$0x2710];
	_ =	sdelay $0x1  }
0x83: {  	v2 =	vld [tilespmem:s26+$0x0];
	_ =	sdelay $0x2  }
0x84: {  	v3 =	vmul.u32 $0x2710, v3  }
0x85: {  	s28 =	simm.s32 $0x10;
	s29 =	simm.s32 $0x80  }
.LBB2_6:
0x86: {  	p0 =	sne.s32 s29, $0x1F00;
	v4 =	vld [tilespmem:s28+$0x2710];
	v2 =	vadd.s32 v2, v3  }
0x87: {  	[tilespmem:s26+$0x0] =	vst v2;
	s26 =	smov.u32 s28  }
.Ltmp2:
0x88: {  	v2 =	vld [tilespmem:s26+$0x0];
	(pc) =	sbr.rel @p0 .LBB2_6-.Ltmp2, $3  }
0x89: {  	_ =	sdelay $0x1  }
0x8a: {  	v3 =	vmul.u32 $0x2710, v4  }
0x8b: {  	s28 =	sshra.s32 s29, $0x2;
	s29 =	sadd.s32 $0x40, s29  }
0x8c: {  	v4 =	vld [tilespmem:s28+$0x2710];
	v2 =	vadd.s32 v2, v3  }
0x8d: {  	[tilespmem:s26+$0x0] =	vst v2  }
0x8e: {  	v2 =	vld [tilespmem:s28+$0x0];
	_ =	sdelay $0x2  }
0x8f: {  	v3 =	vmul.u32 $0x2710, v4;
	_ =	sdelay $0x1  }
0x90: {  	v2 =	vadd.s32 v2, v3  }
0x91: {  	s31 =	simm.s32 $0x0;
	s0 =	rddreg [dreg:$0x1e];
	[tilespmem:s28+$0x0] =	vst v2  }
0x92: {  	[tilespmem:s9], [sflag:$0x3] =	stream.linear.gather [hbm4b:s0+s31], $0x7D0, $0x38;
	[tilespmem:$0x1FBB0] =	vst v63  }
0x93: {  	_ =	swait.ge [sflag:s8], $0x7D0  }
0x94: {  	[sflag:s8] =	ssyncset.done $0x0  }
0x95: {  	s26 =	simm.s32 $0x0;
	[sflag:s8] =	ssyncadd.s32 $0xFFFFF830  }
0x96: {  	v3 =	vld [tilespmem:s26+$0x2710];
	_ =	sdelay $0x1  }
0x97: {  	v2 =	vld [tilespmem:s26+$0x7D0];
	_ =	sdelay $0x2  }
0x98: {  	v3 =	vmul.u32 $0x2710, v3  }
0x99: {  	s29 =	simm.s32 $0x80;
	s28 =	simm.s32 $0x10  }
.LBB2_8:
0x9a: {  	p0 =	sne.s32 s29, $0x1F00;
	v4 =	vld [tilespmem:s28+$0x2710];
	v2 =	vadd.s32 v2, v3  }
0x9b: {  	[tilespmem:s26+$0x7D0] =	vst v2;
	s26 =	smov.u32 s28  }
.Ltmp3:
0x9c: {  	v2 =	vld [tilespmem:s26+$0x7D0];
	(pc) =	sbr.rel @p0 .LBB2_8-.Ltmp3, $3  }
0x9d: {  	_ =	sdelay $0x1  }
0x9e: {  	v3 =	vmul.u32 $0x2710, v4  }
0x9f: {  	s28 =	sshra.s32 s29, $0x2;
	s29 =	sadd.s32 $0x40, s29  }
0xa0: {  	v4 =	vld [tilespmem:s28+$0x2710];
	v2 =	vadd.s32 v2, v3  }
0xa1: {  	[tilespmem:s26+$0x7D0] =	vst v2  }
0xa2: {  	v2 =	vld [tilespmem:s28+$0x7D0];
	_ =	sdelay $0x2  }
0xa3: {  	v3 =	vmul.u32 $0x2710, v4;
	_ =	sdelay $0x1  }
0xa4: {  	v2 =	vadd.s32 v2, v3  }
0xa5: {  	s31 =	simm.s32 $0x0;
	s0 =	rddreg [dreg:$0x1f];
	[tilespmem:s28+$0x7D0] =	vst v2  }
0xa6: {  	[tilespmem:s9], [sflag:$0x3] =	stream.linear.gather [hbm4b:s0+s31], $0x7D0, $0x38;
	[tilespmem:$0x1FBB0] =	vst v63  }
0xa7: {  	_ =	swait.ge [sflag:s8], $0x7D0  }
0xa8: {  	[sflag:s8] =	ssyncset.done $0x0  }
0xa9: {  	s26 =	simm.s32 $0x0;
	[sflag:s8] =	ssyncadd.s32 $0xFFFFF830  }
0xaa: {  	v3 =	vld [tilespmem:s26+$0x2710];
	_ =	sdelay $0x1  }
0xab: {  	v2 =	vld [tilespmem:s26+$0xFA0];
	_ =	sdelay $0x2  }
0xac: {  	v3 =	vmul.u32 $0x2710, v3  }
0xad: {  	s29 =	simm.s32 $0x80;
	s28 =	simm.s32 $0x10  }
.LBB2_10:
0xae: {  	p0 =	sne.s32 s29, $0x1F00;
	v4 =	vld [tilespmem:s28+$0x2710];
	v2 =	vadd.s32 v2, v3  }
0xaf: {  	[tilespmem:s26+$0xFA0] =	vst v2;
	s26 =	smov.u32 s28  }
.Ltmp4:
0xb0: {  	v2 =	vld [tilespmem:s26+$0xFA0];
	(pc) =	sbr.rel @p0 .LBB2_10-.Ltmp4, $3  }
0xb1: {  	_ =	sdelay $0x1  }
0xb2: {  	v3 =	vmul.u32 $0x2710, v4  }
0xb3: {  	s28 =	sshra.s32 s29, $0x2;
	s29 =	sadd.s32 $0x40, s29  }
0xb4: {  	v4 =	vld [tilespmem:s28+$0x2710];
	v2 =	vadd.s32 v2, v3  }
0xb5: {  	[tilespmem:s26+$0xFA0] =	vst v2  }
0xb6: {  	v2 =	vld [tilespmem:s28+$0xFA0];
	_ =	sdelay $0x2  }
0xb7: {  	v3 =	vmul.u32 $0x2710, v4  }
0xb8: {  	s0 =	sld [smem:$0x7FC]  }
0xb9: {  	v2 =	vadd.s32 v2, v3  }
0xba: {  	s31 =	simm.s32 $0x0;
	[tilespmem:s28+$0xFA0] =	vst v2  }
0xbb: {  	[tilespmem:s9], [sflag:$0x3] =	stream.linear.gather [hbm4b:s0+s31], $0x7D0, $0x38;
	[tilespmem:$0x1FBB0] =	vst v63  }
0xbc: {  	_ =	swait.ge [sflag:s8], $0x7D0  }
0xbd: {  	[sflag:s8] =	ssyncset.done $0x0  }
0xbe: {  	s26 =	simm.s32 $0x0;
	[sflag:s8] =	ssyncadd.s32 $0xFFFFF830  }
0xbf: {  	v3 =	vld [tilespmem:s26+$0x2710];
	_ =	sdelay $0x1  }
0xc0: {  	v2 =	vld [tilespmem:s26+$0x1770];
	_ =	sdelay $0x2  }
0xc1: {  	v3 =	vmul.u32 $0x2710, v3  }
0xc2: {  	s29 =	simm.s32 $0x80;
	s28 =	simm.s32 $0x10  }
.LBB2_12:
0xc3: {  	p0 =	sne.s32 s29, $0x1F00;
	v4 =	vld [tilespmem:s28+$0x2710];
	v2 =	vadd.s32 v2, v3  }
0xc4: {  	[tilespmem:s26+$0x1770] =	vst v2;
	s26 =	smov.u32 s28  }
.Ltmp5:
0xc5: {  	v2 =	vld [tilespmem:s26+$0x1770];
	(pc) =	sbr.rel @p0 .LBB2_12-.Ltmp5, $3  }
0xc6: {  	_ =	sdelay $0x1  }
0xc7: {  	v3 =	vmul.u32 $0x2710, v4  }
0xc8: {  	s28 =	sshra.s32 s29, $0x2;
	s29 =	sadd.s32 $0x40, s29  }
0xc9: {  	v4 =	vld [tilespmem:s28+$0x2710];
	v2 =	vadd.s32 v2, v3  }
0xca: {  	[tilespmem:s26+$0x1770] =	vst v2  }
0xcb: {  	v2 =	vld [tilespmem:s28+$0x1770];
	_ =	sdelay $0x2  }
0xcc: {  	v3 =	vmul.u32 $0x2710, v4  }
0xcd: {  	s0 =	sld [smem:$0x7FD]  }
0xce: {  	v2 =	vadd.s32 v2, v3  }
0xcf: {  	s31 =	simm.s32 $0x0;
	[tilespmem:s28+$0x1770] =	vst v2  }
0xd0: {  	[tilespmem:s9], [sflag:$0x3] =	stream.linear.gather [hbm4b:s0+s31], $0x7D0, $0x38;
	[tilespmem:$0x1FBB0] =	vst v63  }
0xd1: {  	_ =	swait.ge [sflag:s8], $0x7D0  }
0xd2: {  	[sflag:s8] =	ssyncset.done $0x0  }
0xd3: {  	s26 =	simm.s32 $0x0;
	[sflag:s8] =	ssyncadd.s32 $0xFFFFF830  }
0xd4: {  	v3 =	vld [tilespmem:s26+$0x2710];
	_ =	sdelay $0x1  }
0xd5: {  	v2 =	vld [tilespmem:s26+$0x1F40];
	_ =	sdelay $0x2  }
0xd6: {  	v3 =	vmul.u32 $0x2710, v3  }
0xd7: {  	s29 =	simm.s32 $0x80;
	s28 =	simm.s32 $0x10  }
.LBB2_14:
0xd8: {  	p0 =	sne.s32 s29, $0x1F00;
	v4 =	vld [tilespmem:s28+$0x2710];
	v2 =	vadd.s32 v2, v3  }
0xd9: {  	[tilespmem:s26+$0x1F40] =	vst v2;
	s26 =	smov.u32 s28  }
.Ltmp6:
0xda: {  	v2 =	vld [tilespmem:s26+$0x1F40];
	(pc) =	sbr.rel @p0 .LBB2_14-.Ltmp6, $3  }
0xdb: {  	_ =	sdelay $0x1  }
0xdc: {  	v3 =	vmul.u32 $0x2710, v4  }
0xdd: {  	s28 =	sshra.s32 s29, $0x2;
	s29 =	sadd.s32 $0x40, s29  }
0xde: {  	v4 =	vld [tilespmem:s28+$0x2710];
	v2 =	vadd.s32 v2, v3  }
0xdf: {  	[tilespmem:s26+$0x1F40] =	vst v2  }
0xe0: {  	v2 =	vld [tilespmem:s28+$0x1F40];
	_ =	sdelay $0x2  }
0xe1: {  	v3 =	vmul.u32 $0x2710, v4;
	_ =	sdelay $0x1  }
0xe2: {  	v2 =	vadd.s32 v2, v3  }
0xe3: {  	[tilespmem:s28+$0x1F40] =	vst v2  }
0xe4: {  	s26 =	simm.s32 $0x0;
	[bflag:$0x0] =	sbarrier.arrive $0xFFFF  }
0xe5: {  	[tilespmem:s10], [sflag:$0x2] =	stream.linear.gather [hbm4b:s1+s26], $0x28, $0x38;
	[tilespmem:$0x1FBB0] =	vst v63  }
0xe6: {  	_ = 	snop  }
0xe7: {  	[tilespmem:s7], [sflag:$0x1] =	stream.indirect.gather [hbm4b:s4+s11], $0x80, s26, s11, $0xb8;
	[tilespmem:$0x1FBB0] =	vst v63  }
0xe8: {  	s0 =	rddreg [dreg:$0x14]  }
0xe9: {  	[tilespmem:s12], [sflag:$0x2] =	stream.linear.gather [hbm4b:s0+s26], $0x28, $0x38;
	[tilespmem:$0x1FBB0] =	vst v63  }
0xea: {  	_ = 	snop  }
0xeb: {  	[tilespmem:s13], [sflag:$0x1] =	stream.indirect.gather [hbm4b:s4+s11], $0x80, s11, s11, $0xb8;
	[tilespmem:$0x1FBB0] =	vst v63  }
0xec: {  	_ = 	snop  }
0xed: {  	[tilespmem:s14], [sflag:$0x2] =	stream.linear.gather [hbm4b:s6+s26], $0x28, $0x38;
	[tilespmem:$0x1FBB0] =	vst v63  }
0xee: {  	s29 =	simm.s32 $0x50  }
0xef: {  	[tilespmem:s15], [sflag:$0x1] =	stream.indirect.gather [hbm4b:s4+s11], $0x80, s29, s11, $0xb8;
	[tilespmem:$0x1FBB0] =	vst v63  }
0xf0: {  	s30 =	rddreg [dreg:$0x15]  }
0xf1: {  	[tilespmem:s18], [sflag:$0x2] =	stream.linear.gather [hbm4b:s30+s26], $0x28, $0x38;
	[tilespmem:$0x1FBB0] =	vst v63  }
0xf2: {  	s31 =	simm.s32 $0x78;
	s28 =	simm.s32 $0x140  }
0xf3: {  	[tilespmem:s19], [sflag:$0x1] =	stream.indirect.gather [hbm4b:s4+s11], $0x80, s31, s11, $0xb8;
	[tilespmem:$0x1FBB0] =	vst v63  }
.LBB2_16:
0xf4: {  	_ =	swait.ge [sflag:s20], $0x28  }
0xf5: {  	[sflag:s20] =	ssyncset.done $0x0  }
0xf6: {  	[sflag:s20] =	ssyncadd.s32 $0xFFFFFFD8  }
0xf7: {  	_ =	swait.ge [sflag:s21], $0x1400  }
0xf8: {  	[sflag:s21] =	ssyncset.done $0x0  }
0xf9: {  	[sflag:s21] =	ssyncadd.s32 $0xFFFFEC00  }
0xfa: {  	v2 =	vld [tilespmem:$0x2EE0];
	_ =	sdelay $0x7  }
0xfb: {  	[tilespmem:v2+s22+$0x0] =	vst.idx.add.f32.msk $0xffff, v1  }
0xfc: {  	v2 =	vld [tilespmem:$0x2EF0];
	_ =	sdelay $0x7  }
0xfd: {  	[tilespmem:v2+s22+$0x0] =	vst.idx.add.f32.msk $0xffff, v1  }
0xfe: {  	v2 =	vld [tilespmem:$0x2F00];
	_ =	sdelay $0x6  }
0xff: {  	s29 =	rddreg [dreg:$0x9]  }
0x100: {  	s29 =	sadd.s32 s26, s29;
	[tilespmem:v2+s22+$0x0] =	vst.idx.add.f32.msk $0xff, v1  }
0x101: {  	[tilespmem:s23], [sflag:$0x2] =	stream.linear.gather [hbm4b:s29+s3], $0x28, $0x38;
	[tilespmem:$0x1FBB0] =	vst v63  }
0x102: {  	s31 =	sadd.s32 $0xFFFFFF60, s28  }
0x103: {  	[tilespmem:s24], [sflag:$0x1] =	stream.indirect.gather [hbm4b:s4+s11], $0x80, s31, s11, $0xb8;
	[tilespmem:$0x1FBB0] =	vst v63  }
0x104: {  	_ = 	snop  }
0x105: {  	[spmem:s2] =	stream.indirect.scatter.add.f32 [tilespmem:s7], [sflag:$0x3], $0x80, s10, s11, $0xb8;
	[tilespmem:$0x1FBB0] =	vst v63  }
0x106: {  	_ =	swait.ge [sflag:s8], $0x1400  }
0x107: {  	[sflag:s8] =	ssyncset.done $0x0  }
0x108: {  	[sflag:s8] =	ssyncadd.s32 $0xFFFFEC00  }
0x109: {  	_ =	swait.ge [sflag:s20], $0x28  }
0x10a: {  	[sflag:s20] =	ssyncset.done $0x0  }
0x10b: {  	[sflag:s20] =	ssyncadd.s32 $0xFFFFFFD8  }
0x10c: {  	_ =	swait.ge [sflag:s21], $0x1400  }
0x10d: {  	[sflag:s21] =	ssyncset.done $0x0  }
0x10e: {  	[sflag:s21] =	ssyncadd.s32 $0xFFFFEC00  }
0x10f: {  	v2 =	vld [tilespmem:$0x2F08];
	_ =	sdelay $0x7  }
0x110: {  	[tilespmem:v2+s22+$0x0] =	vst.idx.add.f32.msk $0xffff, v1  }
0x111: {  	v2 =	vld [tilespmem:$0x2F18];
	_ =	sdelay $0x7  }
0x112: {  	[tilespmem:v2+s22+$0x0] =	vst.idx.add.f32.msk $0xffff, v1  }
0x113: {  	v2 =	vld [tilespmem:$0x2F28];
	_ =	sdelay $0x6  }
0x114: {  	p0 =	seq.s32 s26, $0x4C9;
	s29 =	rddreg [dreg:$0x5]  }
0x115: {  	s31 =	simm.s32 @!p0 $0x2EE0;
	s30 =	sadd.s32 @!p0 s26, s29;
	s29 =	simm.s32 @!p0 $0x0;
	[tilespmem:v2+s22+$0x0] =	vst.idx.add.f32.msk $0xff, v1  }
0x116: {  	[tilespmem:s31], [sflag:$0x2] =	stream.linear.gather @!p0 [hbm4b:s30+s29], $0x28, $0x38;
	[tilespmem:$0x1FBB0] =	vst v63  }
0x117: {  	s0 =	simm.s32 @!p0 $0x2FB0;
	s31 =	sadd.s32 @!p0 $0xFFFFFF88, s28;
	s30 =	simm.s32 @!p0 $0x28  }
0x118: {  	[tilespmem:s0], [sflag:$0x1] =	stream.indirect.gather @!p0 [hbm4b:s4+s30], $0x80, s31, s30, $0xb8;
	[tilespmem:$0x1FBB0] =	vst v63  }
0x119: {  	_ = 	snop  }
0x11a: {  	[spmem:s2] =	stream.indirect.scatter.add.f32 [tilespmem:s13], [sflag:$0x3], $0x80, s12, s11, $0xb8;
	[tilespmem:$0x1FBB0] =	vst v63  }
0x11b: {  	_ =	swait.ge [sflag:s8], $0x1400  }
0x11c: {  	[sflag:s8] =	ssyncset.done $0x0  }
0x11d: {  	[sflag:s8] =	ssyncadd.s32 $0xFFFFEC00  }
0x11e: {  	_ =	swait.ge [sflag:s20], $0x28  }
0x11f: {  	[sflag:s20] =	ssyncset.done $0x0  }
0x120: {  	[sflag:s20] =	ssyncadd.s32 $0xFFFFFFD8  }
0x121: {  	_ =	swait.ge [sflag:s21], $0x1400  }
0x122: {  	[sflag:s21] =	ssyncset.done $0x0  }
0x123: {  	[sflag:s21] =	ssyncadd.s32 $0xFFFFEC00  }
0x124: {  	v2 =	vld [tilespmem:$0x2F30];
	_ =	sdelay $0x7  }
0x125: {  	[tilespmem:v2+s22+$0x0] =	vst.idx.add.f32.msk $0xffff, v1  }
0x126: {  	v2 =	vld [tilespmem:$0x2F40];
	_ =	sdelay $0x7  }
0x127: {  	[tilespmem:v2+s22+$0x0] =	vst.idx.add.f32.msk $0xffff, v1  }
0x128: {  	v2 =	vld [tilespmem:$0x2F50];
	_ =	sdelay $0x6  }
0x129: {  	s0 =	rddreg [dreg:$0x6]  }
0x12a: {  	s31 =	simm.s32 @!p0 $0x2F08;
	s0 =	sadd.s32 @!p0 s26, s0;
	[tilespmem:v2+s22+$0x0] =	vst.idx.add.f32.msk $0xff, v1  }
0x12b: {  	[tilespmem:s31], [sflag:$0x2] =	stream.linear.gather @!p0 [hbm4b:s0+s29], $0x28, $0x38;
	[tilespmem:$0x1FBB0] =	vst v63  }
0x12c: {  	s0 =	sadd.s32 @!p0 $0xFFFFFFB0, s28;
	s31 =	simm.s32 @!p0 $0x43B0  }
0x12d: {  	[tilespmem:s31], [sflag:$0x1] =	stream.indirect.gather @!p0 [hbm4b:s4+s30], $0x80, s0, s30, $0xb8;
	[tilespmem:$0x1FBB0] =	vst v63  }
0x12e: {  	_ = 	snop  }
0x12f: {  	[spmem:s2] =	stream.indirect.scatter.add.f32 [tilespmem:s15], [sflag:$0x3], $0x80, s14, s11, $0xb8;
	[tilespmem:$0x1FBB0] =	vst v63  }
0x130: {  	_ =	swait.ge [sflag:s8], $0x1400  }
0x131: {  	[sflag:s8] =	ssyncset.done $0x0  }
0x132: {  	[sflag:s8] =	ssyncadd.s32 $0xFFFFEC00  }
0x133: {  	_ =	swait.ge [sflag:s20], $0x28  }
0x134: {  	[sflag:s20] =	ssyncset.done $0x0  }
0x135: {  	[sflag:s20] =	ssyncadd.s32 $0xFFFFFFD8  }
0x136: {  	_ =	swait.ge [sflag:s21], $0x1400  }
0x137: {  	[sflag:s21] =	ssyncset.done $0x0  }
0x138: {  	[sflag:s21] =	ssyncadd.s32 $0xFFFFEC00  }
0x139: {  	v2 =	vld [tilespmem:$0x2F58];
	_ =	sdelay $0x7  }
0x13a: {  	[tilespmem:v2+s22+$0x0] =	vst.idx.add.f32.msk $0xffff, v1  }
0x13b: {  	v2 =	vld [tilespmem:$0x2F68];
	_ =	sdelay $0x7  }
0x13c: {  	[tilespmem:v2+s22+$0x0] =	vst.idx.add.f32.msk $0xffff, v1  }
0x13d: {  	v2 =	vld [tilespmem:$0x2F78];
	_ =	sdelay $0x6  }
0x13e: {  	s0 =	rddreg [dreg:$0x7]  }
0x13f: {  	s31 =	simm.s32 @!p0 $0x2F30;
	s0 =	sadd.s32 @!p0 s26, s0;
	[tilespmem:v2+s22+$0x0] =	vst.idx.add.f32.msk $0xff, v1  }
0x140: {  	[tilespmem:s31], [sflag:$0x2] =	stream.linear.gather @!p0 [hbm4b:s0+s29], $0x28, $0x38;
	[tilespmem:$0x1FBB0] =	vst v63  }
0x141: {  	s0 =	sadd.s32 @!p0 $0xFFFFFFD8, s28;
	s31 =	simm.s32 @!p0 $0x57B0  }
0x142: {  	[tilespmem:s31], [sflag:$0x1] =	stream.indirect.gather @!p0 [hbm4b:s4+s30], $0x80, s0, s30, $0xb8;
	[tilespmem:$0x1FBB0] =	vst v63  }
0x143: {  	_ = 	snop  }
0x144: {  	[spmem:s2] =	stream.indirect.scatter.add.f32 [tilespmem:s19], [sflag:$0x3], $0x80, s18, s11, $0xb8;
	[tilespmem:$0x1FBB0] =	vst v63  }
0x145: {  	_ =	swait.ge [sflag:s8], $0x1400  }
0x146: {  	[sflag:s8] =	ssyncset.done $0x0  }
0x147: {  	[sflag:s8] =	ssyncadd.s32 $0xFFFFEC00  }
0x148: {  	_ =	swait.ge [sflag:s20], $0x28  }
0x149: {  	[sflag:s20] =	ssyncset.done $0x0  }
0x14a: {  	[sflag:s20] =	ssyncadd.s32 $0xFFFFFFD8  }
0x14b: {  	_ =	swait.ge [sflag:s21], $0x1400  }
0x14c: {  	[sflag:s21] =	ssyncset.done $0x0  }
0x14d: {  	[sflag:s21] =	ssyncadd.s32 $0xFFFFEC00  }
0x14e: {  	v2 =	vld [tilespmem:$0x2F80];
	_ =	sdelay $0x7  }
0x14f: {  	[tilespmem:v2+s22+$0x0] =	vst.idx.add.f32.msk $0xffff, v1  }
0x150: {  	v2 =	vld [tilespmem:$0x2F90];
	_ =	sdelay $0x7  }
0x151: {  	[tilespmem:v2+s22+$0x0] =	vst.idx.add.f32.msk $0xffff, v1  }
0x152: {  	v2 =	vld [tilespmem:$0x2FA0];
	_ =	sdelay $0x6  }
0x153: {  	s0 =	rddreg [dreg:$0x8]  }
0x154: {  	s31 =	simm.s32 @!p0 $0x2F58;
	s0 =	sadd.s32 @!p0 s26, s0;
	[tilespmem:v2+s22+$0x0] =	vst.idx.add.f32.msk $0xff, v1  }
0x155: {  	[tilespmem:s31], [sflag:$0x2] =	stream.linear.gather @!p0 [hbm4b:s0+s29], $0x28, $0x38;
	[tilespmem:$0x1FBB0] =	vst v63  }
0x156: {  	s26 =	sadd.s32 $0x19, s26;
	s0 =	simm.s32 @!p0 $0x6BB0  }
0x157: {  	[tilespmem:s0], [sflag:$0x1] =	stream.indirect.gather @!p0 [hbm4b:s4+s30], $0x80, s28, s30, $0xb8;
	[tilespmem:$0x1FBB0] =	vst v63  }
0x158: {  	p0 =	sne.s32 s26, $0x4E2  }
.Ltmp7:
0x159: {  	_ = 	snop;
	(pc) =	sbr.rel @p0 .LBB2_16-.Ltmp7, $4  }
0x15a: {  	[spmem:s2] =	stream.indirect.scatter.add.f32 [tilespmem:s24], [sflag:$0x3], $0x80, s23, s11, $0xb8;
	[tilespmem:$0x1FBB0] =	vst v63  }
0x15b: {  	_ =	swait.ge [sflag:s8], $0x1400  }
0x15c: {  	[sflag:s8] =	ssyncset.done $0x0  }
0x15d: {  	s28 =	sadd.s32 $0xC8, s28;
	[sflag:s8] =	ssyncadd.s32 $0xFFFFEC00  }
0x15e: {  	s0 =	stileid.u32  }
0x15f: {  	[bflag:$0x0] =	sbarrier.arrive $0xFFFF;
	s0 =	sshll.u32 s0, $0x6  }
0x160: {  	s26 =	sshrl.u32 s5, $0x3;
	s28 =	rddreg [dreg:$0x1b];
	s0 =	sor.u32 $0x1C03, s0  }
0x161: {  	[hbm:s28], [sflag:s0] =	dma.local [spmem:s26], $0x2800  }
0x162: {  	_ =	swait.ge [sflag:s8], $0x2800  }
0x163: {  	[sflag:s8] =	ssyncset.done $0x0  }
0x164: {  	s30 =	rddreg [dreg:$0x1c];
	[sflag:s8] =	ssyncadd.s32 $0xFFFFD800  }
0x165: {  	[hbm4b:s30+s3] =	stream.linear.scatter [tilespmem:s22], [sflag:$0x3], $0x2800, $0x38;
	[tilespmem:$0x1FBB0] =	vst v63  }
0x166: {  	_ =	swait.ge [sflag:s8], $0x2800  }
0x167: {  	s25 =	sadd.s32 $0x1, s25;
	s31 =	rddreg [dreg:$0x1d]  }
0x168: {  	p0 =	sne.s32 s25, s31  }
.Ltmp8:
0x169: {  	_ = 	snop;
	(pc) =	sbr.rel @p0 .LBB2_1-.Ltmp8, $3  }
0x16a: {  	_ =	sdelay $0x1  }
0x16b: {  	[sflag:s8] =	ssyncset.done $0x0  }
0x16c: {  	[sflag:s8] =	ssyncadd.s32 $0xFFFFD800  }
0x16d: {  	_ =	sfence.sel $0x180000  }
0x16e: {  	[bflag:$0x0] =	sbarrier.arrive $0xFFFF  }
0x16f: {  	_ =	strace $0x90000047  }
0x170: {  	s0 =	stileid.u32;
	[bflag:$0x2] =	sbarrier.arrive $0xFFFF  }
0x171: {  	p0 =	sne.s32 s0, $0x0;
	s0 =	rddreg [dreg:$0x4]  }
0x172: {  	s0 =	sadd.s32 @!p0 $0x100000, s0  }
0x173: {  	[sflag:s0] =	ssyncadd.tile.s32 @!p0 $0x1;
	_ =	shalt  }
.Lfunc_end2:
_tile_overlayer_lowered:
.L_overlay_start_2:
0x174: {  	(tag) =	ssettag $0x2  }
0x175: {  	s0 =	rddreg [dreg:$0x0];
	s2 =	stileid.u32  }
0x176: {  	s1 =	rddreg [dreg:$0x1];
	p0 =	sne.s32 s2, $0x0  }
0x177: {  	s3 =	rddreg [dreg:$0x2];
	[bflag:$0x3] =	sbarrier.arrive $0xFFFF;
	s2 =	simm.s32 @!p0 $0x1C03  }
0x178: {  	[timem:s3], [sflag:s2] =	dma.local @!p0 [hbm:s0], s1  }
0x179: {  	s0 =	simm.s32 @!p0 $0x3  }
0x17a: {  	_ =	swait.ge @!p0 [sflag:s0], s1  }
0x17b: {  	s1 =	ssub.s32 @!p0 $0x0, s1;
	[sflag:s0] =	ssyncset.done @!p0 $0x0  }
0x17c: {  	[sflag:s0] =	ssyncadd.s32 @!p0 s1  }
0x17d: {  	[bflag:$0x3] =	sbarrier.arrive $0xFFFF  }
0x17e: {  	_ =	shalt  }

</sc_bundles>
